<compile_context>
chip_gen: v7x
topology: tpu7x:2x2x1
jax: 0.10.2.dev20260603
libtpu: 0.0.44.dev20260713+nightly
codegen_flags: <defaults>
</compile_context>

<pallas_src>
import functools

import jax
import jax.numpy as jnp
from jax import lax
from jax.experimental import pallas as pl
from jax.experimental.pallas import tpu as pltpu
from jax.experimental.pallas import tpu_sc as plsc

VOCAB = 1000000
EMBED = 64
NUM_CLASS = 100
BATCH = 16384
TOTAL = 819200

NC = 2
NS = 16
NW = NC * NS
LANES = 16
VECS = EMBED // LANES
PACKED = 2 * EMBED

CH = 128
P1_PER_W = BATCH // NW
P1_CHUNKS = P1_PER_W // CH
TAIL = TOTAL - BATCH
P2_PER_W = TAIL // NW
P2_CHUNKS = P2_PER_W // CH
GROUPS = P2_CHUNKS // 2
ROW_UNROLL = 8
COUNT_LAST = TOTAL - (BATCH - 1)

PACK_BLK = 16384
MBLK = 2048


def _pack_body(xt_ref, o_ref):
  x = jnp.transpose(xt_ref[...], (1, 0))
  o_ref[...] = jnp.concatenate([x, x], axis=1)


_pack_table = pl.pallas_call(
    _pack_body,
    grid=(pl.cdiv(VOCAB, PACK_BLK),),
    in_specs=[pl.BlockSpec((EMBED, PACK_BLK), lambda i: (0, i))],
    out_specs=pl.BlockSpec((PACK_BLK, PACKED), lambda i: (i, 0)),
    out_shape=jax.ShapeDtypeStruct((VOCAB, PACKED), jnp.float32),
)


def _sc_pool_make():
  mesh = plsc.VectorSubcoreMesh(core_axis_name="c", subcore_axis_name="s")

  @functools.partial(
      pl.kernel,
      mesh=mesh,
      out_type=[
          jax.ShapeDtypeStruct((BATCH, PACKED), jnp.float32),
          jax.ShapeDtypeStruct((NW, PACKED), jnp.float32),
      ],
      scratch_types=[
          pltpu.VMEM((P1_PER_W,), jnp.int32),
          pltpu.VMEM((P2_PER_W,), jnp.int32),
          pltpu.VMEM((CH, PACKED), jnp.float32),
          pltpu.VMEM((CH, PACKED), jnp.float32),
          pltpu.VMEM((CH, PACKED), jnp.float32),
          pltpu.VMEM((CH, PACKED), jnp.float32),
          pltpu.VMEM((CH, PACKED), jnp.float32),
          pltpu.VMEM((CH, PACKED), jnp.float32),
          pltpu.VMEM((PACKED,), jnp.float32),
          pltpu.SemaphoreType.DMA,
          pltpu.SemaphoreType.DMA,
          pltpu.SemaphoreType.DMA,
          pltpu.SemaphoreType.DMA,
          pltpu.SemaphoreType.DMA,
          pltpu.SemaphoreType.DMA,
          pltpu.SemaphoreType.DMA,
          pltpu.SemaphoreType.DMA,
          pltpu.SemaphoreType.DMA,
      ],
  )
  def sc_pool(text_hbm, packed_hbm, pooled_hbm, partial_hbm,
              idx1_v, idx2_v, a0, a1, b0, b1, c0, c1, acc_v,
              sem_i1, sem_i2, sem_a, sem_b, sem_c, sem_d, sem_e, sem_f,
              sem_st):
    wid = lax.axis_index("s") * NC + lax.axis_index("c")

    base1 = pl.multiple_of(wid * P1_PER_W, CH)
    base2 = pl.multiple_of(BATCH + wid * P2_PER_W, CH)

    i1_cp = pltpu.async_copy(text_hbm.at[pl.ds(base1, P1_PER_W)], idx1_v,
                             sem_i1)
    i2_cp = pltpu.async_copy(text_hbm.at[pl.ds(base2, P2_PER_W)], idx2_v,
                             sem_i2)

    i1_cp.wait()
    bufs4 = (a0, a1, b0, b1)
    g_cps = [
        pltpu.async_copy(packed_hbm.at[idx1_v.at[pl.ds(k * CH, CH)]],
                         bufs4[k], sem_a)
        for k in range(P1_CHUNKS)
    ]
    for cp in g_cps:
      cp.wait()
    st_cps = [
        pltpu.async_copy(
            bufs4[k],
            pooled_hbm.at[pl.ds(pl.multiple_of(base1 + k * CH, CH), CH)],
            sem_st)
        for k in range(P1_CHUNKS)
    ]
    for cp in st_cps:
      cp.wait()

    i2_cp.wait()
    zero = jnp.zeros((LANES,), jnp.float32)
    slots = (a0, a1, b0, b1, c0, c1)
    sems = (sem_a, sem_b, sem_c, sem_d, sem_e, sem_f)
    NSLOT = 6

    def fire_chunk(slot, g):
      off = pl.multiple_of(g * CH, CH)
      pltpu.async_copy(packed_hbm.at[idx2_v.at[pl.ds(off, CH)]],
                       slots[slot], sems[slot])

    def drain_chunk(slot):
      pltpu.make_async_copy(packed_hbm.at[pl.ds(0, CH)], slots[slot],
                            sems[slot]).wait()

    def accum_chunk(buf, accs):
      def body(i, accs):
        accs = list(accs)
        for r in range(ROW_UNROLL):
          row = i * ROW_UNROLL + r
          for j in range(VECS):
            accs[j] = accs[j] + buf[row, pl.ds(j * LANES, LANES)]
        return tuple(accs)

      return lax.fori_loop(0, CH // ROW_UNROLL, body, accs)

    for s in range(NSLOT):
      fire_chunk(s, s)

    FULL_ITERS = P2_CHUNKS // NSLOT
    REM = P2_CHUNKS - FULL_ITERS * NSLOT

    def outer(t, accs):
      for s in range(NSLOT):
        drain_chunk(s)
        accs = accum_chunk(slots[s], accs)

        @pl.when(NSLOT * (t + 1) + s < P2_CHUNKS)
        def _():
          fire_chunk(s, NSLOT * (t + 1) + s)
      return accs

    accs = lax.fori_loop(0, FULL_ITERS, outer, (zero,) * VECS)
    for s in range(REM):
      drain_chunk(s)
      accs = accum_chunk(slots[s], accs)
    for j in range(VECS):
      acc_v[pl.ds(j * LANES, LANES)] = accs[j]
      acc_v[pl.ds(EMBED + j * LANES, LANES)] = zero
    pltpu.sync_copy(acc_v, partial_hbm.at[wid])

  return sc_pool


_sc_pool = _sc_pool_make()


def _tc_head_body(pooled_ref, partial_ref, wt_ref, b_ref, out_ref):
  pid = pl.program_id(0)
  rows = pooled_ref[...][:, :EMBED]
  extra = jnp.sum(partial_ref[...][:, :EMBED], axis=0, keepdims=True)
  rowid = lax.broadcasted_iota(jnp.int32, (MBLK, 1), 0) + pid * MBLK
  is_last = rowid == (BATCH - 1)
  rows = rows + jnp.where(is_last, 1.0, 0.0) * extra
  rows = rows * jnp.where(is_last, 1.0 / COUNT_LAST, 1.0)
  out_ref[...] = (
      jnp.dot(rows, wt_ref[...], preferred_element_type=jnp.float32)
      + b_ref[...]
  )


_tc_head = pl.pallas_call(
    _tc_head_body,
    grid=(BATCH // MBLK,),
    in_specs=[
        pl.BlockSpec((MBLK, PACKED), lambda i: (i, 0)),
        pl.BlockSpec((NW, PACKED), lambda i: (0, 0)),
        pl.BlockSpec((EMBED, NUM_CLASS), lambda i: (0, 0)),
        pl.BlockSpec((1, NUM_CLASS), lambda i: (0, 0)),
    ],
    out_specs=pl.BlockSpec((MBLK, NUM_CLASS), lambda i: (i, 0)),
    out_shape=jax.ShapeDtypeStruct((BATCH, NUM_CLASS), jnp.float32),
)


def kernel(text, offsets, emb_table, W, b):
  del offsets
  packed = _pack_table(emb_table.T)
  pooled, partial = _sc_pool(text, packed)
  return _tc_head(pooled, partial, W.T, b.reshape(1, NUM_CLASS))

# --- scband reference (transcript-rebuilt; emitter-appended) ---
"""Pipeline reference for scband-text-classification-model-39204461477902 (READ-ONLY COPY).

The authoritative reference and input builder live on the scoring server;
editing this copy changes nothing except your own understanding.
"""

import jax, jax.numpy as jnp
import numpy as np

VOCAB = 1000000
EMBED = 64
NUM_CLASS = 100
BATCH = 16384
TOTAL = 819200

def setup_inputs(seed: int = 0) -> dict:
    key = jax.random.key(seed)
    k1, k2, k3 = jax.random.split(key, 3)
    text = jax.random.randint(k1, (TOTAL,), 0, VOCAB, dtype=jnp.int32)
    offsets = jnp.arange(BATCH, dtype=jnp.int32)
    # EmbeddingBag weight: uniform(-0.5, 0.5)
    emb_table = jax.random.uniform(k2, (VOCAB, EMBED), minval=-0.5, maxval=0.5, dtype=jnp.float32)
    # fc: xavier_uniform weight, zero bias
    limit = float(np.sqrt(6.0 / (EMBED + NUM_CLASS)))
    W = jax.random.uniform(k3, (NUM_CLASS, EMBED), minval=-limit, maxval=limit, dtype=jnp.float32)
    b = jnp.zeros((NUM_CLASS,), dtype=jnp.float32)
    return {"text": text, "offsets": offsets, "emb_table": emb_table, "W": W, "b": b}

def reference(text, offsets, emb_table, W, b):
    T = text.shape[0]
    B = offsets.shape[0]
    # map each flat token position to its bag id (offsets are bag starts)
    pos = jnp.arange(T, dtype=offsets.dtype)
    seg = jnp.searchsorted(offsets, pos, side='right') - 1
    gathered = jnp.take(emb_table, text, axis=0)  # [T, EMBED]
    sums = jax.ops.segment_sum(gathered, seg, num_segments=B)
    counts = jax.ops.segment_sum(jnp.ones((T,), dtype=jnp.float32), seg, num_segments=B)
    pooled = sums / jnp.maximum(counts, 1.0)[:, None]  # mean mode
    out = pooled @ W.T + b
    return out

if __name__ == "__main__":
    import jax
    _d = setup_inputs()
    print(jax.jit(kernel)(*tuple(_d.values())))

</pallas_src>

<mosaic_0001>
#map = affine_map<(d0, d1) -> (0)>
#map1 = affine_map<(d0, d1) -> (0, 0)>
module attributes {stable_mosaic.version = 14 : i64} {
  func.func @sc_pool(%arg0: i32, %arg1: i32, %arg2: memref<819200xi32, #tpu.memory_space<hbm>>, %arg3: memref<1000000x128xf32, #tpu.memory_space<hbm>>, %arg4: memref<16384x128xf32, #tpu.memory_space<hbm>>, %arg5: memref<32x128xf32, #tpu.memory_space<hbm>>, %arg6: memref<512xi32, #tpu.memory_space<vmem>>, %arg7: memref<25088xi32, #tpu.memory_space<vmem>>, %arg8: memref<128x128xf32, #tpu.memory_space<vmem>>, %arg9: memref<128x128xf32, #tpu.memory_space<vmem>>, %arg10: memref<128x128xf32, #tpu.memory_space<vmem>>, %arg11: memref<128x128xf32, #tpu.memory_space<vmem>>, %arg12: memref<128x128xf32, #tpu.memory_space<vmem>>, %arg13: memref<128x128xf32, #tpu.memory_space<vmem>>, %arg14: memref<128xf32, #tpu.memory_space<vmem>>, %arg15: memref<!tpu.dma_semaphore, #tpu.memory_space<semaphore_mem>>, %arg16: memref<!tpu.dma_semaphore, #tpu.memory_space<semaphore_mem>>, %arg17: memref<!tpu.dma_semaphore, #tpu.memory_space<semaphore_mem>>, %arg18: memref<!tpu.dma_semaphore, #tpu.memory_space<semaphore_mem>>, %arg19: memref<!tpu.dma_semaphore, #tpu.memory_space<semaphore_mem>>, %arg20: memref<!tpu.dma_semaphore, #tpu.memory_space<semaphore_mem>>, %arg21: memref<!tpu.dma_semaphore, #tpu.memory_space<semaphore_mem>>, %arg22: memref<!tpu.dma_semaphore, #tpu.memory_space<semaphore_mem>>, %arg23: memref<!tpu.dma_semaphore, #tpu.memory_space<semaphore_mem>>) attributes {dimension_semantics = [#tpu.dimension_semantics<core_parallel>, #tpu.dimension_semantics<subcore_parallel>], iteration_bounds = array<i64: 2, 16>, scalar_prefetch = 0 : i64, scratch_operands = 18 : i64, tpu.core_type = #tpu.core_type<sc_vector_subcore>, window_params = [{transform_indices = #map}, {transform_indices = #map1}, {transform_indices = #map1}, {transform_indices = #map1}]} {
    %mul3A = arith.constant 2 : i32
    %mul3A_0 = arith.muli %arg1, %mul3A : i32
    %add3A = arith.addi %mul3A_0, %arg0 : i32
    %mul3A_1 = arith.constant 512 : i32
    %mul3A_2 = arith.muli %add3A, %mul3A_1 : i32
    %multiple_of3A = tpu.assume_multiple %mul3A_2, 128 : i32
    %mul3A_3 = arith.constant 25088 : i32
    %mul3A_4 = arith.muli %add3A, %mul3A_3 : i32
    %add3A_5 = arith.constant 16384 : i32
    %add3A_6 = arith.addi %add3A_5, %mul3A_4 : i32
    %multiple_of3A_7 = tpu.assume_multiple %add3A_6, 128 : i32
    %dma_start3A = tpu.memref_slice %arg2[%multiple_of3A] : memref<819200xi32, #tpu.memory_space<hbm>> -> memref<512xi32, #tpu.memory_space<hbm>>
    %dma_start3A_8 = tpu.memref_slice %arg2[%multiple_of3A] : memref<819200xi32, #tpu.memory_space<hbm>> -> memref<512xi32, #tpu.memory_space<hbm>>
    tpu.enqueue_dma source(%dma_start3A_8 : memref<512xi32, #tpu.memory_space<hbm>>) target(%arg6 : memref<512xi32, #tpu.memory_space<vmem>>) target_semaphore(%arg15 : memref<!tpu.dma_semaphore, #tpu.memory_space<semaphore_mem>>)
    %dma_start3A_9 = tpu.memref_slice %arg2[%multiple_of3A_7] : memref<819200xi32, #tpu.memory_space<hbm>> -> memref<25088xi32, #tpu.memory_space<hbm>>
    %dma_start3A_10 = tpu.memref_slice %arg2[%multiple_of3A_7] : memref<819200xi32, #tpu.memory_space<hbm>> -> memref<25088xi32, #tpu.memory_space<hbm>>
    tpu.enqueue_dma source(%dma_start3A_10 : memref<25088xi32, #tpu.memory_space<hbm>>) target(%arg7 : memref<25088xi32, #tpu.memory_space<vmem>>) target_semaphore(%arg16 : memref<!tpu.dma_semaphore, #tpu.memory_space<semaphore_mem>>)
    %dma_wait3A = tpu.memref_slice %arg2[%multiple_of3A] : memref<819200xi32, #tpu.memory_space<hbm>> -> memref<512xi32, #tpu.memory_space<hbm>>
    %dma_wait3A_11 = tpu.memref_slice %arg2[%multiple_of3A] : memref<819200xi32, #tpu.memory_space<hbm>> -> memref<512xi32, #tpu.memory_space<hbm>>
    tpu.wait_dma2 semaphore(%arg15 : memref<!tpu.dma_semaphore, #tpu.memory_space<semaphore_mem>>) src(%dma_wait3A_11 : memref<512xi32, #tpu.memory_space<hbm>>) dst(%arg6 : memref<512xi32, #tpu.memory_space<vmem>>)
    %dma_start3A_12 = arith.constant 0 : i32
    %dma_start3A_13 = tpu.memref_slice %arg6[%dma_start3A_12] : memref<512xi32, #tpu.memory_space<vmem>> -> memref<128xi32, #tpu.memory_space<vmem>>
    %dma_start3A_14 = arith.constant 0 : i32
    %dma_start3A_15 = arith.constant 0 : i32
    %dma_start3A_16 = tpu.memref_slice %arg3[%dma_start3A_14, %dma_start3A_15] : memref<1000000x128xf32, #tpu.memory_space<hbm>> -> memref<1000000x128xf32, #tpu.memory_space<hbm>>
    tpu.enqueue_indirect_dma source(%dma_start3A_16 : memref<1000000x128xf32, #tpu.memory_space<hbm>>) target(%arg8 : memref<128x128xf32, #tpu.memory_space<vmem>>) offsets(%dma_start3A_13 : memref<128xi32, #tpu.memory_space<vmem>>) semaphore(%arg17 : memref<!tpu.dma_semaphore, #tpu.memory_space<semaphore_mem>>)
    %dma_start3A_17 = arith.constant 128 : i32
    %dma_start3A_18 = tpu.memref_slice %arg6[%dma_start3A_17] : memref<512xi32, #tpu.memory_space<vmem>> -> memref<128xi32, #tpu.memory_space<vmem>>
    %dma_start3A_19 = arith.constant 0 : i32
    %dma_start3A_20 = arith.constant 0 : i32
    %dma_start3A_21 = tpu.memref_slice %arg3[%dma_start3A_19, %dma_start3A_20] : memref<1000000x128xf32, #tpu.memory_space<hbm>> -> memref<1000000x128xf32, #tpu.memory_space<hbm>>
    tpu.enqueue_indirect_dma source(%dma_start3A_21 : memref<1000000x128xf32, #tpu.memory_space<hbm>>) target(%arg9 : memref<128x128xf32, #tpu.memory_space<vmem>>) offsets(%dma_start3A_18 : memref<128xi32, #tpu.memory_space<vmem>>) semaphore(%arg17 : memref<!tpu.dma_semaphore, #tpu.memory_space<semaphore_mem>>)
    %dma_start3A_22 = arith.constant 256 : i32
    %dma_start3A_23 = tpu.memref_slice %arg6[%dma_start3A_22] : memref<512xi32, #tpu.memory_space<vmem>> -> memref<128xi32, #tpu.memory_space<vmem>>
    %dma_start3A_24 = arith.constant 0 : i32
    %dma_start3A_25 = arith.constant 0 : i32
    %dma_start3A_26 = tpu.memref_slice %arg3[%dma_start3A_24, %dma_start3A_25] : memref<1000000x128xf32, #tpu.memory_space<hbm>> -> memref<1000000x128xf32, #tpu.memory_space<hbm>>
    tpu.enqueue_indirect_dma source(%dma_start3A_26 : memref<1000000x128xf32, #tpu.memory_space<hbm>>) target(%arg10 : memref<128x128xf32, #tpu.memory_space<vmem>>) offsets(%dma_start3A_23 : memref<128xi32, #tpu.memory_space<vmem>>) semaphore(%arg17 : memref<!tpu.dma_semaphore, #tpu.memory_space<semaphore_mem>>)
    %dma_start3A_27 = arith.constant 384 : i32
    %dma_start3A_28 = tpu.memref_slice %arg6[%dma_start3A_27] : memref<512xi32, #tpu.memory_space<vmem>> -> memref<128xi32, #tpu.memory_space<vmem>>
    %dma_start3A_29 = arith.constant 0 : i32
    %dma_start3A_30 = arith.constant 0 : i32
    %dma_start3A_31 = tpu.memref_slice %arg3[%dma_start3A_29, %dma_start3A_30] : memref<1000000x128xf32, #tpu.memory_space<hbm>> -> memref<1000000x128xf32, #tpu.memory_space<hbm>>
    tpu.enqueue_indirect_dma source(%dma_start3A_31 : memref<1000000x128xf32, #tpu.memory_space<hbm>>) target(%arg11 : memref<128x128xf32, #tpu.memory_space<vmem>>) offsets(%dma_start3A_28 : memref<128xi32, #tpu.memory_space<vmem>>) semaphore(%arg17 : memref<!tpu.dma_semaphore, #tpu.memory_space<semaphore_mem>>)
    %dma_wait3A_32 = arith.constant 0 : i32
    %dma_wait3A_33 = tpu.memref_slice %arg6[%dma_wait3A_32] : memref<512xi32, #tpu.memory_space<vmem>> -> memref<128xi32, #tpu.memory_space<vmem>>
    %dma_wait3A_34 = arith.constant 0 : i32
    %dma_wait3A_35 = arith.constant 0 : i32
    %dma_wait3A_36 = tpu.memref_slice %arg3[%dma_wait3A_34, %dma_wait3A_35] : memref<1000000x128xf32, #tpu.memory_space<hbm>> -> memref<1000000x128xf32, #tpu.memory_space<hbm>>
    tpu.wait_indirect_dma semaphore(%arg17 : memref<!tpu.dma_semaphore, #tpu.memory_space<semaphore_mem>>) src(%dma_wait3A_36 : memref<1000000x128xf32, #tpu.memory_space<hbm>>) dst(%arg8 : memref<128x128xf32, #tpu.memory_space<vmem>>)
    %dma_wait3A_37 = arith.constant 128 : i32
    %dma_wait3A_38 = tpu.memref_slice %arg6[%dma_wait3A_37] : memref<512xi32, #tpu.memory_space<vmem>> -> memref<128xi32, #tpu.memory_space<vmem>>
    %dma_wait3A_39 = arith.constant 0 : i32
    %dma_wait3A_40 = arith.constant 0 : i32
    %dma_wait3A_41 = tpu.memref_slice %arg3[%dma_wait3A_39, %dma_wait3A_40] : memref<1000000x128xf32, #tpu.memory_space<hbm>> -> memref<1000000x128xf32, #tpu.memory_space<hbm>>
    tpu.wait_indirect_dma semaphore(%arg17 : memref<!tpu.dma_semaphore, #tpu.memory_space<semaphore_mem>>) src(%dma_wait3A_41 : memref<1000000x128xf32, #tpu.memory_space<hbm>>) dst(%arg9 : memref<128x128xf32, #tpu.memory_space<vmem>>)
    %dma_wait3A_42 = arith.constant 256 : i32
    %dma_wait3A_43 = tpu.memref_slice %arg6[%dma_wait3A_42] : memref<512xi32, #tpu.memory_space<vmem>> -> memref<128xi32, #tpu.memory_space<vmem>>
    %dma_wait3A_44 = arith.constant 0 : i32
    %dma_wait3A_45 = arith.constant 0 : i32
    %dma_wait3A_46 = tpu.memref_slice %arg3[%dma_wait3A_44, %dma_wait3A_45] : memref<1000000x128xf32, #tpu.memory_space<hbm>> -> memref<1000000x128xf32, #tpu.memory_space<hbm>>
    tpu.wait_indirect_dma semaphore(%arg17 : memref<!tpu.dma_semaphore, #tpu.memory_space<semaphore_mem>>) src(%dma_wait3A_46 : memref<1000000x128xf32, #tpu.memory_space<hbm>>) dst(%arg10 : memref<128x128xf32, #tpu.memory_space<vmem>>)
    %dma_wait3A_47 = arith.constant 384 : i32
    %dma_wait3A_48 = tpu.memref_slice %arg6[%dma_wait3A_47] : memref<512xi32, #tpu.memory_space<vmem>> -> memref<128xi32, #tpu.memory_space<vmem>>
    %dma_wait3A_49 = arith.constant 0 : i32
    %dma_wait3A_50 = arith.constant 0 : i32
    %dma_wait3A_51 = tpu.memref_slice %arg3[%dma_wait3A_49, %dma_wait3A_50] : memref<1000000x128xf32, #tpu.memory_space<hbm>> -> memref<1000000x128xf32, #tpu.memory_space<hbm>>
    tpu.wait_indirect_dma semaphore(%arg17 : memref<!tpu.dma_semaphore, #tpu.memory_space<semaphore_mem>>) src(%dma_wait3A_51 : memref<1000000x128xf32, #tpu.memory_space<hbm>>) dst(%arg11 : memref<128x128xf32, #tpu.memory_space<vmem>>)
    %add3A_52 = arith.constant 0 : i32
    %add3A_53 = arith.addi %multiple_of3A, %add3A_52 : i32
    %multiple_of3A_54 = tpu.assume_multiple %add3A_53, 128 : i32
    %dma_start3A_55 = arith.constant 0 : i32
    %dma_start3A_56 = tpu.memref_slice %arg4[%multiple_of3A_54, %dma_start3A_55] : memref<16384x128xf32, #tpu.memory_space<hbm>> -> memref<128x128xf32, #tpu.memory_space<hbm>>
    %dma_start3A_57 = arith.constant 0 : i32
    %dma_start3A_58 = tpu.memref_slice %arg4[%multiple_of3A_54, %dma_start3A_57] : memref<16384x128xf32, #tpu.memory_space<hbm>> -> memref<128x128xf32, #tpu.memory_space<hbm>>
    tpu.enqueue_dma source(%arg8 : memref<128x128xf32, #tpu.memory_space<vmem>>) target(%dma_start3A_58 : memref<128x128xf32, #tpu.memory_space<hbm>>) target_semaphore(%arg23 : memref<!tpu.dma_semaphore, #tpu.memory_space<semaphore_mem>>)
    %add3A_59 = arith.constant 128 : i32
    %add3A_60 = arith.addi %multiple_of3A, %add3A_59 : i32
    %multiple_of3A_61 = tpu.assume_multiple %add3A_60, 128 : i32
    %dma_start3A_62 = arith.constant 0 : i32
    %dma_start3A_63 = tpu.memref_slice %arg4[%multiple_of3A_61, %dma_start3A_62] : memref<16384x128xf32, #tpu.memory_space<hbm>> -> memref<128x128xf32, #tpu.memory_space<hbm>>
    %dma_start3A_64 = arith.constant 0 : i32
    %dma_start3A_65 = tpu.memref_slice %arg4[%multiple_of3A_61, %dma_start3A_64] : memref<16384x128xf32, #tpu.memory_space<hbm>> -> memref<128x128xf32, #tpu.memory_space<hbm>>
    tpu.enqueue_dma source(%arg9 : memref<128x128xf32, #tpu.memory_space<vmem>>) target(%dma_start3A_65 : memref<128x128xf32, #tpu.memory_space<hbm>>) target_semaphore(%arg23 : memref<!tpu.dma_semaphore, #tpu.memory_space<semaphore_mem>>)
    %add3A_66 = arith.constant 256 : i32
    %add3A_67 = arith.addi %multiple_of3A, %add3A_66 : i32
    %multiple_of3A_68 = tpu.assume_multiple %add3A_67, 128 : i32
    %dma_start3A_69 = arith.constant 0 : i32
    %dma_start3A_70 = tpu.memref_slice %arg4[%multiple_of3A_68, %dma_start3A_69] : memref<16384x128xf32, #tpu.memory_space<hbm>> -> memref<128x128xf32, #tpu.memory_space<hbm>>
    %dma_start3A_71 = arith.constant 0 : i32
    %dma_start3A_72 = tpu.memref_slice %arg4[%multiple_of3A_68, %dma_start3A_71] : memref<16384x128xf32, #tpu.memory_space<hbm>> -> memref<128x128xf32, #tpu.memory_space<hbm>>
    tpu.enqueue_dma source(%arg10 : memref<128x128xf32, #tpu.memory_space<vmem>>) target(%dma_start3A_72 : memref<128x128xf32, #tpu.memory_space<hbm>>) target_semaphore(%arg23 : memref<!tpu.dma_semaphore, #tpu.memory_space<semaphore_mem>>)
    %add3A_73 = arith.constant 384 : i32
    %add3A_74 = arith.addi %multiple_of3A, %add3A_73 : i32
    %multiple_of3A_75 = tpu.assume_multiple %add3A_74, 128 : i32
    %dma_start3A_76 = arith.constant 0 : i32
    %dma_start3A_77 = tpu.memref_slice %arg4[%multiple_of3A_75, %dma_start3A_76] : memref<16384x128xf32, #tpu.memory_space<hbm>> -> memref<128x128xf32, #tpu.memory_space<hbm>>
    %dma_start3A_78 = arith.constant 0 : i32
    %dma_start3A_79 = tpu.memref_slice %arg4[%multiple_of3A_75, %dma_start3A_78] : memref<16384x128xf32, #tpu.memory_space<hbm>> -> memref<128x128xf32, #tpu.memory_space<hbm>>
    tpu.enqueue_dma source(%arg11 : memref<128x128xf32, #tpu.memory_space<vmem>>) target(%dma_start3A_79 : memref<128x128xf32, #tpu.memory_space<hbm>>) target_semaphore(%arg23 : memref<!tpu.dma_semaphore, #tpu.memory_space<semaphore_mem>>)
    %dma_wait3A_80 = arith.constant 0 : i32
    %dma_wait3A_81 = tpu.memref_slice %arg4[%multiple_of3A_54, %dma_wait3A_80] : memref<16384x128xf32, #tpu.memory_space<hbm>> -> memref<128x128xf32, #tpu.memory_space<hbm>>
    %dma_wait3A_82 = arith.constant 0 : i32
    %dma_wait3A_83 = tpu.memref_slice %arg4[%multiple_of3A_54, %dma_wait3A_82] : memref<16384x128xf32, #tpu.memory_space<hbm>> -> memref<128x128xf32, #tpu.memory_space<hbm>>
    tpu.wait_dma2 semaphore(%arg23 : memref<!tpu.dma_semaphore, #tpu.memory_space<semaphore_mem>>) src(%arg8 : memref<128x128xf32, #tpu.memory_space<vmem>>) dst(%dma_wait3A_83 : memref<128x128xf32, #tpu.memory_space<hbm>>)
    %dma_wait3A_84 = arith.constant 0 : i32
    %dma_wait3A_85 = tpu.memref_slice %arg4[%multiple_of3A_61, %dma_wait3A_84] : memref<16384x128xf32, #tpu.memory_space<hbm>> -> memref<128x128xf32, #tpu.memory_space<hbm>>
    %dma_wait3A_86 = arith.constant 0 : i32
    %dma_wait3A_87 = tpu.memref_slice %arg4[%multiple_of3A_61, %dma_wait3A_86] : memref<16384x128xf32, #tpu.memory_space<hbm>> -> memref<128x128xf32, #tpu.memory_space<hbm>>
    tpu.wait_dma2 semaphore(%arg23 : memref<!tpu.dma_semaphore, #tpu.memory_space<semaphore_mem>>) src(%arg9 : memref<128x128xf32, #tpu.memory_space<vmem>>) dst(%dma_wait3A_87 : memref<128x128xf32, #tpu.memory_space<hbm>>)
    %dma_wait3A_88 = arith.constant 0 : i32
    %dma_wait3A_89 = tpu.memref_slice %arg4[%multiple_of3A_68, %dma_wait3A_88] : memref<16384x128xf32, #tpu.memory_space<hbm>> -> memref<128x128xf32, #tpu.memory_space<hbm>>
    %dma_wait3A_90 = arith.constant 0 : i32
    %dma_wait3A_91 = tpu.memref_slice %arg4[%multiple_of3A_68, %dma_wait3A_90] : memref<16384x128xf32, #tpu.memory_space<hbm>> -> memref<128x128xf32, #tpu.memory_space<hbm>>
    tpu.wait_dma2 semaphore(%arg23 : memref<!tpu.dma_semaphore, #tpu.memory_space<semaphore_mem>>) src(%arg10 : memref<128x128xf32, #tpu.memory_space<vmem>>) dst(%dma_wait3A_91 : memref<128x128xf32, #tpu.memory_space<hbm>>)
    %dma_wait3A_92 = arith.constant 0 : i32
    %dma_wait3A_93 = tpu.memref_slice %arg4[%multiple_of3A_75, %dma_wait3A_92] : memref<16384x128xf32, #tpu.memory_space<hbm>> -> memref<128x128xf32, #tpu.memory_space<hbm>>
    %dma_wait3A_94 = arith.constant 0 : i32
    %dma_wait3A_95 = tpu.memref_slice %arg4[%multiple_of3A_75, %dma_wait3A_94] : memref<16384x128xf32, #tpu.memory_space<hbm>> -> memref<128x128xf32, #tpu.memory_space<hbm>>
    tpu.wait_dma2 semaphore(%arg23 : memref<!tpu.dma_semaphore, #tpu.memory_space<semaphore_mem>>) src(%arg11 : memref<128x128xf32, #tpu.memory_space<vmem>>) dst(%dma_wait3A_95 : memref<128x128xf32, #tpu.memory_space<hbm>>)
    %dma_wait3A_96 = tpu.memref_slice %arg2[%multiple_of3A_7] : memref<819200xi32, #tpu.memory_space<hbm>> -> memref<25088xi32, #tpu.memory_space<hbm>>
    %dma_wait3A_97 = tpu.memref_slice %arg2[%multiple_of3A_7] : memref<819200xi32, #tpu.memory_space<hbm>> -> memref<25088xi32, #tpu.memory_space<hbm>>
    tpu.wait_dma2 semaphore(%arg16 : memref<!tpu.dma_semaphore, #tpu.memory_space<semaphore_mem>>) src(%dma_wait3A_97 : memref<25088xi32, #tpu.memory_space<hbm>>) dst(%arg7 : memref<25088xi32, #tpu.memory_space<vmem>>)
    %broadcast_in_dim3A = arith.constant 0.000000e+00 : f32
    %broadcast_in_dim3A_98 = vector.broadcast %broadcast_in_dim3A : f32 to vector<16xf32>
    %multiple_of3A_99 = arith.constant 0 : i32
    %multiple_of3A_100 = tpu.assume_multiple %multiple_of3A_99, 128 : i32
    %dma_start3A_101 = tpu.memref_slice %arg7[%multiple_of3A_100] : memref<25088xi32, #tpu.memory_space<vmem>> -> memref<128xi32, #tpu.memory_space<vmem>>
    %dma_start3A_102 = arith.constant 0 : i32
    %dma_start3A_103 = arith.constant 0 : i32
    %dma_start3A_104 = tpu.memref_slice %arg3[%dma_start3A_102, %dma_start3A_103] : memref<1000000x128xf32, #tpu.memory_space<hbm>> -> memref<1000000x128xf32, #tpu.memory_space<hbm>>
    tpu.enqueue_indirect_dma source(%dma_start3A_104 : memref<1000000x128xf32, #tpu.memory_space<hbm>>) target(%arg8 : memref<128x128xf32, #tpu.memory_space<vmem>>) offsets(%dma_start3A_101 : memref<128xi32, #tpu.memory_space<vmem>>) semaphore(%arg17 : memref<!tpu.dma_semaphore, #tpu.memory_space<semaphore_mem>>)
    %multiple_of3A_105 = arith.constant 128 : i32
    %multiple_of3A_106 = tpu.assume_multiple %multiple_of3A_105, 128 : i32
    %dma_start3A_107 = tpu.memref_slice %arg7[%multiple_of3A_106] : memref<25088xi32, #tpu.memory_space<vmem>> -> memref<128xi32, #tpu.memory_space<vmem>>
    %dma_start3A_108 = arith.constant 0 : i32
    %dma_start3A_109 = arith.constant 0 : i32
    %dma_start3A_110 = tpu.memref_slice %arg3[%dma_start3A_108, %dma_start3A_109] : memref<1000000x128xf32, #tpu.memory_space<hbm>> -> memref<1000000x128xf32, #tpu.memory_space<hbm>>
    tpu.enqueue_indirect_dma source(%dma_start3A_110 : memref<1000000x128xf32, #tpu.memory_space<hbm>>) target(%arg9 : memref<128x128xf32, #tpu.memory_space<vmem>>) offsets(%dma_start3A_107 : memref<128xi32, #tpu.memory_space<vmem>>) semaphore(%arg18 : memref<!tpu.dma_semaphore, #tpu.memory_space<semaphore_mem>>)
    %multiple_of3A_111 = arith.constant 256 : i32
    %multiple_of3A_112 = tpu.assume_multiple %multiple_of3A_111, 128 : i32
    %dma_start3A_113 = tpu.memref_slice %arg7[%multiple_of3A_112] : memref<25088xi32, #tpu.memory_space<vmem>> -> memref<128xi32, #tpu.memory_space<vmem>>
    %dma_start3A_114 = arith.constant 0 : i32
    %dma_start3A_115 = arith.constant 0 : i32
    %dma_start3A_116 = tpu.memref_slice %arg3[%dma_start3A_114, %dma_start3A_115] : memref<1000000x128xf32, #tpu.memory_space<hbm>> -> memref<1000000x128xf32, #tpu.memory_space<hbm>>
    tpu.enqueue_indirect_dma source(%dma_start3A_116 : memref<1000000x128xf32, #tpu.memory_space<hbm>>) target(%arg10 : memref<128x128xf32, #tpu.memory_space<vmem>>) offsets(%dma_start3A_113 : memref<128xi32, #tpu.memory_space<vmem>>) semaphore(%arg19 : memref<!tpu.dma_semaphore, #tpu.memory_space<semaphore_mem>>)
    %multiple_of3A_117 = arith.constant 384 : i32
    %multiple_of3A_118 = tpu.assume_multiple %multiple_of3A_117, 128 : i32
    %dma_start3A_119 = tpu.memref_slice %arg7[%multiple_of3A_118] : memref<25088xi32, #tpu.memory_space<vmem>> -> memref<128xi32, #tpu.memory_space<vmem>>
    %dma_start3A_120 = arith.constant 0 : i32
    %dma_start3A_121 = arith.constant 0 : i32
    %dma_start3A_122 = tpu.memref_slice %arg3[%dma_start3A_120, %dma_start3A_121] : memref<1000000x128xf32, #tpu.memory_space<hbm>> -> memref<1000000x128xf32, #tpu.memory_space<hbm>>
    tpu.enqueue_indirect_dma source(%dma_start3A_122 : memref<1000000x128xf32, #tpu.memory_space<hbm>>) target(%arg11 : memref<128x128xf32, #tpu.memory_space<vmem>>) offsets(%dma_start3A_119 : memref<128xi32, #tpu.memory_space<vmem>>) semaphore(%arg20 : memref<!tpu.dma_semaphore, #tpu.memory_space<semaphore_mem>>)
    %multiple_of3A_123 = arith.constant 512 : i32
    %multiple_of3A_124 = tpu.assume_multiple %multiple_of3A_123, 128 : i32
    %dma_start3A_125 = tpu.memref_slice %arg7[%multiple_of3A_124] : memref<25088xi32, #tpu.memory_space<vmem>> -> memref<128xi32, #tpu.memory_space<vmem>>
    %dma_start3A_126 = arith.constant 0 : i32
    %dma_start3A_127 = arith.constant 0 : i32
    %dma_start3A_128 = tpu.memref_slice %arg3[%dma_start3A_126, %dma_start3A_127] : memref<1000000x128xf32, #tpu.memory_space<hbm>> -> memref<1000000x128xf32, #tpu.memory_space<hbm>>
    tpu.enqueue_indirect_dma source(%dma_start3A_128 : memref<1000000x128xf32, #tpu.memory_space<hbm>>) target(%arg12 : memref<128x128xf32, #tpu.memory_space<vmem>>) offsets(%dma_start3A_125 : memref<128xi32, #tpu.memory_space<vmem>>) semaphore(%arg21 : memref<!tpu.dma_semaphore, #tpu.memory_space<semaphore_mem>>)
    %multiple_of3A_129 = arith.constant 640 : i32
    %multiple_of3A_130 = tpu.assume_multiple %multiple_of3A_129, 128 : i32
    %dma_start3A_131 = tpu.memref_slice %arg7[%multiple_of3A_130] : memref<25088xi32, #tpu.memory_space<vmem>> -> memref<128xi32, #tpu.memory_space<vmem>>
    %dma_start3A_132 = arith.constant 0 : i32
    %dma_start3A_133 = arith.constant 0 : i32
    %dma_start3A_134 = tpu.memref_slice %arg3[%dma_start3A_132, %dma_start3A_133] : memref<1000000x128xf32, #tpu.memory_space<hbm>> -> memref<1000000x128xf32, #tpu.memory_space<hbm>>
    tpu.enqueue_indirect_dma source(%dma_start3A_134 : memref<1000000x128xf32, #tpu.memory_space<hbm>>) target(%arg13 : memref<128x128xf32, #tpu.memory_space<vmem>>) offsets(%dma_start3A_131 : memref<128xi32, #tpu.memory_space<vmem>>) semaphore(%arg22 : memref<!tpu.dma_semaphore, #tpu.memory_space<semaphore_mem>>)
    %scan3A = arith.constant 0 : i32
    %scan3A_135 = arith.constant 32 : i32
    %scan3A_136 = arith.addi %scan3A, %scan3A_135 : i32
    %scan3A_137 = arith.constant 1 : i32
    %scan3A_138:4 = scf.for %scan3A_219 = %scan3A to %scan3A_136 step %scan3A_137 iter_args(%scan3A_220 = %broadcast_in_dim3A_98, %scan3A_221 = %broadcast_in_dim3A_98, %scan3A_222 = %broadcast_in_dim3A_98, %scan3A_223 = %broadcast_in_dim3A_98) -> (vector<16xf32>, vector<16xf32>, vector<16xf32>, vector<16xf32>)  : i32 {
      %dma_wait3A_224 = arith.constant 0 : i32
      %dma_wait3A_225 = arith.constant 0 : i32
      %dma_wait3A_226 = tpu.memref_slice %arg3[%dma_wait3A_224, %dma_wait3A_225] : memref<1000000x128xf32, #tpu.memory_space<hbm>> -> memref<128x128xf32, #tpu.memory_space<hbm>>
      %dma_wait3A_227 = arith.constant 0 : i32
      %dma_wait3A_228 = arith.constant 0 : i32
      %dma_wait3A_229 = tpu.memref_slice %arg3[%dma_wait3A_227, %dma_wait3A_228] : memref<1000000x128xf32, #tpu.memory_space<hbm>> -> memref<128x128xf32, #tpu.memory_space<hbm>>
      tpu.wait_dma2 semaphore(%arg17 : memref<!tpu.dma_semaphore, #tpu.memory_space<semaphore_mem>>) src(%dma_wait3A_229 : memref<128x128xf32, #tpu.memory_space<hbm>>) dst(%arg8 : memref<128x128xf32, #tpu.memory_space<vmem>>)
      %scan3A_230 = arith.constant 0 : i32
      %scan3A_231 = arith.constant 16 : i32
      %scan3A_232 = arith.addi %scan3A_230, %scan3A_231 : i32
      %scan3A_233 = arith.constant 1 : i32
      %scan3A_234:4 = scf.for %scan3A_359 = %scan3A_230 to %scan3A_232 step %scan3A_233 iter_args(%scan3A_360 = %scan3A_220, %scan3A_361 = %scan3A_221, %scan3A_362 = %scan3A_222, %scan3A_363 = %scan3A_223) -> (vector<16xf32>, vector<16xf32>, vector<16xf32>, vector<16xf32>)  : i32 {
        %mul3A_364 = arith.constant 8 : i32
        %mul3A_365 = arith.muli %scan3A_359, %mul3A_364 : i32
        %add3A_366 = arith.constant 0 : i32
        %add3A_367 = arith.addi %mul3A_365, %add3A_366 : i32
        %get3A = arith.index_cast %add3A_367 : i32 to index
        %get3A_368 = arith.constant 0 : index
        %get3A_369 = tpu.vector_load %arg8[%get3A, %get3A_368] {strides = array<i32>} : memref<128x128xf32, #tpu.memory_space<vmem>>, vector<1x16xf32>,
        %get3A_370 = vector.shape_cast %get3A_369 : vector<1x16xf32> to vector<16xf32>
        %add3A_371 = arith.addf %scan3A_360, %get3A_370 : vector<16xf32>
        %get3A_372 = arith.index_cast %add3A_367 : i32 to index
        %get3A_373 = arith.constant 16 : index
        %get3A_374 = tpu.vector_load %arg8[%get3A_372, %get3A_373] {strides = array<i32>} : memref<128x128xf32, #tpu.memory_space<vmem>>, vector<1x16xf32>,
        %get3A_375 = vector.shape_cast %get3A_374 : vector<1x16xf32> to vector<16xf32>
        %add3A_376 = arith.addf %scan3A_361, %get3A_375 : vector<16xf32>
        %get3A_377 = arith.index_cast %add3A_367 : i32 to index
        %get3A_378 = arith.constant 32 : index
        %get3A_379 = tpu.vector_load %arg8[%get3A_377, %get3A_378] {strides = array<i32>} : memref<128x128xf32, #tpu.memory_space<vmem>>, vector<1x16xf32>,
        %get3A_380 = vector.shape_cast %get3A_379 : vector<1x16xf32> to vector<16xf32>
        %add3A_381 = arith.addf %scan3A_362, %get3A_380 : vector<16xf32>
        %get3A_382 = arith.index_cast %add3A_367 : i32 to index
        %get3A_383 = arith.constant 48 : index
        %get3A_384 = tpu.vector_load %arg8[%get3A_382, %get3A_383] {strides = array<i32>} : memref<128x128xf32, #tpu.memory_space<vmem>>, vector<1x16xf32>,
        %get3A_385 = vector.shape_cast %get3A_384 : vector<1x16xf32> to vector<16xf32>
        %add3A_386 = arith.addf %scan3A_363, %get3A_385 : vector<16xf32>
        %mul3A_387 = arith.constant 8 : i32
        %mul3A_388 = arith.muli %scan3A_359, %mul3A_387 : i32
        %add3A_389 = arith.constant 1 : i32
        %add3A_390 = arith.addi %mul3A_388, %add3A_389 : i32
        %get3A_391 = arith.index_cast %add3A_390 : i32 to index
        %get3A_392 = arith.constant 0 : index
        %get3A_393 = tpu.vector_load %arg8[%get3A_391, %get3A_392] {strides = array<i32>} : memref<128x128xf32, #tpu.memory_space<vmem>>, vector<1x16xf32>,
        %get3A_394 = vector.shape_cast %get3A_393 : vector<1x16xf32> to vector<16xf32>
        %add3A_395 = arith.addf %add3A_371, %get3A_394 : vector<16xf32>
        %get3A_396 = arith.index_cast %add3A_390 : i32 to index
        %get3A_397 = arith.constant 16 : index
        %get3A_398 = tpu.vector_load %arg8[%get3A_396, %get3A_397] {strides = array<i32>} : memref<128x128xf32, #tpu.memory_space<vmem>>, vector<1x16xf32>,
        %get3A_399 = vector.shape_cast %get3A_398 : vector<1x16xf32> to vector<16xf32>
        %add3A_400 = arith.addf %add3A_376, %get3A_399 : vector<16xf32>
        %get3A_401 = arith.index_cast %add3A_390 : i32 to index
        %get3A_402 = arith.constant 32 : index
        %get3A_403 = tpu.vector_load %arg8[%get3A_401, %get3A_402] {strides = array<i32>} : memref<128x128xf32, #tpu.memory_space<vmem>>, vector<1x16xf32>,
        %get3A_404 = vector.shape_cast %get3A_403 : vector<1x16xf32> to vector<16xf32>
        %add3A_405 = arith.addf %add3A_381, %get3A_404 : vector<16xf32>
        %get3A_406 = arith.index_cast %add3A_390 : i32 to index
        %get3A_407 = arith.constant 48 : index
        %get3A_408 = tpu.vector_load %arg8[%get3A_406, %get3A_407] {strides = array<i32>} : memref<128x128xf32, #tpu.memory_space<vmem>>, vector<1x16xf32>,
        %get3A_409 = vector.shape_cast %get3A_408 : vector<1x16xf32> to vector<16xf32>
        %add3A_410 = arith.addf %add3A_386, %get3A_409 : vector<16xf32>
        %mul3A_411 = arith.constant 8 : i32
        %mul3A_412 = arith.muli %scan3A_359, %mul3A_411 : i32
        %add3A_413 = arith.constant 2 : i32
        %add3A_414 = arith.addi %mul3A_412, %add3A_413 : i32
        %get3A_415 = arith.index_cast %add3A_414 : i32 to index
        %get3A_416 = arith.constant 0 : index
        %get3A_417 = tpu.vector_load %arg8[%get3A_415, %get3A_416] {strides = array<i32>} : memref<128x128xf32, #tpu.memory_space<vmem>>, vector<1x16xf32>,
        %get3A_418 = vector.shape_cast %get3A_417 : vector<1x16xf32> to vector<16xf32>
        %add3A_419 = arith.addf %add3A_395, %get3A_418 : vector<16xf32>
        %get3A_420 = arith.index_cast %add3A_414 : i32 to index
        %get3A_421 = arith.constant 16 : index
        %get3A_422 = tpu.vector_load %arg8[%get3A_420, %get3A_421] {strides = array<i32>} : memref<128x128xf32, #tpu.memory_space<vmem>>, vector<1x16xf32>,
        %get3A_423 = vector.shape_cast %get3A_422 : vector<1x16xf32> to vector<16xf32>
        %add3A_424 = arith.addf %add3A_400, %get3A_423 : vector<16xf32>
        %get3A_425 = arith.index_cast %add3A_414 : i32 to index
        %get3A_426 = arith.constant 32 : index
        %get3A_427 = tpu.vector_load %arg8[%get3A_425, %get3A_426] {strides = array<i32>} : memref<128x128xf32, #tpu.memory_space<vmem>>, vector<1x16xf32>,
        %get3A_428 = vector.shape_cast %get3A_427 : vector<1x16xf32> to vector<16xf32>
        %add3A_429 = arith.addf %add3A_405, %get3A_428 : vector<16xf32>
        %get3A_430 = arith.index_cast %add3A_414 : i32 to index
        %get3A_431 = arith.constant 48 : index
        %get3A_432 = tpu.vector_load %arg8[%get3A_430, %get3A_431] {strides = array<i32>} : memref<128x128xf32, #tpu.memory_space<vmem>>, vector<1x16xf32>,
        %get3A_433 = vector.shape_cast %get3A_432 : vector<1x16xf32> to vector<16xf32>
        %add3A_434 = arith.addf %add3A_410, %get3A_433 : vector<16xf32>
        %mul3A_435 = arith.constant 8 : i32
        %mul3A_436 = arith.muli %scan3A_359, %mul3A_435 : i32
        %add3A_437 = arith.constant 3 : i32
        %add3A_438 = arith.addi %mul3A_436, %add3A_437 : i32
        %get3A_439 = arith.index_cast %add3A_438 : i32 to index
        %get3A_440 = arith.constant 0 : index
        %get3A_441 = tpu.vector_load %arg8[%get3A_439, %get3A_440] {strides = array<i32>} : memref<128x128xf32, #tpu.memory_space<vmem>>, vector<1x16xf32>,
        %get3A_442 = vector.shape_cast %get3A_441 : vector<1x16xf32> to vector<16xf32>
        %add3A_443 = arith.addf %add3A_419, %get3A_442 : vector<16xf32>
        %get3A_444 = arith.index_cast %add3A_438 : i32 to index
        %get3A_445 = arith.constant 16 : index
        %get3A_446 = tpu.vector_load %arg8[%get3A_444, %get3A_445] {strides = array<i32>} : memref<128x128xf32, #tpu.memory_space<vmem>>, vector<1x16xf32>,
        %get3A_447 = vector.shape_cast %get3A_446 : vector<1x16xf32> to vector<16xf32>
        %add3A_448 = arith.addf %add3A_424, %get3A_447 : vector<16xf32>
        %get3A_449 = arith.index_cast %add3A_438 : i32 to index
        %get3A_450 = arith.constant 32 : index
        %get3A_451 = tpu.vector_load %arg8[%get3A_449, %get3A_450] {strides = array<i32>} : memref<128x128xf32, #tpu.memory_space<vmem>>, vector<1x16xf32>,
        %get3A_452 = vector.shape_cast %get3A_451 : vector<1x16xf32> to vector<16xf32>
        %add3A_453 = arith.addf %add3A_429, %get3A_452 : vector<16xf32>
        %get3A_454 = arith.index_cast %add3A_438 : i32 to index
        %get3A_455 = arith.constant 48 : index
        %get3A_456 = tpu.vector_load %arg8[%get3A_454, %get3A_455] {strides = array<i32>} : memref<128x128xf32, #tpu.memory_space<vmem>>, vector<1x16xf32>,
        %get3A_457 = vector.shape_cast %get3A_456 : vector<1x16xf32> to vector<16xf32>
        %add3A_458 = arith.addf %add3A_434, %get3A_457 : vector<16xf32>
        %mul3A_459 = arith.constant 8 : i32
        %mul3A_460 = arith.muli %scan3A_359, %mul3A_459 : i32
        %add3A_461 = arith.constant 4 : i32
        %add3A_462 = arith.addi %mul3A_460, %add3A_461 : i32
        %get3A_463 = arith.index_cast %add3A_462 : i32 to index
        %get3A_464 = arith.constant 0 : index
        %get3A_465 = tpu.vector_load %arg8[%get3A_463, %get3A_464] {strides = array<i32>} : memref<128x128xf32, #tpu.memory_space<vmem>>, vector<1x16xf32>,
        %get3A_466 = vector.shape_cast %get3A_465 : vector<1x16xf32> to vector<16xf32>
        %add3A_467 = arith.addf %add3A_443, %get3A_466 : vector<16xf32>
        %get3A_468 = arith.index_cast %add3A_462 : i32 to index
        %get3A_469 = arith.constant 16 : index
        %get3A_470 = tpu.vector_load %arg8[%get3A_468, %get3A_469] {strides = array<i32>} : memref<128x128xf32, #tpu.memory_space<vmem>>, vector<1x16xf32>,
        %get3A_471 = vector.shape_cast %get3A_470 : vector<1x16xf32> to vector<16xf32>
        %add3A_472 = arith.addf %add3A_448, %get3A_471 : vector<16xf32>
        %get3A_473 = arith.index_cast %add3A_462 : i32 to index
        %get3A_474 = arith.constant 32 : index
        %get3A_475 = tpu.vector_load %arg8[%get3A_473, %get3A_474] {strides = array<i32>} : memref<128x128xf32, #tpu.memory_space<vmem>>, vector<1x16xf32>,
        %get3A_476 = vector.shape_cast %get3A_475 : vector<1x16xf32> to vector<16xf32>
        %add3A_477 = arith.addf %add3A_453, %get3A_476 : vector<16xf32>
        %get3A_478 = arith.index_cast %add3A_462 : i32 to index
        %get3A_479 = arith.constant 48 : index
        %get3A_480 = tpu.vector_load %arg8[%get3A_478, %get3A_479] {strides = array<i32>} : memref<128x128xf32, #tpu.memory_space<vmem>>, vector<1x16xf32>,
        %get3A_481 = vector.shape_cast %get3A_480 : vector<1x16xf32> to vector<16xf32>
        %add3A_482 = arith.addf %add3A_458, %get3A_481 : vector<16xf32>
        %mul3A_483 = arith.constant 8 : i32
        %mul3A_484 = arith.muli %scan3A_359, %mul3A_483 : i32
        %add3A_485 = arith.constant 5 : i32
        %add3A_486 = arith.addi %mul3A_484, %add3A_485 : i32
        %get3A_487 = arith.index_cast %add3A_486 : i32 to index
        %get3A_488 = arith.constant 0 : index
        %get3A_489 = tpu.vector_load %arg8[%get3A_487, %get3A_488] {strides = array<i32>} : memref<128x128xf32, #tpu.memory_space<vmem>>, vector<1x16xf32>,
        %get3A_490 = vector.shape_cast %get3A_489 : vector<1x16xf32> to vector<16xf32>
        %add3A_491 = arith.addf %add3A_467, %get3A_490 : vector<16xf32>
        %get3A_492 = arith.index_cast %add3A_486 : i32 to index
        %get3A_493 = arith.constant 16 : index
        %get3A_494 = tpu.vector_load %arg8[%get3A_492, %get3A_493] {strides = array<i32>} : memref<128x128xf32, #tpu.memory_space<vmem>>, vector<1x16xf32>,
        %get3A_495 = vector.shape_cast %get3A_494 : vector<1x16xf32> to vector<16xf32>
        %add3A_496 = arith.addf %add3A_472, %get3A_495 : vector<16xf32>
        %get3A_497 = arith.index_cast %add3A_486 : i32 to index
        %get3A_498 = arith.constant 32 : index
        %get3A_499 = tpu.vector_load %arg8[%get3A_497, %get3A_498] {strides = array<i32>} : memref<128x128xf32, #tpu.memory_space<vmem>>, vector<1x16xf32>,
        %get3A_500 = vector.shape_cast %get3A_499 : vector<1x16xf32> to vector<16xf32>
        %add3A_501 = arith.addf %add3A_477, %get3A_500 : vector<16xf32>
        %get3A_502 = arith.index_cast %add3A_486 : i32 to index
        %get3A_503 = arith.constant 48 : index
        %get3A_504 = tpu.vector_load %arg8[%get3A_502, %get3A_503] {strides = array<i32>} : memref<128x128xf32, #tpu.memory_space<vmem>>, vector<1x16xf32>,
        %get3A_505 = vector.shape_cast %get3A_504 : vector<1x16xf32> to vector<16xf32>
        %add3A_506 = arith.addf %add3A_482, %get3A_505 : vector<16xf32>
        %mul3A_507 = arith.constant 8 : i32
        %mul3A_508 = arith.muli %scan3A_359, %mul3A_507 : i32
        %add3A_509 = arith.constant 6 : i32
        %add3A_510 = arith.addi %mul3A_508, %add3A_509 : i32
        %get3A_511 = arith.index_cast %add3A_510 : i32 to index
        %get3A_512 = arith.constant 0 : index
        %get3A_513 = tpu.vector_load %arg8[%get3A_511, %get3A_512] {strides = array<i32>} : memref<128x128xf32, #tpu.memory_space<vmem>>, vector<1x16xf32>,
        %get3A_514 = vector.shape_cast %get3A_513 : vector<1x16xf32> to vector<16xf32>
        %add3A_515 = arith.addf %add3A_491, %get3A_514 : vector<16xf32>
        %get3A_516 = arith.index_cast %add3A_510 : i32 to index
        %get3A_517 = arith.constant 16 : index
        %get3A_518 = tpu.vector_load %arg8[%get3A_516, %get3A_517] {strides = array<i32>} : memref<128x128xf32, #tpu.memory_space<vmem>>, vector<1x16xf32>,
        %get3A_519 = vector.shape_cast %get3A_518 : vector<1x16xf32> to vector<16xf32>
        %add3A_520 = arith.addf %add3A_496, %get3A_519 : vector<16xf32>
        %get3A_521 = arith.index_cast %add3A_510 : i32 to index
        %get3A_522 = arith.constant 32 : index
        %get3A_523 = tpu.vector_load %arg8[%get3A_521, %get3A_522] {strides = array<i32>} : memref<128x128xf32, #tpu.memory_space<vmem>>, vector<1x16xf32>,
        %get3A_524 = vector.shape_cast %get3A_523 : vector<1x16xf32> to vector<16xf32>
        %add3A_525 = arith.addf %add3A_501, %get3A_524 : vector<16xf32>
        %get3A_526 = arith.index_cast %add3A_510 : i32 to index
        %get3A_527 = arith.constant 48 : index
        %get3A_528 = tpu.vector_load %arg8[%get3A_526, %get3A_527] {strides = array<i32>} : memref<128x128xf32, #tpu.memory_space<vmem>>, vector<1x16xf32>,
        %get3A_529 = vector.shape_cast %get3A_528 : vector<1x16xf32> to vector<16xf32>
        %add3A_530 = arith.addf %add3A_506, %get3A_529 : vector<16xf32>
        %mul3A_531 = arith.constant 8 : i32
        %mul3A_532 = arith.muli %scan3A_359, %mul3A_531 : i32
        %add3A_533 = arith.constant 7 : i32
        %add3A_534 = arith.addi %mul3A_532, %add3A_533 : i32
        %get3A_535 = arith.index_cast %add3A_534 : i32 to index
        %get3A_536 = arith.constant 0 : index
        %get3A_537 = tpu.vector_load %arg8[%get3A_535, %get3A_536] {strides = array<i32>} : memref<128x128xf32, #tpu.memory_space<vmem>>, vector<1x16xf32>,
        %get3A_538 = vector.shape_cast %get3A_537 : vector<1x16xf32> to vector<16xf32>
        %add3A_539 = arith.addf %add3A_515, %get3A_538 : vector<16xf32>
        %get3A_540 = arith.index_cast %add3A_534 : i32 to index
        %get3A_541 = arith.constant 16 : index
        %get3A_542 = tpu.vector_load %arg8[%get3A_540, %get3A_541] {strides = array<i32>} : memref<128x128xf32, #tpu.memory_space<vmem>>, vector<1x16xf32>,
        %get3A_543 = vector.shape_cast %get3A_542 : vector<1x16xf32> to vector<16xf32>
        %add3A_544 = arith.addf %add3A_520, %get3A_543 : vector<16xf32>
        %get3A_545 = arith.index_cast %add3A_534 : i32 to index
        %get3A_546 = arith.constant 32 : index
        %get3A_547 = tpu.vector_load %arg8[%get3A_545, %get3A_546] {strides = array<i32>} : memref<128x128xf32, #tpu.memory_space<vmem>>, vector<1x16xf32>,
        %get3A_548 = vector.shape_cast %get3A_547 : vector<1x16xf32> to vector<16xf32>
        %add3A_549 = arith.addf %add3A_525, %get3A_548 : vector<16xf32>
        %get3A_550 = arith.index_cast %add3A_534 : i32 to index
        %get3A_551 = arith.constant 48 : index
        %get3A_552 = tpu.vector_load %arg8[%get3A_550, %get3A_551] {strides = array<i32>} : memref<128x128xf32, #tpu.memory_space<vmem>>, vector<1x16xf32>,
        %get3A_553 = vector.shape_cast %get3A_552 : vector<1x16xf32> to vector<16xf32>
        %add3A_554 = arith.addf %add3A_530, %get3A_553 : vector<16xf32>
        scf.yield %add3A_539, %add3A_544, %add3A_549, %add3A_554 : vector<16xf32>, vector<16xf32>, vector<16xf32>, vector<16xf32>
      }
      %scan3A_235 = arith.constant 16 : i32
      %add3A_236 = arith.constant 1 : i32
      %add3A_237 = arith.addi %scan3A_219, %add3A_236 : i32
      %mul3A_238 = arith.constant 6 : i32
      %mul3A_239 = arith.muli %mul3A_238, %add3A_237 : i32
      %add3A_240 = arith.constant 0 : i32
      %add3A_241 = arith.addi %mul3A_239, %add3A_240 : i32
      %lt3A = arith.constant 196 : i32
      %lt3A_242 = arith.cmpi slt, %add3A_241, %lt3A : i32
      %convert_element_type3A = arith.extui %lt3A_242 : i1 to i32
      %cond3A = arith.constant 0 : i32
      %cond3A_243 = arith.cmpi ne, %convert_element_type3A, %cond3A : i32
      scf.if %cond3A_243 {
        %add3A_359 = arith.constant 1 : i32
        %add3A_360 = arith.addi %scan3A_219, %add3A_359 : i32
        %mul3A_361 = arith.constant 6 : i32
        %mul3A_362 = arith.muli %mul3A_361, %add3A_360 : i32
        %add3A_363 = arith.constant 0 : i32
        %add3A_364 = arith.addi %mul3A_362, %add3A_363 : i32
        %mul3A_365 = arith.constant 128 : i32
        %mul3A_366 = arith.muli %add3A_364, %mul3A_365 : i32
        %multiple_of3A_367 = tpu.assume_multiple %mul3A_366, 128 : i32
        %dma_start3A_368 = tpu.memref_slice %arg7[%multiple_of3A_367] : memref<25088xi32, #tpu.memory_space<vmem>> -> memref<128xi32, #tpu.memory_space<vmem>>
        %dma_start3A_369 = arith.constant 0 : i32
        %dma_start3A_370 = arith.constant 0 : i32
        %dma_start3A_371 = tpu.memref_slice %arg3[%dma_start3A_369, %dma_start3A_370] : memref<1000000x128xf32, #tpu.memory_space<hbm>> -> memref<1000000x128xf32, #tpu.memory_space<hbm>>
        tpu.enqueue_indirect_dma source(%dma_start3A_371 : memref<1000000x128xf32, #tpu.memory_space<hbm>>) target(%arg8 : memref<128x128xf32, #tpu.memory_space<vmem>>) offsets(%dma_start3A_368 : memref<128xi32, #tpu.memory_space<vmem>>) semaphore(%arg17 : memref<!tpu.dma_semaphore, #tpu.memory_space<semaphore_mem>>)
      } else {
      }
      %dma_wait3A_244 = arith.constant 0 : i32
      %dma_wait3A_245 = arith.constant 0 : i32
      %dma_wait3A_246 = tpu.memref_slice %arg3[%dma_wait3A_244, %dma_wait3A_245] : memref<1000000x128xf32, #tpu.memory_space<hbm>> -> memref<128x128xf32, #tpu.memory_space<hbm>>
      %dma_wait3A_247 = arith.constant 0 : i32
      %dma_wait3A_248 = arith.constant 0 : i32
      %dma_wait3A_249 = tpu.memref_slice %arg3[%dma_wait3A_247, %dma_wait3A_248] : memref<1000000x128xf32, #tpu.memory_space<hbm>> -> memref<128x128xf32, #tpu.memory_space<hbm>>
      tpu.wait_dma2 semaphore(%arg18 : memref<!tpu.dma_semaphore, #tpu.memory_space<semaphore_mem>>) src(%dma_wait3A_249 : memref<128x128xf32, #tpu.memory_space<hbm>>) dst(%arg9 : memref<128x128xf32, #tpu.memory_space<vmem>>)
      %scan3A_250 = arith.constant 0 : i32
      %scan3A_251 = arith.constant 16 : i32
      %scan3A_252 = arith.addi %scan3A_250, %scan3A_251 : i32
      %scan3A_253 = arith.constant 1 : i32
      %scan3A_254:4 = scf.for %scan3A_359 = %scan3A_250 to %scan3A_252 step %scan3A_253 iter_args(%scan3A_360 = %scan3A_234#0, %scan3A_361 = %scan3A_234#1, %scan3A_362 = %scan3A_234#2, %scan3A_363 = %scan3A_234#3) -> (vector<16xf32>, vector<16xf32>, vector<16xf32>, vector<16xf32>)  : i32 {
        %mul3A_364 = arith.constant 8 : i32
        %mul3A_365 = arith.muli %scan3A_359, %mul3A_364 : i32
        %add3A_366 = arith.constant 0 : i32
        %add3A_367 = arith.addi %mul3A_365, %add3A_366 : i32
        %get3A = arith.index_cast %add3A_367 : i32 to index
        %get3A_368 = arith.constant 0 : index
        %get3A_369 = tpu.vector_load %arg9[%get3A, %get3A_368] {strides = array<i32>} : memref<128x128xf32, #tpu.memory_space<vmem>>, vector<1x16xf32>,
        %get3A_370 = vector.shape_cast %get3A_369 : vector<1x16xf32> to vector<16xf32>
        %add3A_371 = arith.addf %scan3A_360, %get3A_370 : vector<16xf32>
        %get3A_372 = arith.index_cast %add3A_367 : i32 to index
        %get3A_373 = arith.constant 16 : index
        %get3A_374 = tpu.vector_load %arg9[%get3A_372, %get3A_373] {strides = array<i32>} : memref<128x128xf32, #tpu.memory_space<vmem>>, vector<1x16xf32>,
        %get3A_375 = vector.shape_cast %get3A_374 : vector<1x16xf32> to vector<16xf32>
        %add3A_376 = arith.addf %scan3A_361, %get3A_375 : vector<16xf32>
        %get3A_377 = arith.index_cast %add3A_367 : i32 to index
        %get3A_378 = arith.constant 32 : index
        %get3A_379 = tpu.vector_load %arg9[%get3A_377, %get3A_378] {strides = array<i32>} : memref<128x128xf32, #tpu.memory_space<vmem>>, vector<1x16xf32>,
        %get3A_380 = vector.shape_cast %get3A_379 : vector<1x16xf32> to vector<16xf32>
        %add3A_381 = arith.addf %scan3A_362, %get3A_380 : vector<16xf32>
        %get3A_382 = arith.index_cast %add3A_367 : i32 to index
        %get3A_383 = arith.constant 48 : index
        %get3A_384 = tpu.vector_load %arg9[%get3A_382, %get3A_383] {strides = array<i32>} : memref<128x128xf32, #tpu.memory_space<vmem>>, vector<1x16xf32>,
        %get3A_385 = vector.shape_cast %get3A_384 : vector<1x16xf32> to vector<16xf32>
        %add3A_386 = arith.addf %scan3A_363, %get3A_385 : vector<16xf32>
        %mul3A_387 = arith.constant 8 : i32
        %mul3A_388 = arith.muli %scan3A_359, %mul3A_387 : i32
        %add3A_389 = arith.constant 1 : i32
        %add3A_390 = arith.addi %mul3A_388, %add3A_389 : i32
        %get3A_391 = arith.index_cast %add3A_390 : i32 to index
        %get3A_392 = arith.constant 0 : index
        %get3A_393 = tpu.vector_load %arg9[%get3A_391, %get3A_392] {strides = array<i32>} : memref<128x128xf32, #tpu.memory_space<vmem>>, vector<1x16xf32>,
        %get3A_394 = vector.shape_cast %get3A_393 : vector<1x16xf32> to vector<16xf32>
        %add3A_395 = arith.addf %add3A_371, %get3A_394 : vector<16xf32>
        %get3A_396 = arith.index_cast %add3A_390 : i32 to index
        %get3A_397 = arith.constant 16 : index
        %get3A_398 = tpu.vector_load %arg9[%get3A_396, %get3A_397] {strides = array<i32>} : memref<128x128xf32, #tpu.memory_space<vmem>>, vector<1x16xf32>,
        %get3A_399 = vector.shape_cast %get3A_398 : vector<1x16xf32> to vector<16xf32>
        %add3A_400 = arith.addf %add3A_376, %get3A_399 : vector<16xf32>
        %get3A_401 = arith.index_cast %add3A_390 : i32 to index
        %get3A_402 = arith.constant 32 : index
        %get3A_403 = tpu.vector_load %arg9[%get3A_401, %get3A_402] {strides = array<i32>} : memref<128x128xf32, #tpu.memory_space<vmem>>, vector<1x16xf32>,
        %get3A_404 = vector.shape_cast %get3A_403 : vector<1x16xf32> to vector<16xf32>
        %add3A_405 = arith.addf %add3A_381, %get3A_404 : vector<16xf32>
        %get3A_406 = arith.index_cast %add3A_390 : i32 to index
        %get3A_407 = arith.constant 48 : index
        %get3A_408 = tpu.vector_load %arg9[%get3A_406, %get3A_407] {strides = array<i32>} : memref<128x128xf32, #tpu.memory_space<vmem>>, vector<1x16xf32>,
        %get3A_409 = vector.shape_cast %get3A_408 : vector<1x16xf32> to vector<16xf32>
        %add3A_410 = arith.addf %add3A_386, %get3A_409 : vector<16xf32>
        %mul3A_411 = arith.constant 8 : i32
        %mul3A_412 = arith.muli %scan3A_359, %mul3A_411 : i32
        %add3A_413 = arith.constant 2 : i32
        %add3A_414 = arith.addi %mul3A_412, %add3A_413 : i32
        %get3A_415 = arith.index_cast %add3A_414 : i32 to index
        %get3A_416 = arith.constant 0 : index
        %get3A_417 = tpu.vector_load %arg9[%get3A_415, %get3A_416] {strides = array<i32>} : memref<128x128xf32, #tpu.memory_space<vmem>>, vector<1x16xf32>,
        %get3A_418 = vector.shape_cast %get3A_417 : vector<1x16xf32> to vector<16xf32>
        %add3A_419 = arith.addf %add3A_395, %get3A_418 : vector<16xf32>
        %get3A_420 = arith.index_cast %add3A_414 : i32 to index
        %get3A_421 = arith.constant 16 : index
        %get3A_422 = tpu.vector_load %arg9[%get3A_420, %get3A_421] {strides = array<i32>} : memref<128x128xf32, #tpu.memory_space<vmem>>, vector<1x16xf32>,
        %get3A_423 = vector.shape_cast %get3A_422 : vector<1x16xf32> to vector<16xf32>
        %add3A_424 = arith.addf %add3A_400, %get3A_423 : vector<16xf32>
        %get3A_425 = arith.index_cast %add3A_414 : i32 to index
        %get3A_426 = arith.constant 32 : index
        %get3A_427 = tpu.vector_load %arg9[%get3A_425, %get3A_426] {strides = array<i32>} : memref<128x128xf32, #tpu.memory_space<vmem>>, vector<1x16xf32>,
        %get3A_428 = vector.shape_cast %get3A_427 : vector<1x16xf32> to vector<16xf32>
        %add3A_429 = arith.addf %add3A_405, %get3A_428 : vector<16xf32>
        %get3A_430 = arith.index_cast %add3A_414 : i32 to index
        %get3A_431 = arith.constant 48 : index
        %get3A_432 = tpu.vector_load %arg9[%get3A_430, %get3A_431] {strides = array<i32>} : memref<128x128xf32, #tpu.memory_space<vmem>>, vector<1x16xf32>,
        %get3A_433 = vector.shape_cast %get3A_432 : vector<1x16xf32> to vector<16xf32>
        %add3A_434 = arith.addf %add3A_410, %get3A_433 : vector<16xf32>
        %mul3A_435 = arith.constant 8 : i32
        %mul3A_436 = arith.muli %scan3A_359, %mul3A_435 : i32
        %add3A_437 = arith.constant 3 : i32
        %add3A_438 = arith.addi %mul3A_436, %add3A_437 : i32
        %get3A_439 = arith.index_cast %add3A_438 : i32 to index
        %get3A_440 = arith.constant 0 : index
        %get3A_441 = tpu.vector_load %arg9[%get3A_439, %get3A_440] {strides = array<i32>} : memref<128x128xf32, #tpu.memory_space<vmem>>, vector<1x16xf32>,
        %get3A_442 = vector.shape_cast %get3A_441 : vector<1x16xf32> to vector<16xf32>
        %add3A_443 = arith.addf %add3A_419, %get3A_442 : vector<16xf32>
        %get3A_444 = arith.index_cast %add3A_438 : i32 to index
        %get3A_445 = arith.constant 16 : index
        %get3A_446 = tpu.vector_load %arg9[%get3A_444, %get3A_445] {strides = array<i32>} : memref<128x128xf32, #tpu.memory_space<vmem>>, vector<1x16xf32>,
        %get3A_447 = vector.shape_cast %get3A_446 : vector<1x16xf32> to vector<16xf32>
        %add3A_448 = arith.addf %add3A_424, %get3A_447 : vector<16xf32>
        %get3A_449 = arith.index_cast %add3A_438 : i32 to index
        %get3A_450 = arith.constant 32 : index
        %get3A_451 = tpu.vector_load %arg9[%get3A_449, %get3A_450] {strides = array<i32>} : memref<128x128xf32, #tpu.memory_space<vmem>>, vector<1x16xf32>,
        %get3A_452 = vector.shape_cast %get3A_451 : vector<1x16xf32> to vector<16xf32>
        %add3A_453 = arith.addf %add3A_429, %get3A_452 : vector<16xf32>
        %get3A_454 = arith.index_cast %add3A_438 : i32 to index
        %get3A_455 = arith.constant 48 : index
        %get3A_456 = tpu.vector_load %arg9[%get3A_454, %get3A_455] {strides = array<i32>} : memref<128x128xf32, #tpu.memory_space<vmem>>, vector<1x16xf32>,
        %get3A_457 = vector.shape_cast %get3A_456 : vector<1x16xf32> to vector<16xf32>
        %add3A_458 = arith.addf %add3A_434, %get3A_457 : vector<16xf32>
        %mul3A_459 = arith.constant 8 : i32
        %mul3A_460 = arith.muli %scan3A_359, %mul3A_459 : i32
        %add3A_461 = arith.constant 4 : i32
        %add3A_462 = arith.addi %mul3A_460, %add3A_461 : i32
        %get3A_463 = arith.index_cast %add3A_462 : i32 to index
        %get3A_464 = arith.constant 0 : index
        %get3A_465 = tpu.vector_load %arg9[%get3A_463, %get3A_464] {strides = array<i32>} : memref<128x128xf32, #tpu.memory_space<vmem>>, vector<1x16xf32>,
        %get3A_466 = vector.shape_cast %get3A_465 : vector<1x16xf32> to vector<16xf32>
        %add3A_467 = arith.addf %add3A_443, %get3A_466 : vector<16xf32>
        %get3A_468 = arith.index_cast %add3A_462 : i32 to index
        %get3A_469 = arith.constant 16 : index
        %get3A_470 = tpu.vector_load %arg9[%get3A_468, %get3A_469] {strides = array<i32>} : memref<128x128xf32, #tpu.memory_space<vmem>>, vector<1x16xf32>,
        %get3A_471 = vector.shape_cast %get3A_470 : vector<1x16xf32> to vector<16xf32>
        %add3A_472 = arith.addf %add3A_448, %get3A_471 : vector<16xf32>
        %get3A_473 = arith.index_cast %add3A_462 : i32 to index
        %get3A_474 = arith.constant 32 : index
        %get3A_475 = tpu.vector_load %arg9[%get3A_473, %get3A_474] {strides = array<i32>} : memref<128x128xf32, #tpu.memory_space<vmem>>, vector<1x16xf32>,
        %get3A_476 = vector.shape_cast %get3A_475 : vector<1x16xf32> to vector<16xf32>
        %add3A_477 = arith.addf %add3A_453, %get3A_476 : vector<16xf32>
        %get3A_478 = arith.index_cast %add3A_462 : i32 to index
        %get3A_479 = arith.constant 48 : index
        %get3A_480 = tpu.vector_load %arg9[%get3A_478, %get3A_479] {strides = array<i32>} : memref<128x128xf32, #tpu.memory_space<vmem>>, vector<1x16xf32>,
        %get3A_481 = vector.shape_cast %get3A_480 : vector<1x16xf32> to vector<16xf32>
        %add3A_482 = arith.addf %add3A_458, %get3A_481 : vector<16xf32>
        %mul3A_483 = arith.constant 8 : i32
        %mul3A_484 = arith.muli %scan3A_359, %mul3A_483 : i32
        %add3A_485 = arith.constant 5 : i32
        %add3A_486 = arith.addi %mul3A_484, %add3A_485 : i32
        %get3A_487 = arith.index_cast %add3A_486 : i32 to index
        %get3A_488 = arith.constant 0 : index
        %get3A_489 = tpu.vector_load %arg9[%get3A_487, %get3A_488] {strides = array<i32>} : memref<128x128xf32, #tpu.memory_space<vmem>>, vector<1x16xf32>,
        %get3A_490 = vector.shape_cast %get3A_489 : vector<1x16xf32> to vector<16xf32>
        %add3A_491 = arith.addf %add3A_467, %get3A_490 : vector<16xf32>
        %get3A_492 = arith.index_cast %add3A_486 : i32 to index
        %get3A_493 = arith.constant 16 : index
        %get3A_494 = tpu.vector_load %arg9[%get3A_492, %get3A_493] {strides = array<i32>} : memref<128x128xf32, #tpu.memory_space<vmem>>, vector<1x16xf32>,
        %get3A_495 = vector.shape_cast %get3A_494 : vector<1x16xf32> to vector<16xf32>
        %add3A_496 = arith.addf %add3A_472, %get3A_495 : vector<16xf32>
        %get3A_497 = arith.index_cast %add3A_486 : i32 to index
        %get3A_498 = arith.constant 32 : index
        %get3A_499 = tpu.vector_load %arg9[%get3A_497, %get3A_498] {strides = array<i32>} : memref<128x128xf32, #tpu.memory_space<vmem>>, vector<1x16xf32>,
        %get3A_500 = vector.shape_cast %get3A_499 : vector<1x16xf32> to vector<16xf32>
        %add3A_501 = arith.addf %add3A_477, %get3A_500 : vector<16xf32>
        %get3A_502 = arith.index_cast %add3A_486 : i32 to index
        %get3A_503 = arith.constant 48 : index
        %get3A_504 = tpu.vector_load %arg9[%get3A_502, %get3A_503] {strides = array<i32>} : memref<128x128xf32, #tpu.memory_space<vmem>>, vector<1x16xf32>,
        %get3A_505 = vector.shape_cast %get3A_504 : vector<1x16xf32> to vector<16xf32>
        %add3A_506 = arith.addf %add3A_482, %get3A_505 : vector<16xf32>
        %mul3A_507 = arith.constant 8 : i32
        %mul3A_508 = arith.muli %scan3A_359, %mul3A_507 : i32
        %add3A_509 = arith.constant 6 : i32
        %add3A_510 = arith.addi %mul3A_508, %add3A_509 : i32
        %get3A_511 = arith.index_cast %add3A_510 : i32 to index
        %get3A_512 = arith.constant 0 : index
        %get3A_513 = tpu.vector_load %arg9[%get3A_511, %get3A_512] {strides = array<i32>} : memref<128x128xf32, #tpu.memory_space<vmem>>, vector<1x16xf32>,
        %get3A_514 = vector.shape_cast %get3A_513 : vector<1x16xf32> to vector<16xf32>
        %add3A_515 = arith.addf %add3A_491, %get3A_514 : vector<16xf32>
        %get3A_516 = arith.index_cast %add3A_510 : i32 to index
        %get3A_517 = arith.constant 16 : index
        %get3A_518 = tpu.vector_load %arg9[%get3A_516, %get3A_517] {strides = array<i32>} : memref<128x128xf32, #tpu.memory_space<vmem>>, vector<1x16xf32>,
        %get3A_519 = vector.shape_cast %get3A_518 : vector<1x16xf32> to vector<16xf32>
        %add3A_520 = arith.addf %add3A_496, %get3A_519 : vector<16xf32>
        %get3A_521 = arith.index_cast %add3A_510 : i32 to index
        %get3A_522 = arith.constant 32 : index
        %get3A_523 = tpu.vector_load %arg9[%get3A_521, %get3A_522] {strides = array<i32>} : memref<128x128xf32, #tpu.memory_space<vmem>>, vector<1x16xf32>,
        %get3A_524 = vector.shape_cast %get3A_523 : vector<1x16xf32> to vector<16xf32>
        %add3A_525 = arith.addf %add3A_501, %get3A_524 : vector<16xf32>
        %get3A_526 = arith.index_cast %add3A_510 : i32 to index
        %get3A_527 = arith.constant 48 : index
        %get3A_528 = tpu.vector_load %arg9[%get3A_526, %get3A_527] {strides = array<i32>} : memref<128x128xf32, #tpu.memory_space<vmem>>, vector<1x16xf32>,
        %get3A_529 = vector.shape_cast %get3A_528 : vector<1x16xf32> to vector<16xf32>
        %add3A_530 = arith.addf %add3A_506, %get3A_529 : vector<16xf32>
        %mul3A_531 = arith.constant 8 : i32
        %mul3A_532 = arith.muli %scan3A_359, %mul3A_531 : i32
        %add3A_533 = arith.constant 7 : i32
        %add3A_534 = arith.addi %mul3A_532, %add3A_533 : i32
        %get3A_535 = arith.index_cast %add3A_534 : i32 to index
        %get3A_536 = arith.constant 0 : index
        %get3A_537 = tpu.vector_load %arg9[%get3A_535, %get3A_536] {strides = array<i32>} : memref<128x128xf32, #tpu.memory_space<vmem>>, vector<1x16xf32>,
        %get3A_538 = vector.shape_cast %get3A_537 : vector<1x16xf32> to vector<16xf32>
        %add3A_539 = arith.addf %add3A_515, %get3A_538 : vector<16xf32>
        %get3A_540 = arith.index_cast %add3A_534 : i32 to index
        %get3A_541 = arith.constant 16 : index
        %get3A_542 = tpu.vector_load %arg9[%get3A_540, %get3A_541] {strides = array<i32>} : memref<128x128xf32, #tpu.memory_space<vmem>>, vector<1x16xf32>,
        %get3A_543 = vector.shape_cast %get3A_542 : vector<1x16xf32> to vector<16xf32>
        %add3A_544 = arith.addf %add3A_520, %get3A_543 : vector<16xf32>
        %get3A_545 = arith.index_cast %add3A_534 : i32 to index
        %get3A_546 = arith.constant 32 : index
        %get3A_547 = tpu.vector_load %arg9[%get3A_545, %get3A_546] {strides = array<i32>} : memref<128x128xf32, #tpu.memory_space<vmem>>, vector<1x16xf32>,
        %get3A_548 = vector.shape_cast %get3A_547 : vector<1x16xf32> to vector<16xf32>
        %add3A_549 = arith.addf %add3A_525, %get3A_548 : vector<16xf32>
        %get3A_550 = arith.index_cast %add3A_534 : i32 to index
        %get3A_551 = arith.constant 48 : index
        %get3A_552 = tpu.vector_load %arg9[%get3A_550, %get3A_551] {strides = array<i32>} : memref<128x128xf32, #tpu.memory_space<vmem>>, vector<1x16xf32>,
        %get3A_553 = vector.shape_cast %get3A_552 : vector<1x16xf32> to vector<16xf32>
        %add3A_554 = arith.addf %add3A_530, %get3A_553 : vector<16xf32>
        scf.yield %add3A_539, %add3A_544, %add3A_549, %add3A_554 : vector<16xf32>, vector<16xf32>, vector<16xf32>, vector<16xf32>
      }
      %scan3A_255 = arith.constant 16 : i32
      %add3A_256 = arith.constant 1 : i32
      %add3A_257 = arith.addi %scan3A_219, %add3A_256 : i32
      %mul3A_258 = arith.constant 6 : i32
      %mul3A_259 = arith.muli %mul3A_258, %add3A_257 : i32
      %add3A_260 = arith.constant 1 : i32
      %add3A_261 = arith.addi %mul3A_259, %add3A_260 : i32
      %lt3A_262 = arith.constant 196 : i32
      %lt3A_263 = arith.cmpi slt, %add3A_261, %lt3A_262 : i32
      %convert_element_type3A_264 = arith.extui %lt3A_263 : i1 to i32
      %cond3A_265 = arith.constant 0 : i32
      %cond3A_266 = arith.cmpi ne, %convert_element_type3A_264, %cond3A_265 : i32
      scf.if %cond3A_266 {
        %add3A_359 = arith.constant 1 : i32
        %add3A_360 = arith.addi %scan3A_219, %add3A_359 : i32
        %mul3A_361 = arith.constant 6 : i32
        %mul3A_362 = arith.muli %mul3A_361, %add3A_360 : i32
        %add3A_363 = arith.constant 1 : i32
        %add3A_364 = arith.addi %mul3A_362, %add3A_363 : i32
        %mul3A_365 = arith.constant 128 : i32
        %mul3A_366 = arith.muli %add3A_364, %mul3A_365 : i32
        %multiple_of3A_367 = tpu.assume_multiple %mul3A_366, 128 : i32
        %dma_start3A_368 = tpu.memref_slice %arg7[%multiple_of3A_367] : memref<25088xi32, #tpu.memory_space<vmem>> -> memref<128xi32, #tpu.memory_space<vmem>>
        %dma_start3A_369 = arith.constant 0 : i32
        %dma_start3A_370 = arith.constant 0 : i32
        %dma_start3A_371 = tpu.memref_slice %arg3[%dma_start3A_369, %dma_start3A_370] : memref<1000000x128xf32, #tpu.memory_space<hbm>> -> memref<1000000x128xf32, #tpu.memory_space<hbm>>
        tpu.enqueue_indirect_dma source(%dma_start3A_371 : memref<1000000x128xf32, #tpu.memory_space<hbm>>) target(%arg9 : memref<128x128xf32, #tpu.memory_space<vmem>>) offsets(%dma_start3A_368 : memref<128xi32, #tpu.memory_space<vmem>>) semaphore(%arg18 : memref<!tpu.dma_semaphore, #tpu.memory_space<semaphore_mem>>)
      } else {
      }
      %dma_wait3A_267 = arith.constant 0 : i32
      %dma_wait3A_268 = arith.constant 0 : i32
      %dma_wait3A_269 = tpu.memref_slice %arg3[%dma_wait3A_267, %dma_wait3A_268] : memref<1000000x128xf32, #tpu.memory_space<hbm>> -> memref<128x128xf32, #tpu.memory_space<hbm>>
      %dma_wait3A_270 = arith.constant 0 : i32
      %dma_wait3A_271 = arith.constant 0 : i32
      %dma_wait3A_272 = tpu.memref_slice %arg3[%dma_wait3A_270, %dma_wait3A_271] : memref<1000000x128xf32, #tpu.memory_space<hbm>> -> memref<128x128xf32, #tpu.memory_space<hbm>>
      tpu.wait_dma2 semaphore(%arg19 : memref<!tpu.dma_semaphore, #tpu.memory_space<semaphore_mem>>) src(%dma_wait3A_272 : memref<128x128xf32, #tpu.memory_space<hbm>>) dst(%arg10 : memref<128x128xf32, #tpu.memory_space<vmem>>)
      %scan3A_273 = arith.constant 0 : i32
      %scan3A_274 = arith.constant 16 : i32
      %scan3A_275 = arith.addi %scan3A_273, %scan3A_274 : i32
      %scan3A_276 = arith.constant 1 : i32
      %scan3A_277:4 = scf.for %scan3A_359 = %scan3A_273 to %scan3A_275 step %scan3A_276 iter_args(%scan3A_360 = %scan3A_254#0, %scan3A_361 = %scan3A_254#1, %scan3A_362 = %scan3A_254#2, %scan3A_363 = %scan3A_254#3) -> (vector<16xf32>, vector<16xf32>, vector<16xf32>, vector<16xf32>)  : i32 {
        %mul3A_364 = arith.constant 8 : i32
        %mul3A_365 = arith.muli %scan3A_359, %mul3A_364 : i32
        %add3A_366 = arith.constant 0 : i32
        %add3A_367 = arith.addi %mul3A_365, %add3A_366 : i32
        %get3A = arith.index_cast %add3A_367 : i32 to index
        %get3A_368 = arith.constant 0 : index
        %get3A_369 = tpu.vector_load %arg10[%get3A, %get3A_368] {strides = array<i32>} : memref<128x128xf32, #tpu.memory_space<vmem>>, vector<1x16xf32>,
        %get3A_370 = vector.shape_cast %get3A_369 : vector<1x16xf32> to vector<16xf32>
        %add3A_371 = arith.addf %scan3A_360, %get3A_370 : vector<16xf32>
        %get3A_372 = arith.index_cast %add3A_367 : i32 to index
        %get3A_373 = arith.constant 16 : index
        %get3A_374 = tpu.vector_load %arg10[%get3A_372, %get3A_373] {strides = array<i32>} : memref<128x128xf32, #tpu.memory_space<vmem>>, vector<1x16xf32>,
        %get3A_375 = vector.shape_cast %get3A_374 : vector<1x16xf32> to vector<16xf32>
        %add3A_376 = arith.addf %scan3A_361, %get3A_375 : vector<16xf32>
        %get3A_377 = arith.index_cast %add3A_367 : i32 to index
        %get3A_378 = arith.constant 32 : index
        %get3A_379 = tpu.vector_load %arg10[%get3A_377, %get3A_378] {strides = array<i32>} : memref<128x128xf32, #tpu.memory_space<vmem>>, vector<1x16xf32>,
        %get3A_380 = vector.shape_cast %get3A_379 : vector<1x16xf32> to vector<16xf32>
        %add3A_381 = arith.addf %scan3A_362, %get3A_380 : vector<16xf32>
        %get3A_382 = arith.index_cast %add3A_367 : i32 to index
        %get3A_383 = arith.constant 48 : index
        %get3A_384 = tpu.vector_load %arg10[%get3A_382, %get3A_383] {strides = array<i32>} : memref<128x128xf32, #tpu.memory_space<vmem>>, vector<1x16xf32>,
        %get3A_385 = vector.shape_cast %get3A_384 : vector<1x16xf32> to vector<16xf32>
        %add3A_386 = arith.addf %scan3A_363, %get3A_385 : vector<16xf32>
        %mul3A_387 = arith.constant 8 : i32
        %mul3A_388 = arith.muli %scan3A_359, %mul3A_387 : i32
        %add3A_389 = arith.constant 1 : i32
        %add3A_390 = arith.addi %mul3A_388, %add3A_389 : i32
        %get3A_391 = arith.index_cast %add3A_390 : i32 to index
        %get3A_392 = arith.constant 0 : index
        %get3A_393 = tpu.vector_load %arg10[%get3A_391, %get3A_392] {strides = array<i32>} : memref<128x128xf32, #tpu.memory_space<vmem>>, vector<1x16xf32>,
        %get3A_394 = vector.shape_cast %get3A_393 : vector<1x16xf32> to vector<16xf32>
        %add3A_395 = arith.addf %add3A_371, %get3A_394 : vector<16xf32>
        %get3A_396 = arith.index_cast %add3A_390 : i32 to index
        %get3A_397 = arith.constant 16 : index
        %get3A_398 = tpu.vector_load %arg10[%get3A_396, %get3A_397] {strides = array<i32>} : memref<128x128xf32, #tpu.memory_space<vmem>>, vector<1x16xf32>,
        %get3A_399 = vector.shape_cast %get3A_398 : vector<1x16xf32> to vector<16xf32>
        %add3A_400 = arith.addf %add3A_376, %get3A_399 : vector<16xf32>
        %get3A_401 = arith.index_cast %add3A_390 : i32 to index
        %get3A_402 = arith.constant 32 : index
        %get3A_403 = tpu.vector_load %arg10[%get3A_401, %get3A_402] {strides = array<i32>} : memref<128x128xf32, #tpu.memory_space<vmem>>, vector<1x16xf32>,
        %get3A_404 = vector.shape_cast %get3A_403 : vector<1x16xf32> to vector<16xf32>
        %add3A_405 = arith.addf %add3A_381, %get3A_404 : vector<16xf32>
        %get3A_406 = arith.index_cast %add3A_390 : i32 to index
        %get3A_407 = arith.constant 48 : index
        %get3A_408 = tpu.vector_load %arg10[%get3A_406, %get3A_407] {strides = array<i32>} : memref<128x128xf32, #tpu.memory_space<vmem>>, vector<1x16xf32>,
        %get3A_409 = vector.shape_cast %get3A_408 : vector<1x16xf32> to vector<16xf32>
        %add3A_410 = arith.addf %add3A_386, %get3A_409 : vector<16xf32>
        %mul3A_411 = arith.constant 8 : i32
        %mul3A_412 = arith.muli %scan3A_359, %mul3A_411 : i32
        %add3A_413 = arith.constant 2 : i32
        %add3A_414 = arith.addi %mul3A_412, %add3A_413 : i32
        %get3A_415 = arith.index_cast %add3A_414 : i32 to index
        %get3A_416 = arith.constant 0 : index
        %get3A_417 = tpu.vector_load %arg10[%get3A_415, %get3A_416] {strides = array<i32>} : memref<128x128xf32, #tpu.memory_space<vmem>>, vector<1x16xf32>,
        %get3A_418 = vector.shape_cast %get3A_417 : vector<1x16xf32> to vector<16xf32>
        %add3A_419 = arith.addf %add3A_395, %get3A_418 : vector<16xf32>
        %get3A_420 = arith.index_cast %add3A_414 : i32 to index
        %get3A_421 = arith.constant 16 : index
        %get3A_422 = tpu.vector_load %arg10[%get3A_420, %get3A_421] {strides = array<i32>} : memref<128x128xf32, #tpu.memory_space<vmem>>, vector<1x16xf32>,
        %get3A_423 = vector.shape_cast %get3A_422 : vector<1x16xf32> to vector<16xf32>
        %add3A_424 = arith.addf %add3A_400, %get3A_423 : vector<16xf32>
        %get3A_425 = arith.index_cast %add3A_414 : i32 to index
        %get3A_426 = arith.constant 32 : index
        %get3A_427 = tpu.vector_load %arg10[%get3A_425, %get3A_426] {strides = array<i32>} : memref<128x128xf32, #tpu.memory_space<vmem>>, vector<1x16xf32>,
        %get3A_428 = vector.shape_cast %get3A_427 : vector<1x16xf32> to vector<16xf32>
        %add3A_429 = arith.addf %add3A_405, %get3A_428 : vector<16xf32>
        %get3A_430 = arith.index_cast %add3A_414 : i32 to index
        %get3A_431 = arith.constant 48 : index
        %get3A_432 = tpu.vector_load %arg10[%get3A_430, %get3A_431] {strides = array<i32>} : memref<128x128xf32, #tpu.memory_space<vmem>>, vector<1x16xf32>,
        %get3A_433 = vector.shape_cast %get3A_432 : vector<1x16xf32> to vector<16xf32>
        %add3A_434 = arith.addf %add3A_410, %get3A_433 : vector<16xf32>
        %mul3A_435 = arith.constant 8 : i32
        %mul3A_436 = arith.muli %scan3A_359, %mul3A_435 : i32
        %add3A_437 = arith.constant 3 : i32
        %add3A_438 = arith.addi %mul3A_436, %add3A_437 : i32
        %get3A_439 = arith.index_cast %add3A_438 : i32 to index
        %get3A_440 = arith.constant 0 : index
        %get3A_441 = tpu.vector_load %arg10[%get3A_439, %get3A_440] {strides = array<i32>} : memref<128x128xf32, #tpu.memory_space<vmem>>, vector<1x16xf32>,
        %get3A_442 = vector.shape_cast %get3A_441 : vector<1x16xf32> to vector<16xf32>
        %add3A_443 = arith.addf %add3A_419, %get3A_442 : vector<16xf32>
        %get3A_444 = arith.index_cast %add3A_438 : i32 to index
        %get3A_445 = arith.constant 16 : index
        %get3A_446 = tpu.vector_load %arg10[%get3A_444, %get3A_445] {strides = array<i32>} : memref<128x128xf32, #tpu.memory_space<vmem>>, vector<1x16xf32>,
        %get3A_447 = vector.shape_cast %get3A_446 : vector<1x16xf32> to vector<16xf32>
        %add3A_448 = arith.addf %add3A_424, %get3A_447 : vector<16xf32>
        %get3A_449 = arith.index_cast %add3A_438 : i32 to index
        %get3A_450 = arith.constant 32 : index
        %get3A_451 = tpu.vector_load %arg10[%get3A_449, %get3A_450] {strides = array<i32>} : memref<128x128xf32, #tpu.memory_space<vmem>>, vector<1x16xf32>,
        %get3A_452 = vector.shape_cast %get3A_451 : vector<1x16xf32> to vector<16xf32>
        %add3A_453 = arith.addf %add3A_429, %get3A_452 : vector<16xf32>
        %get3A_454 = arith.index_cast %add3A_438 : i32 to index
        %get3A_455 = arith.constant 48 : index
        %get3A_456 = tpu.vector_load %arg10[%get3A_454, %get3A_455] {strides = array<i32>} : memref<128x128xf32, #tpu.memory_space<vmem>>, vector<1x16xf32>,
        %get3A_457 = vector.shape_cast %get3A_456 : vector<1x16xf32> to vector<16xf32>
        %add3A_458 = arith.addf %add3A_434, %get3A_457 : vector<16xf32>
        %mul3A_459 = arith.constant 8 : i32
        %mul3A_460 = arith.muli %scan3A_359, %mul3A_459 : i32
        %add3A_461 = arith.constant 4 : i32
        %add3A_462 = arith.addi %mul3A_460, %add3A_461 : i32
        %get3A_463 = arith.index_cast %add3A_462 : i32 to index
        %get3A_464 = arith.constant 0 : index
        %get3A_465 = tpu.vector_load %arg10[%get3A_463, %get3A_464] {strides = array<i32>} : memref<128x128xf32, #tpu.memory_space<vmem>>, vector<1x16xf32>,
        %get3A_466 = vector.shape_cast %get3A_465 : vector<1x16xf32> to vector<16xf32>
        %add3A_467 = arith.addf %add3A_443, %get3A_466 : vector<16xf32>
        %get3A_468 = arith.index_cast %add3A_462 : i32 to index
        %get3A_469 = arith.constant 16 : index
        %get3A_470 = tpu.vector_load %arg10[%get3A_468, %get3A_469] {strides = array<i32>} : memref<128x128xf32, #tpu.memory_space<vmem>>, vector<1x16xf32>,
        %get3A_471 = vector.shape_cast %get3A_470 : vector<1x16xf32> to vector<16xf32>
        %add3A_472 = arith.addf %add3A_448, %get3A_471 : vector<16xf32>
        %get3A_473 = arith.index_cast %add3A_462 : i32 to index
        %get3A_474 = arith.constant 32 : index
        %get3A_475 = tpu.vector_load %arg10[%get3A_473, %get3A_474] {strides = array<i32>} : memref<128x128xf32, #tpu.memory_space<vmem>>, vector<1x16xf32>,
        %get3A_476 = vector.shape_cast %get3A_475 : vector<1x16xf32> to vector<16xf32>
        %add3A_477 = arith.addf %add3A_453, %get3A_476 : vector<16xf32>
        %get3A_478 = arith.index_cast %add3A_462 : i32 to index
        %get3A_479 = arith.constant 48 : index
        %get3A_480 = tpu.vector_load %arg10[%get3A_478, %get3A_479] {strides = array<i32>} : memref<128x128xf32, #tpu.memory_space<vmem>>, vector<1x16xf32>,
        %get3A_481 = vector.shape_cast %get3A_480 : vector<1x16xf32> to vector<16xf32>
        %add3A_482 = arith.addf %add3A_458, %get3A_481 : vector<16xf32>
        %mul3A_483 = arith.constant 8 : i32
        %mul3A_484 = arith.muli %scan3A_359, %mul3A_483 : i32
        %add3A_485 = arith.constant 5 : i32
        %add3A_486 = arith.addi %mul3A_484, %add3A_485 : i32
        %get3A_487 = arith.index_cast %add3A_486 : i32 to index
        %get3A_488 = arith.constant 0 : index
        %get3A_489 = tpu.vector_load %arg10[%get3A_487, %get3A_488] {strides = array<i32>} : memref<128x128xf32, #tpu.memory_space<vmem>>, vector<1x16xf32>,
        %get3A_490 = vector.shape_cast %get3A_489 : vector<1x16xf32> to vector<16xf32>
        %add3A_491 = arith.addf %add3A_467, %get3A_490 : vector<16xf32>
        %get3A_492 = arith.index_cast %add3A_486 : i32 to index
        %get3A_493 = arith.constant 16 : index
        %get3A_494 = tpu.vector_load %arg10[%get3A_492, %get3A_493] {strides = array<i32>} : memref<128x128xf32, #tpu.memory_space<vmem>>, vector<1x16xf32>,
        %get3A_495 = vector.shape_cast %get3A_494 : vector<1x16xf32> to vector<16xf32>
        %add3A_496 = arith.addf %add3A_472, %get3A_495 : vector<16xf32>
        %get3A_497 = arith.index_cast %add3A_486 : i32 to index
        %get3A_498 = arith.constant 32 : index
        %get3A_499 = tpu.vector_load %arg10[%get3A_497, %get3A_498] {strides = array<i32>} : memref<128x128xf32, #tpu.memory_space<vmem>>, vector<1x16xf32>,
        %get3A_500 = vector.shape_cast %get3A_499 : vector<1x16xf32> to vector<16xf32>
        %add3A_501 = arith.addf %add3A_477, %get3A_500 : vector<16xf32>
        %get3A_502 = arith.index_cast %add3A_486 : i32 to index
        %get3A_503 = arith.constant 48 : index
        %get3A_504 = tpu.vector_load %arg10[%get3A_502, %get3A_503] {strides = array<i32>} : memref<128x128xf32, #tpu.memory_space<vmem>>, vector<1x16xf32>,
        %get3A_505 = vector.shape_cast %get3A_504 : vector<1x16xf32> to vector<16xf32>
        %add3A_506 = arith.addf %add3A_482, %get3A_505 : vector<16xf32>
        %mul3A_507 = arith.constant 8 : i32
        %mul3A_508 = arith.muli %scan3A_359, %mul3A_507 : i32
        %add3A_509 = arith.constant 6 : i32
        %add3A_510 = arith.addi %mul3A_508, %add3A_509 : i32
        %get3A_511 = arith.index_cast %add3A_510 : i32 to index
        %get3A_512 = arith.constant 0 : index
        %get3A_513 = tpu.vector_load %arg10[%get3A_511, %get3A_512] {strides = array<i32>} : memref<128x128xf32, #tpu.memory_space<vmem>>, vector<1x16xf32>,
        %get3A_514 = vector.shape_cast %get3A_513 : vector<1x16xf32> to vector<16xf32>
        %add3A_515 = arith.addf %add3A_491, %get3A_514 : vector<16xf32>
        %get3A_516 = arith.index_cast %add3A_510 : i32 to index
        %get3A_517 = arith.constant 16 : index
        %get3A_518 = tpu.vector_load %arg10[%get3A_516, %get3A_517] {strides = array<i32>} : memref<128x128xf32, #tpu.memory_space<vmem>>, vector<1x16xf32>,
        %get3A_519 = vector.shape_cast %get3A_518 : vector<1x16xf32> to vector<16xf32>
        %add3A_520 = arith.addf %add3A_496, %get3A_519 : vector<16xf32>
        %get3A_521 = arith.index_cast %add3A_510 : i32 to index
        %get3A_522 = arith.constant 32 : index
        %get3A_523 = tpu.vector_load %arg10[%get3A_521, %get3A_522] {strides = array<i32>} : memref<128x128xf32, #tpu.memory_space<vmem>>, vector<1x16xf32>,
        %get3A_524 = vector.shape_cast %get3A_523 : vector<1x16xf32> to vector<16xf32>
        %add3A_525 = arith.addf %add3A_501, %get3A_524 : vector<16xf32>
        %get3A_526 = arith.index_cast %add3A_510 : i32 to index
        %get3A_527 = arith.constant 48 : index
        %get3A_528 = tpu.vector_load %arg10[%get3A_526, %get3A_527] {strides = array<i32>} : memref<128x128xf32, #tpu.memory_space<vmem>>, vector<1x16xf32>,
        %get3A_529 = vector.shape_cast %get3A_528 : vector<1x16xf32> to vector<16xf32>
        %add3A_530 = arith.addf %add3A_506, %get3A_529 : vector<16xf32>
        %mul3A_531 = arith.constant 8 : i32
        %mul3A_532 = arith.muli %scan3A_359, %mul3A_531 : i32
        %add3A_533 = arith.constant 7 : i32
        %add3A_534 = arith.addi %mul3A_532, %add3A_533 : i32
        %get3A_535 = arith.index_cast %add3A_534 : i32 to index
        %get3A_536 = arith.constant 0 : index
        %get3A_537 = tpu.vector_load %arg10[%get3A_535, %get3A_536] {strides = array<i32>} : memref<128x128xf32, #tpu.memory_space<vmem>>, vector<1x16xf32>,
        %get3A_538 = vector.shape_cast %get3A_537 : vector<1x16xf32> to vector<16xf32>
        %add3A_539 = arith.addf %add3A_515, %get3A_538 : vector<16xf32>
        %get3A_540 = arith.index_cast %add3A_534 : i32 to index
        %get3A_541 = arith.constant 16 : index
        %get3A_542 = tpu.vector_load %arg10[%get3A_540, %get3A_541] {strides = array<i32>} : memref<128x128xf32, #tpu.memory_space<vmem>>, vector<1x16xf32>,
        %get3A_543 = vector.shape_cast %get3A_542 : vector<1x16xf32> to vector<16xf32>
        %add3A_544 = arith.addf %add3A_520, %get3A_543 : vector<16xf32>
        %get3A_545 = arith.index_cast %add3A_534 : i32 to index
        %get3A_546 = arith.constant 32 : index
        %get3A_547 = tpu.vector_load %arg10[%get3A_545, %get3A_546] {strides = array<i32>} : memref<128x128xf32, #tpu.memory_space<vmem>>, vector<1x16xf32>,
        %get3A_548 = vector.shape_cast %get3A_547 : vector<1x16xf32> to vector<16xf32>
        %add3A_549 = arith.addf %add3A_525, %get3A_548 : vector<16xf32>
        %get3A_550 = arith.index_cast %add3A_534 : i32 to index
        %get3A_551 = arith.constant 48 : index
        %get3A_552 = tpu.vector_load %arg10[%get3A_550, %get3A_551] {strides = array<i32>} : memref<128x128xf32, #tpu.memory_space<vmem>>, vector<1x16xf32>,
        %get3A_553 = vector.shape_cast %get3A_552 : vector<1x16xf32> to vector<16xf32>
        %add3A_554 = arith.addf %add3A_530, %get3A_553 : vector<16xf32>
        scf.yield %add3A_539, %add3A_544, %add3A_549, %add3A_554 : vector<16xf32>, vector<16xf32>, vector<16xf32>, vector<16xf32>
      }
      %scan3A_278 = arith.constant 16 : i32
      %add3A_279 = arith.constant 1 : i32
      %add3A_280 = arith.addi %scan3A_219, %add3A_279 : i32
      %mul3A_281 = arith.constant 6 : i32
      %mul3A_282 = arith.muli %mul3A_281, %add3A_280 : i32
      %add3A_283 = arith.constant 2 : i32
      %add3A_284 = arith.addi %mul3A_282, %add3A_283 : i32
      %lt3A_285 = arith.constant 196 : i32
      %lt3A_286 = arith.cmpi slt, %add3A_284, %lt3A_285 : i32
      %convert_element_type3A_287 = arith.extui %lt3A_286 : i1 to i32
      %cond3A_288 = arith.constant 0 : i32
      %cond3A_289 = arith.cmpi ne, %convert_element_type3A_287, %cond3A_288 : i32
      scf.if %cond3A_289 {
        %add3A_359 = arith.constant 1 : i32
        %add3A_360 = arith.addi %scan3A_219, %add3A_359 : i32
        %mul3A_361 = arith.constant 6 : i32
        %mul3A_362 = arith.muli %mul3A_361, %add3A_360 : i32
        %add3A_363 = arith.constant 2 : i32
        %add3A_364 = arith.addi %mul3A_362, %add3A_363 : i32
        %mul3A_365 = arith.constant 128 : i32
        %mul3A_366 = arith.muli %add3A_364, %mul3A_365 : i32
        %multiple_of3A_367 = tpu.assume_multiple %mul3A_366, 128 : i32
        %dma_start3A_368 = tpu.memref_slice %arg7[%multiple_of3A_367] : memref<25088xi32, #tpu.memory_space<vmem>> -> memref<128xi32, #tpu.memory_space<vmem>>
        %dma_start3A_369 = arith.constant 0 : i32
        %dma_start3A_370 = arith.constant 0 : i32
        %dma_start3A_371 = tpu.memref_slice %arg3[%dma_start3A_369, %dma_start3A_370] : memref<1000000x128xf32, #tpu.memory_space<hbm>> -> memref<1000000x128xf32, #tpu.memory_space<hbm>>
        tpu.enqueue_indirect_dma source(%dma_start3A_371 : memref<1000000x128xf32, #tpu.memory_space<hbm>>) target(%arg10 : memref<128x128xf32, #tpu.memory_space<vmem>>) offsets(%dma_start3A_368 : memref<128xi32, #tpu.memory_space<vmem>>) semaphore(%arg19 : memref<!tpu.dma_semaphore, #tpu.memory_space<semaphore_mem>>)
      } else {
      }
      %dma_wait3A_290 = arith.constant 0 : i32
      %dma_wait3A_291 = arith.constant 0 : i32
      %dma_wait3A_292 = tpu.memref_slice %arg3[%dma_wait3A_290, %dma_wait3A_291] : memref<1000000x128xf32, #tpu.memory_space<hbm>> -> memref<128x128xf32, #tpu.memory_space<hbm>>
      %dma_wait3A_293 = arith.constant 0 : i32
      %dma_wait3A_294 = arith.constant 0 : i32
      %dma_wait3A_295 = tpu.memref_slice %arg3[%dma_wait3A_293, %dma_wait3A_294] : memref<1000000x128xf32, #tpu.memory_space<hbm>> -> memref<128x128xf32, #tpu.memory_space<hbm>>
      tpu.wait_dma2 semaphore(%arg20 : memref<!tpu.dma_semaphore, #tpu.memory_space<semaphore_mem>>) src(%dma_wait3A_295 : memref<128x128xf32, #tpu.memory_space<hbm>>) dst(%arg11 : memref<128x128xf32, #tpu.memory_space<vmem>>)
      %scan3A_296 = arith.constant 0 : i32
      %scan3A_297 = arith.constant 16 : i32
      %scan3A_298 = arith.addi %scan3A_296, %scan3A_297 : i32
      %scan3A_299 = arith.constant 1 : i32
      %scan3A_300:4 = scf.for %scan3A_359 = %scan3A_296 to %scan3A_298 step %scan3A_299 iter_args(%scan3A_360 = %scan3A_277#0, %scan3A_361 = %scan3A_277#1, %scan3A_362 = %scan3A_277#2, %scan3A_363 = %scan3A_277#3) -> (vector<16xf32>, vector<16xf32>, vector<16xf32>, vector<16xf32>)  : i32 {
        %mul3A_364 = arith.constant 8 : i32
        %mul3A_365 = arith.muli %scan3A_359, %mul3A_364 : i32
        %add3A_366 = arith.constant 0 : i32
        %add3A_367 = arith.addi %mul3A_365, %add3A_366 : i32
        %get3A = arith.index_cast %add3A_367 : i32 to index
        %get3A_368 = arith.constant 0 : index
        %get3A_369 = tpu.vector_load %arg11[%get3A, %get3A_368] {strides = array<i32>} : memref<128x128xf32, #tpu.memory_space<vmem>>, vector<1x16xf32>,
        %get3A_370 = vector.shape_cast %get3A_369 : vector<1x16xf32> to vector<16xf32>
        %add3A_371 = arith.addf %scan3A_360, %get3A_370 : vector<16xf32>
        %get3A_372 = arith.index_cast %add3A_367 : i32 to index
        %get3A_373 = arith.constant 16 : index
        %get3A_374 = tpu.vector_load %arg11[%get3A_372, %get3A_373] {strides = array<i32>} : memref<128x128xf32, #tpu.memory_space<vmem>>, vector<1x16xf32>,
        %get3A_375 = vector.shape_cast %get3A_374 : vector<1x16xf32> to vector<16xf32>
        %add3A_376 = arith.addf %scan3A_361, %get3A_375 : vector<16xf32>
        %get3A_377 = arith.index_cast %add3A_367 : i32 to index
        %get3A_378 = arith.constant 32 : index
        %get3A_379 = tpu.vector_load %arg11[%get3A_377, %get3A_378] {strides = array<i32>} : memref<128x128xf32, #tpu.memory_space<vmem>>, vector<1x16xf32>,
        %get3A_380 = vector.shape_cast %get3A_379 : vector<1x16xf32> to vector<16xf32>
        %add3A_381 = arith.addf %scan3A_362, %get3A_380 : vector<16xf32>
        %get3A_382 = arith.index_cast %add3A_367 : i32 to index
        %get3A_383 = arith.constant 48 : index
        %get3A_384 = tpu.vector_load %arg11[%get3A_382, %get3A_383] {strides = array<i32>} : memref<128x128xf32, #tpu.memory_space<vmem>>, vector<1x16xf32>,
        %get3A_385 = vector.shape_cast %get3A_384 : vector<1x16xf32> to vector<16xf32>
        %add3A_386 = arith.addf %scan3A_363, %get3A_385 : vector<16xf32>
        %mul3A_387 = arith.constant 8 : i32
        %mul3A_388 = arith.muli %scan3A_359, %mul3A_387 : i32
        %add3A_389 = arith.constant 1 : i32
        %add3A_390 = arith.addi %mul3A_388, %add3A_389 : i32
        %get3A_391 = arith.index_cast %add3A_390 : i32 to index
        %get3A_392 = arith.constant 0 : index
        %get3A_393 = tpu.vector_load %arg11[%get3A_391, %get3A_392] {strides = array<i32>} : memref<128x128xf32, #tpu.memory_space<vmem>>, vector<1x16xf32>,
        %get3A_394 = vector.shape_cast %get3A_393 : vector<1x16xf32> to vector<16xf32>
        %add3A_395 = arith.addf %add3A_371, %get3A_394 : vector<16xf32>
        %get3A_396 = arith.index_cast %add3A_390 : i32 to index
        %get3A_397 = arith.constant 16 : index
        %get3A_398 = tpu.vector_load %arg11[%get3A_396, %get3A_397] {strides = array<i32>} : memref<128x128xf32, #tpu.memory_space<vmem>>, vector<1x16xf32>,
        %get3A_399 = vector.shape_cast %get3A_398 : vector<1x16xf32> to vector<16xf32>
        %add3A_400 = arith.addf %add3A_376, %get3A_399 : vector<16xf32>
        %get3A_401 = arith.index_cast %add3A_390 : i32 to index
        %get3A_402 = arith.constant 32 : index
        %get3A_403 = tpu.vector_load %arg11[%get3A_401, %get3A_402] {strides = array<i32>} : memref<128x128xf32, #tpu.memory_space<vmem>>, vector<1x16xf32>,
        %get3A_404 = vector.shape_cast %get3A_403 : vector<1x16xf32> to vector<16xf32>
        %add3A_405 = arith.addf %add3A_381, %get3A_404 : vector<16xf32>
        %get3A_406 = arith.index_cast %add3A_390 : i32 to index
        %get3A_407 = arith.constant 48 : index
        %get3A_408 = tpu.vector_load %arg11[%get3A_406, %get3A_407] {strides = array<i32>} : memref<128x128xf32, #tpu.memory_space<vmem>>, vector<1x16xf32>,
        %get3A_409 = vector.shape_cast %get3A_408 : vector<1x16xf32> to vector<16xf32>
        %add3A_410 = arith.addf %add3A_386, %get3A_409 : vector<16xf32>
        %mul3A_411 = arith.constant 8 : i32
        %mul3A_412 = arith.muli %scan3A_359, %mul3A_411 : i32
        %add3A_413 = arith.constant 2 : i32
        %add3A_414 = arith.addi %mul3A_412, %add3A_413 : i32
        %get3A_415 = arith.index_cast %add3A_414 : i32 to index
        %get3A_416 = arith.constant 0 : index
        %get3A_417 = tpu.vector_load %arg11[%get3A_415, %get3A_416] {strides = array<i32>} : memref<128x128xf32, #tpu.memory_space<vmem>>, vector<1x16xf32>,
        %get3A_418 = vector.shape_cast %get3A_417 : vector<1x16xf32> to vector<16xf32>
        %add3A_419 = arith.addf %add3A_395, %get3A_418 : vector<16xf32>
        %get3A_420 = arith.index_cast %add3A_414 : i32 to index
        %get3A_421 = arith.constant 16 : index
        %get3A_422 = tpu.vector_load %arg11[%get3A_420, %get3A_421] {strides = array<i32>} : memref<128x128xf32, #tpu.memory_space<vmem>>, vector<1x16xf32>,
        %get3A_423 = vector.shape_cast %get3A_422 : vector<1x16xf32> to vector<16xf32>
        %add3A_424 = arith.addf %add3A_400, %get3A_423 : vector<16xf32>
        %get3A_425 = arith.index_cast %add3A_414 : i32 to index
        %get3A_426 = arith.constant 32 : index
        %get3A_427 = tpu.vector_load %arg11[%get3A_425, %get3A_426] {strides = array<i32>} : memref<128x128xf32, #tpu.memory_space<vmem>>, vector<1x16xf32>,
        %get3A_428 = vector.shape_cast %get3A_427 : vector<1x16xf32> to vector<16xf32>
        %add3A_429 = arith.addf %add3A_405, %get3A_428 : vector<16xf32>
        %get3A_430 = arith.index_cast %add3A_414 : i32 to index
        %get3A_431 = arith.constant 48 : index
        %get3A_432 = tpu.vector_load %arg11[%get3A_430, %get3A_431] {strides = array<i32>} : memref<128x128xf32, #tpu.memory_space<vmem>>, vector<1x16xf32>,
        %get3A_433 = vector.shape_cast %get3A_432 : vector<1x16xf32> to vector<16xf32>
        %add3A_434 = arith.addf %add3A_410, %get3A_433 : vector<16xf32>
        %mul3A_435 = arith.constant 8 : i32
        %mul3A_436 = arith.muli %scan3A_359, %mul3A_435 : i32
        %add3A_437 = arith.constant 3 : i32
        %add3A_438 = arith.addi %mul3A_436, %add3A_437 : i32
        %get3A_439 = arith.index_cast %add3A_438 : i32 to index
        %get3A_440 = arith.constant 0 : index
        %get3A_441 = tpu.vector_load %arg11[%get3A_439, %get3A_440] {strides = array<i32>} : memref<128x128xf32, #tpu.memory_space<vmem>>, vector<1x16xf32>,
        %get3A_442 = vector.shape_cast %get3A_441 : vector<1x16xf32> to vector<16xf32>
        %add3A_443 = arith.addf %add3A_419, %get3A_442 : vector<16xf32>
        %get3A_444 = arith.index_cast %add3A_438 : i32 to index
        %get3A_445 = arith.constant 16 : index
        %get3A_446 = tpu.vector_load %arg11[%get3A_444, %get3A_445] {strides = array<i32>} : memref<128x128xf32, #tpu.memory_space<vmem>>, vector<1x16xf32>,
        %get3A_447 = vector.shape_cast %get3A_446 : vector<1x16xf32> to vector<16xf32>
        %add3A_448 = arith.addf %add3A_424, %get3A_447 : vector<16xf32>
        %get3A_449 = arith.index_cast %add3A_438 : i32 to index
        %get3A_450 = arith.constant 32 : index
        %get3A_451 = tpu.vector_load %arg11[%get3A_449, %get3A_450] {strides = array<i32>} : memref<128x128xf32, #tpu.memory_space<vmem>>, vector<1x16xf32>,
        %get3A_452 = vector.shape_cast %get3A_451 : vector<1x16xf32> to vector<16xf32>
        %add3A_453 = arith.addf %add3A_429, %get3A_452 : vector<16xf32>
        %get3A_454 = arith.index_cast %add3A_438 : i32 to index
        %get3A_455 = arith.constant 48 : index
        %get3A_456 = tpu.vector_load %arg11[%get3A_454, %get3A_455] {strides = array<i32>} : memref<128x128xf32, #tpu.memory_space<vmem>>, vector<1x16xf32>,
        %get3A_457 = vector.shape_cast %get3A_456 : vector<1x16xf32> to vector<16xf32>
        %add3A_458 = arith.addf %add3A_434, %get3A_457 : vector<16xf32>
        %mul3A_459 = arith.constant 8 : i32
        %mul3A_460 = arith.muli %scan3A_359, %mul3A_459 : i32
        %add3A_461 = arith.constant 4 : i32
        %add3A_462 = arith.addi %mul3A_460, %add3A_461 : i32
        %get3A_463 = arith.index_cast %add3A_462 : i32 to index
        %get3A_464 = arith.constant 0 : index
        %get3A_465 = tpu.vector_load %arg11[%get3A_463, %get3A_464] {strides = array<i32>} : memref<128x128xf32, #tpu.memory_space<vmem>>, vector<1x16xf32>,
        %get3A_466 = vector.shape_cast %get3A_465 : vector<1x16xf32> to vector<16xf32>
        %add3A_467 = arith.addf %add3A_443, %get3A_466 : vector<16xf32>
        %get3A_468 = arith.index_cast %add3A_462 : i32 to index
        %get3A_469 = arith.constant 16 : index
        %get3A_470 = tpu.vector_load %arg11[%get3A_468, %get3A_469] {strides = array<i32>} : memref<128x128xf32, #tpu.memory_space<vmem>>, vector<1x16xf32>,
        %get3A_471 = vector.shape_cast %get3A_470 : vector<1x16xf32> to vector<16xf32>
        %add3A_472 = arith.addf %add3A_448, %get3A_471 : vector<16xf32>
        %get3A_473 = arith.index_cast %add3A_462 : i32 to index
        %get3A_474 = arith.constant 32 : index
        %get3A_475 = tpu.vector_load %arg11[%get3A_473, %get3A_474] {strides = array<i32>} : memref<128x128xf32, #tpu.memory_space<vmem>>, vector<1x16xf32>,
        %get3A_476 = vector.shape_cast %get3A_475 : vector<1x16xf32> to vector<16xf32>
        %add3A_477 = arith.addf %add3A_453, %get3A_476 : vector<16xf32>
        %get3A_478 = arith.index_cast %add3A_462 : i32 to index
        %get3A_479 = arith.constant 48 : index
        %get3A_480 = tpu.vector_load %arg11[%get3A_478, %get3A_479] {strides = array<i32>} : memref<128x128xf32, #tpu.memory_space<vmem>>, vector<1x16xf32>,
        %get3A_481 = vector.shape_cast %get3A_480 : vector<1x16xf32> to vector<16xf32>
        %add3A_482 = arith.addf %add3A_458, %get3A_481 : vector<16xf32>
        %mul3A_483 = arith.constant 8 : i32
        %mul3A_484 = arith.muli %scan3A_359, %mul3A_483 : i32
        %add3A_485 = arith.constant 5 : i32
        %add3A_486 = arith.addi %mul3A_484, %add3A_485 : i32
        %get3A_487 = arith.index_cast %add3A_486 : i32 to index
        %get3A_488 = arith.constant 0 : index
        %get3A_489 = tpu.vector_load %arg11[%get3A_487, %get3A_488] {strides = array<i32>} : memref<128x128xf32, #tpu.memory_space<vmem>>, vector<1x16xf32>,
        %get3A_490 = vector.shape_cast %get3A_489 : vector<1x16xf32> to vector<16xf32>
        %add3A_491 = arith.addf %add3A_467, %get3A_490 : vector<16xf32>
        %get3A_492 = arith.index_cast %add3A_486 : i32 to index
        %get3A_493 = arith.constant 16 : index
        %get3A_494 = tpu.vector_load %arg11[%get3A_492, %get3A_493] {strides = array<i32>} : memref<128x128xf32, #tpu.memory_space<vmem>>, vector<1x16xf32>,
        %get3A_495 = vector.shape_cast %get3A_494 : vector<1x16xf32> to vector<16xf32>
        %add3A_496 = arith.addf %add3A_472, %get3A_495 : vector<16xf32>
        %get3A_497 = arith.index_cast %add3A_486 : i32 to index
        %get3A_498 = arith.constant 32 : index
        %get3A_499 = tpu.vector_load %arg11[%get3A_497, %get3A_498] {strides = array<i32>} : memref<128x128xf32, #tpu.memory_space<vmem>>, vector<1x16xf32>,
        %get3A_500 = vector.shape_cast %get3A_499 : vector<1x16xf32> to vector<16xf32>
        %add3A_501 = arith.addf %add3A_477, %get3A_500 : vector<16xf32>
        %get3A_502 = arith.index_cast %add3A_486 : i32 to index
        %get3A_503 = arith.constant 48 : index
        %get3A_504 = tpu.vector_load %arg11[%get3A_502, %get3A_503] {strides = array<i32>} : memref<128x128xf32, #tpu.memory_space<vmem>>, vector<1x16xf32>,
        %get3A_505 = vector.shape_cast %get3A_504 : vector<1x16xf32> to vector<16xf32>
        %add3A_506 = arith.addf %add3A_482, %get3A_505 : vector<16xf32>
        %mul3A_507 = arith.constant 8 : i32
        %mul3A_508 = arith.muli %scan3A_359, %mul3A_507 : i32
        %add3A_509 = arith.constant 6 : i32
        %add3A_510 = arith.addi %mul3A_508, %add3A_509 : i32
        %get3A_511 = arith.index_cast %add3A_510 : i32 to index
        %get3A_512 = arith.constant 0 : index
        %get3A_513 = tpu.vector_load %arg11[%get3A_511, %get3A_512] {strides = array<i32>} : memref<128x128xf32, #tpu.memory_space<vmem>>, vector<1x16xf32>,
        %get3A_514 = vector.shape_cast %get3A_513 : vector<1x16xf32> to vector<16xf32>
        %add3A_515 = arith.addf %add3A_491, %get3A_514 : vector<16xf32>
        %get3A_516 = arith.index_cast %add3A_510 : i32 to index
        %get3A_517 = arith.constant 16 : index
        %get3A_518 = tpu.vector_load %arg11[%get3A_516, %get3A_517] {strides = array<i32>} : memref<128x128xf32, #tpu.memory_space<vmem>>, vector<1x16xf32>,
        %get3A_519 = vector.shape_cast %get3A_518 : vector<1x16xf32> to vector<16xf32>
        %add3A_520 = arith.addf %add3A_496, %get3A_519 : vector<16xf32>
        %get3A_521 = arith.index_cast %add3A_510 : i32 to index
        %get3A_522 = arith.constant 32 : index
        %get3A_523 = tpu.vector_load %arg11[%get3A_521, %get3A_522] {strides = array<i32>} : memref<128x128xf32, #tpu.memory_space<vmem>>, vector<1x16xf32>,
        %get3A_524 = vector.shape_cast %get3A_523 : vector<1x16xf32> to vector<16xf32>
        %add3A_525 = arith.addf %add3A_501, %get3A_524 : vector<16xf32>
        %get3A_526 = arith.index_cast %add3A_510 : i32 to index
        %get3A_527 = arith.constant 48 : index
        %get3A_528 = tpu.vector_load %arg11[%get3A_526, %get3A_527] {strides = array<i32>} : memref<128x128xf32, #tpu.memory_space<vmem>>, vector<1x16xf32>,
        %get3A_529 = vector.shape_cast %get3A_528 : vector<1x16xf32> to vector<16xf32>
        %add3A_530 = arith.addf %add3A_506, %get3A_529 : vector<16xf32>
        %mul3A_531 = arith.constant 8 : i32
        %mul3A_532 = arith.muli %scan3A_359, %mul3A_531 : i32
        %add3A_533 = arith.constant 7 : i32
        %add3A_534 = arith.addi %mul3A_532, %add3A_533 : i32
        %get3A_535 = arith.index_cast %add3A_534 : i32 to index
        %get3A_536 = arith.constant 0 : index
        %get3A_537 = tpu.vector_load %arg11[%get3A_535, %get3A_536] {strides = array<i32>} : memref<128x128xf32, #tpu.memory_space<vmem>>, vector<1x16xf32>,
        %get3A_538 = vector.shape_cast %get3A_537 : vector<1x16xf32> to vector<16xf32>
        %add3A_539 = arith.addf %add3A_515, %get3A_538 : vector<16xf32>
        %get3A_540 = arith.index_cast %add3A_534 : i32 to index
        %get3A_541 = arith.constant 16 : index
        %get3A_542 = tpu.vector_load %arg11[%get3A_540, %get3A_541] {strides = array<i32>} : memref<128x128xf32, #tpu.memory_space<vmem>>, vector<1x16xf32>,
        %get3A_543 = vector.shape_cast %get3A_542 : vector<1x16xf32> to vector<16xf32>
        %add3A_544 = arith.addf %add3A_520, %get3A_543 : vector<16xf32>
        %get3A_545 = arith.index_cast %add3A_534 : i32 to index
        %get3A_546 = arith.constant 32 : index
        %get3A_547 = tpu.vector_load %arg11[%get3A_545, %get3A_546] {strides = array<i32>} : memref<128x128xf32, #tpu.memory_space<vmem>>, vector<1x16xf32>,
        %get3A_548 = vector.shape_cast %get3A_547 : vector<1x16xf32> to vector<16xf32>
        %add3A_549 = arith.addf %add3A_525, %get3A_548 : vector<16xf32>
        %get3A_550 = arith.index_cast %add3A_534 : i32 to index
        %get3A_551 = arith.constant 48 : index
        %get3A_552 = tpu.vector_load %arg11[%get3A_550, %get3A_551] {strides = array<i32>} : memref<128x128xf32, #tpu.memory_space<vmem>>, vector<1x16xf32>,
        %get3A_553 = vector.shape_cast %get3A_552 : vector<1x16xf32> to vector<16xf32>
        %add3A_554 = arith.addf %add3A_530, %get3A_553 : vector<16xf32>
        scf.yield %add3A_539, %add3A_544, %add3A_549, %add3A_554 : vector<16xf32>, vector<16xf32>, vector<16xf32>, vector<16xf32>
      }
      %scan3A_301 = arith.constant 16 : i32
      %add3A_302 = arith.constant 1 : i32
      %add3A_303 = arith.addi %scan3A_219, %add3A_302 : i32
      %mul3A_304 = arith.constant 6 : i32
      %mul3A_305 = arith.muli %mul3A_304, %add3A_303 : i32
      %add3A_306 = arith.constant 3 : i32
      %add3A_307 = arith.addi %mul3A_305, %add3A_306 : i32
      %lt3A_308 = arith.constant 196 : i32
      %lt3A_309 = arith.cmpi slt, %add3A_307, %lt3A_308 : i32
      %convert_element_type3A_310 = arith.extui %lt3A_309 : i1 to i32
      %cond3A_311 = arith.constant 0 : i32
      %cond3A_312 = arith.cmpi ne, %convert_element_type3A_310, %cond3A_311 : i32
      scf.if %cond3A_312 {
        %add3A_359 = arith.constant 1 : i32
        %add3A_360 = arith.addi %scan3A_219, %add3A_359 : i32
        %mul3A_361 = arith.constant 6 : i32
        %mul3A_362 = arith.muli %mul3A_361, %add3A_360 : i32
        %add3A_363 = arith.constant 3 : i32
        %add3A_364 = arith.addi %mul3A_362, %add3A_363 : i32
        %mul3A_365 = arith.constant 128 : i32
        %mul3A_366 = arith.muli %add3A_364, %mul3A_365 : i32
        %multiple_of3A_367 = tpu.assume_multiple %mul3A_366, 128 : i32
        %dma_start3A_368 = tpu.memref_slice %arg7[%multiple_of3A_367] : memref<25088xi32, #tpu.memory_space<vmem>> -> memref<128xi32, #tpu.memory_space<vmem>>
        %dma_start3A_369 = arith.constant 0 : i32
        %dma_start3A_370 = arith.constant 0 : i32
        %dma_start3A_371 = tpu.memref_slice %arg3[%dma_start3A_369, %dma_start3A_370] : memref<1000000x128xf32, #tpu.memory_space<hbm>> -> memref<1000000x128xf32, #tpu.memory_space<hbm>>
        tpu.enqueue_indirect_dma source(%dma_start3A_371 : memref<1000000x128xf32, #tpu.memory_space<hbm>>) target(%arg11 : memref<128x128xf32, #tpu.memory_space<vmem>>) offsets(%dma_start3A_368 : memref<128xi32, #tpu.memory_space<vmem>>) semaphore(%arg20 : memref<!tpu.dma_semaphore, #tpu.memory_space<semaphore_mem>>)
      } else {
      }
      %dma_wait3A_313 = arith.constant 0 : i32
      %dma_wait3A_314 = arith.constant 0 : i32
      %dma_wait3A_315 = tpu.memref_slice %arg3[%dma_wait3A_313, %dma_wait3A_314] : memref<1000000x128xf32, #tpu.memory_space<hbm>> -> memref<128x128xf32, #tpu.memory_space<hbm>>
      %dma_wait3A_316 = arith.constant 0 : i32
      %dma_wait3A_317 = arith.constant 0 : i32
      %dma_wait3A_318 = tpu.memref_slice %arg3[%dma_wait3A_316, %dma_wait3A_317] : memref<1000000x128xf32, #tpu.memory_space<hbm>> -> memref<128x128xf32, #tpu.memory_space<hbm>>
      tpu.wait_dma2 semaphore(%arg21 : memref<!tpu.dma_semaphore, #tpu.memory_space<semaphore_mem>>) src(%dma_wait3A_318 : memref<128x128xf32, #tpu.memory_space<hbm>>) dst(%arg12 : memref<128x128xf32, #tpu.memory_space<vmem>>)
      %scan3A_319 = arith.constant 0 : i32
      %scan3A_320 = arith.constant 16 : i32
      %scan3A_321 = arith.addi %scan3A_319, %scan3A_320 : i32
      %scan3A_322 = arith.constant 1 : i32
      %scan3A_323:4 = scf.for %scan3A_359 = %scan3A_319 to %scan3A_321 step %scan3A_322 iter_args(%scan3A_360 = %scan3A_300#0, %scan3A_361 = %scan3A_300#1, %scan3A_362 = %scan3A_300#2, %scan3A_363 = %scan3A_300#3) -> (vector<16xf32>, vector<16xf32>, vector<16xf32>, vector<16xf32>)  : i32 {
        %mul3A_364 = arith.constant 8 : i32
        %mul3A_365 = arith.muli %scan3A_359, %mul3A_364 : i32
        %add3A_366 = arith.constant 0 : i32
        %add3A_367 = arith.addi %mul3A_365, %add3A_366 : i32
        %get3A = arith.index_cast %add3A_367 : i32 to index
        %get3A_368 = arith.constant 0 : index
        %get3A_369 = tpu.vector_load %arg12[%get3A, %get3A_368] {strides = array<i32>} : memref<128x128xf32, #tpu.memory_space<vmem>>, vector<1x16xf32>,
        %get3A_370 = vector.shape_cast %get3A_369 : vector<1x16xf32> to vector<16xf32>
        %add3A_371 = arith.addf %scan3A_360, %get3A_370 : vector<16xf32>
        %get3A_372 = arith.index_cast %add3A_367 : i32 to index
        %get3A_373 = arith.constant 16 : index
        %get3A_374 = tpu.vector_load %arg12[%get3A_372, %get3A_373] {strides = array<i32>} : memref<128x128xf32, #tpu.memory_space<vmem>>, vector<1x16xf32>,
        %get3A_375 = vector.shape_cast %get3A_374 : vector<1x16xf32> to vector<16xf32>
        %add3A_376 = arith.addf %scan3A_361, %get3A_375 : vector<16xf32>
        %get3A_377 = arith.index_cast %add3A_367 : i32 to index
        %get3A_378 = arith.constant 32 : index
        %get3A_379 = tpu.vector_load %arg12[%get3A_377, %get3A_378] {strides = array<i32>} : memref<128x128xf32, #tpu.memory_space<vmem>>, vector<1x16xf32>,
        %get3A_380 = vector.shape_cast %get3A_379 : vector<1x16xf32> to vector<16xf32>
        %add3A_381 = arith.addf %scan3A_362, %get3A_380 : vector<16xf32>
        %get3A_382 = arith.index_cast %add3A_367 : i32 to index
        %get3A_383 = arith.constant 48 : index
        %get3A_384 = tpu.vector_load %arg12[%get3A_382, %get3A_383] {strides = array<i32>} : memref<128x128xf32, #tpu.memory_space<vmem>>, vector<1x16xf32>,
        %get3A_385 = vector.shape_cast %get3A_384 : vector<1x16xf32> to vector<16xf32>
        %add3A_386 = arith.addf %scan3A_363, %get3A_385 : vector<16xf32>
        %mul3A_387 = arith.constant 8 : i32
        %mul3A_388 = arith.muli %scan3A_359, %mul3A_387 : i32
        %add3A_389 = arith.constant 1 : i32
        %add3A_390 = arith.addi %mul3A_388, %add3A_389 : i32
        %get3A_391 = arith.index_cast %add3A_390 : i32 to index
        %get3A_392 = arith.constant 0 : index
        %get3A_393 = tpu.vector_load %arg12[%get3A_391, %get3A_392] {strides = array<i32>} : memref<128x128xf32, #tpu.memory_space<vmem>>, vector<1x16xf32>,
        %get3A_394 = vector.shape_cast %get3A_393 : vector<1x16xf32> to vector<16xf32>
        %add3A_395 = arith.addf %add3A_371, %get3A_394 : vector<16xf32>
        %get3A_396 = arith.index_cast %add3A_390 : i32 to index
        %get3A_397 = arith.constant 16 : index
        %get3A_398 = tpu.vector_load %arg12[%get3A_396, %get3A_397] {strides = array<i32>} : memref<128x128xf32, #tpu.memory_space<vmem>>, vector<1x16xf32>,
        %get3A_399 = vector.shape_cast %get3A_398 : vector<1x16xf32> to vector<16xf32>
        %add3A_400 = arith.addf %add3A_376, %get3A_399 : vector<16xf32>
        %get3A_401 = arith.index_cast %add3A_390 : i32 to index
        %get3A_402 = arith.constant 32 : index
        %get3A_403 = tpu.vector_load %arg12[%get3A_401, %get3A_402] {strides = array<i32>} : memref<128x128xf32, #tpu.memory_space<vmem>>, vector<1x16xf32>,
        %get3A_404 = vector.shape_cast %get3A_403 : vector<1x16xf32> to vector<16xf32>
        %add3A_405 = arith.addf %add3A_381, %get3A_404 : vector<16xf32>
        %get3A_406 = arith.index_cast %add3A_390 : i32 to index
        %get3A_407 = arith.constant 48 : index
        %get3A_408 = tpu.vector_load %arg12[%get3A_406, %get3A_407] {strides = array<i32>} : memref<128x128xf32, #tpu.memory_space<vmem>>, vector<1x16xf32>,
        %get3A_409 = vector.shape_cast %get3A_408 : vector<1x16xf32> to vector<16xf32>
        %add3A_410 = arith.addf %add3A_386, %get3A_409 : vector<16xf32>
        %mul3A_411 = arith.constant 8 : i32
        %mul3A_412 = arith.muli %scan3A_359, %mul3A_411 : i32
        %add3A_413 = arith.constant 2 : i32
        %add3A_414 = arith.addi %mul3A_412, %add3A_413 : i32
        %get3A_415 = arith.index_cast %add3A_414 : i32 to index
        %get3A_416 = arith.constant 0 : index
        %get3A_417 = tpu.vector_load %arg12[%get3A_415, %get3A_416] {strides = array<i32>} : memref<128x128xf32, #tpu.memory_space<vmem>>, vector<1x16xf32>,
        %get3A_418 = vector.shape_cast %get3A_417 : vector<1x16xf32> to vector<16xf32>
        %add3A_419 = arith.addf %add3A_395, %get3A_418 : vector<16xf32>
        %get3A_420 = arith.index_cast %add3A_414 : i32 to index
        %get3A_421 = arith.constant 16 : index
        %get3A_422 = tpu.vector_load %arg12[%get3A_420, %get3A_421] {strides = array<i32>} : memref<128x128xf32, #tpu.memory_space<vmem>>, vector<1x16xf32>,
        %get3A_423 = vector.shape_cast %get3A_422 : vector<1x16xf32> to vector<16xf32>
        %add3A_424 = arith.addf %add3A_400, %get3A_423 : vector<16xf32>
        %get3A_425 = arith.index_cast %add3A_414 : i32 to index
        %get3A_426 = arith.constant 32 : index
        %get3A_427 = tpu.vector_load %arg12[%get3A_425, %get3A_426] {strides = array<i32>} : memref<128x128xf32, #tpu.memory_space<vmem>>, vector<1x16xf32>,
        %get3A_428 = vector.shape_cast %get3A_427 : vector<1x16xf32> to vector<16xf32>
        %add3A_429 = arith.addf %add3A_405, %get3A_428 : vector<16xf32>
        %get3A_430 = arith.index_cast %add3A_414 : i32 to index
        %get3A_431 = arith.constant 48 : index
        %get3A_432 = tpu.vector_load %arg12[%get3A_430, %get3A_431] {strides = array<i32>} : memref<128x128xf32, #tpu.memory_space<vmem>>, vector<1x16xf32>,
        %get3A_433 = vector.shape_cast %get3A_432 : vector<1x16xf32> to vector<16xf32>
        %add3A_434 = arith.addf %add3A_410, %get3A_433 : vector<16xf32>
        %mul3A_435 = arith.constant 8 : i32
        %mul3A_436 = arith.muli %scan3A_359, %mul3A_435 : i32
        %add3A_437 = arith.constant 3 : i32
        %add3A_438 = arith.addi %mul3A_436, %add3A_437 : i32
        %get3A_439 = arith.index_cast %add3A_438 : i32 to index
        %get3A_440 = arith.constant 0 : index
        %get3A_441 = tpu.vector_load %arg12[%get3A_439, %get3A_440] {strides = array<i32>} : memref<128x128xf32, #tpu.memory_space<vmem>>, vector<1x16xf32>,
        %get3A_442 = vector.shape_cast %get3A_441 : vector<1x16xf32> to vector<16xf32>
        %add3A_443 = arith.addf %add3A_419, %get3A_442 : vector<16xf32>
        %get3A_444 = arith.index_cast %add3A_438 : i32 to index
        %get3A_445 = arith.constant 16 : index
        %get3A_446 = tpu.vector_load %arg12[%get3A_444, %get3A_445] {strides = array<i32>} : memref<128x128xf32, #tpu.memory_space<vmem>>, vector<1x16xf32>,
        %get3A_447 = vector.shape_cast %get3A_446 : vector<1x16xf32> to vector<16xf32>
        %add3A_448 = arith.addf %add3A_424, %get3A_447 : vector<16xf32>
        %get3A_449 = arith.index_cast %add3A_438 : i32 to index
        %get3A_450 = arith.constant 32 : index
        %get3A_451 = tpu.vector_load %arg12[%get3A_449, %get3A_450] {strides = array<i32>} : memref<128x128xf32, #tpu.memory_space<vmem>>, vector<1x16xf32>,
        %get3A_452 = vector.shape_cast %get3A_451 : vector<1x16xf32> to vector<16xf32>
        %add3A_453 = arith.addf %add3A_429, %get3A_452 : vector<16xf32>
        %get3A_454 = arith.index_cast %add3A_438 : i32 to index
        %get3A_455 = arith.constant 48 : index
        %get3A_456 = tpu.vector_load %arg12[%get3A_454, %get3A_455] {strides = array<i32>} : memref<128x128xf32, #tpu.memory_space<vmem>>, vector<1x16xf32>,
        %get3A_457 = vector.shape_cast %get3A_456 : vector<1x16xf32> to vector<16xf32>
        %add3A_458 = arith.addf %add3A_434, %get3A_457 : vector<16xf32>
        %mul3A_459 = arith.constant 8 : i32
        %mul3A_460 = arith.muli %scan3A_359, %mul3A_459 : i32
        %add3A_461 = arith.constant 4 : i32
        %add3A_462 = arith.addi %mul3A_460, %add3A_461 : i32
        %get3A_463 = arith.index_cast %add3A_462 : i32 to index
        %get3A_464 = arith.constant 0 : index
        %get3A_465 = tpu.vector_load %arg12[%get3A_463, %get3A_464] {strides = array<i32>} : memref<128x128xf32, #tpu.memory_space<vmem>>, vector<1x16xf32>,
        %get3A_466 = vector.shape_cast %get3A_465 : vector<1x16xf32> to vector<16xf32>
        %add3A_467 = arith.addf %add3A_443, %get3A_466 : vector<16xf32>
        %get3A_468 = arith.index_cast %add3A_462 : i32 to index
        %get3A_469 = arith.constant 16 : index
        %get3A_470 = tpu.vector_load %arg12[%get3A_468, %get3A_469] {strides = array<i32>} : memref<128x128xf32, #tpu.memory_space<vmem>>, vector<1x16xf32>,
        %get3A_471 = vector.shape_cast %get3A_470 : vector<1x16xf32> to vector<16xf32>
        %add3A_472 = arith.addf %add3A_448, %get3A_471 : vector<16xf32>
        %get3A_473 = arith.index_cast %add3A_462 : i32 to index
        %get3A_474 = arith.constant 32 : index
        %get3A_475 = tpu.vector_load %arg12[%get3A_473, %get3A_474] {strides = array<i32>} : memref<128x128xf32, #tpu.memory_space<vmem>>, vector<1x16xf32>,
        %get3A_476 = vector.shape_cast %get3A_475 : vector<1x16xf32> to vector<16xf32>
        %add3A_477 = arith.addf %add3A_453, %get3A_476 : vector<16xf32>
        %get3A_478 = arith.index_cast %add3A_462 : i32 to index
        %get3A_479 = arith.constant 48 : index
        %get3A_480 = tpu.vector_load %arg12[%get3A_478, %get3A_479] {strides = array<i32>} : memref<128x128xf32, #tpu.memory_space<vmem>>, vector<1x16xf32>,
        %get3A_481 = vector.shape_cast %get3A_480 : vector<1x16xf32> to vector<16xf32>
        %add3A_482 = arith.addf %add3A_458, %get3A_481 : vector<16xf32>
        %mul3A_483 = arith.constant 8 : i32
        %mul3A_484 = arith.muli %scan3A_359, %mul3A_483 : i32
        %add3A_485 = arith.constant 5 : i32
        %add3A_486 = arith.addi %mul3A_484, %add3A_485 : i32
        %get3A_487 = arith.index_cast %add3A_486 : i32 to index
        %get3A_488 = arith.constant 0 : index
        %get3A_489 = tpu.vector_load %arg12[%get3A_487, %get3A_488] {strides = array<i32>} : memref<128x128xf32, #tpu.memory_space<vmem>>, vector<1x16xf32>,
        %get3A_490 = vector.shape_cast %get3A_489 : vector<1x16xf32> to vector<16xf32>
        %add3A_491 = arith.addf %add3A_467, %get3A_490 : vector<16xf32>
        %get3A_492 = arith.index_cast %add3A_486 : i32 to index
        %get3A_493 = arith.constant 16 : index
        %get3A_494 = tpu.vector_load %arg12[%get3A_492, %get3A_493] {strides = array<i32>} : memref<128x128xf32, #tpu.memory_space<vmem>>, vector<1x16xf32>,
        %get3A_495 = vector.shape_cast %get3A_494 : vector<1x16xf32> to vector<16xf32>
        %add3A_496 = arith.addf %add3A_472, %get3A_495 : vector<16xf32>
        %get3A_497 = arith.index_cast %add3A_486 : i32 to index
        %get3A_498 = arith.constant 32 : index
        %get3A_499 = tpu.vector_load %arg12[%get3A_497, %get3A_498] {strides = array<i32>} : memref<128x128xf32, #tpu.memory_space<vmem>>, vector<1x16xf32>,
        %get3A_500 = vector.shape_cast %get3A_499 : vector<1x16xf32> to vector<16xf32>
        %add3A_501 = arith.addf %add3A_477, %get3A_500 : vector<16xf32>
        %get3A_502 = arith.index_cast %add3A_486 : i32 to index
        %get3A_503 = arith.constant 48 : index
        %get3A_504 = tpu.vector_load %arg12[%get3A_502, %get3A_503] {strides = array<i32>} : memref<128x128xf32, #tpu.memory_space<vmem>>, vector<1x16xf32>,
        %get3A_505 = vector.shape_cast %get3A_504 : vector<1x16xf32> to vector<16xf32>
        %add3A_506 = arith.addf %add3A_482, %get3A_505 : vector<16xf32>
        %mul3A_507 = arith.constant 8 : i32
        %mul3A_508 = arith.muli %scan3A_359, %mul3A_507 : i32
        %add3A_509 = arith.constant 6 : i32
        %add3A_510 = arith.addi %mul3A_508, %add3A_509 : i32
        %get3A_511 = arith.index_cast %add3A_510 : i32 to index
        %get3A_512 = arith.constant 0 : index
        %get3A_513 = tpu.vector_load %arg12[%get3A_511, %get3A_512] {strides = array<i32>} : memref<128x128xf32, #tpu.memory_space<vmem>>, vector<1x16xf32>,
        %get3A_514 = vector.shape_cast %get3A_513 : vector<1x16xf32> to vector<16xf32>
        %add3A_515 = arith.addf %add3A_491, %get3A_514 : vector<16xf32>
        %get3A_516 = arith.index_cast %add3A_510 : i32 to index
        %get3A_517 = arith.constant 16 : index
        %get3A_518 = tpu.vector_load %arg12[%get3A_516, %get3A_517] {strides = array<i32>} : memref<128x128xf32, #tpu.memory_space<vmem>>, vector<1x16xf32>,
        %get3A_519 = vector.shape_cast %get3A_518 : vector<1x16xf32> to vector<16xf32>
        %add3A_520 = arith.addf %add3A_496, %get3A_519 : vector<16xf32>
        %get3A_521 = arith.index_cast %add3A_510 : i32 to index
        %get3A_522 = arith.constant 32 : index
        %get3A_523 = tpu.vector_load %arg12[%get3A_521, %get3A_522] {strides = array<i32>} : memref<128x128xf32, #tpu.memory_space<vmem>>, vector<1x16xf32>,
        %get3A_524 = vector.shape_cast %get3A_523 : vector<1x16xf32> to vector<16xf32>
        %add3A_525 = arith.addf %add3A_501, %get3A_524 : vector<16xf32>
        %get3A_526 = arith.index_cast %add3A_510 : i32 to index
        %get3A_527 = arith.constant 48 : index
        %get3A_528 = tpu.vector_load %arg12[%get3A_526, %get3A_527] {strides = array<i32>} : memref<128x128xf32, #tpu.memory_space<vmem>>, vector<1x16xf32>,
        %get3A_529 = vector.shape_cast %get3A_528 : vector<1x16xf32> to vector<16xf32>
        %add3A_530 = arith.addf %add3A_506, %get3A_529 : vector<16xf32>
        %mul3A_531 = arith.constant 8 : i32
        %mul3A_532 = arith.muli %scan3A_359, %mul3A_531 : i32
        %add3A_533 = arith.constant 7 : i32
        %add3A_534 = arith.addi %mul3A_532, %add3A_533 : i32
        %get3A_535 = arith.index_cast %add3A_534 : i32 to index
        %get3A_536 = arith.constant 0 : index
        %get3A_537 = tpu.vector_load %arg12[%get3A_535, %get3A_536] {strides = array<i32>} : memref<128x128xf32, #tpu.memory_space<vmem>>, vector<1x16xf32>,
        %get3A_538 = vector.shape_cast %get3A_537 : vector<1x16xf32> to vector<16xf32>
        %add3A_539 = arith.addf %add3A_515, %get3A_538 : vector<16xf32>
        %get3A_540 = arith.index_cast %add3A_534 : i32 to index
        %get3A_541 = arith.constant 16 : index
        %get3A_542 = tpu.vector_load %arg12[%get3A_540, %get3A_541] {strides = array<i32>} : memref<128x128xf32, #tpu.memory_space<vmem>>, vector<1x16xf32>,
        %get3A_543 = vector.shape_cast %get3A_542 : vector<1x16xf32> to vector<16xf32>
        %add3A_544 = arith.addf %add3A_520, %get3A_543 : vector<16xf32>
        %get3A_545 = arith.index_cast %add3A_534 : i32 to index
        %get3A_546 = arith.constant 32 : index
        %get3A_547 = tpu.vector_load %arg12[%get3A_545, %get3A_546] {strides = array<i32>} : memref<128x128xf32, #tpu.memory_space<vmem>>, vector<1x16xf32>,
        %get3A_548 = vector.shape_cast %get3A_547 : vector<1x16xf32> to vector<16xf32>
        %add3A_549 = arith.addf %add3A_525, %get3A_548 : vector<16xf32>
        %get3A_550 = arith.index_cast %add3A_534 : i32 to index
        %get3A_551 = arith.constant 48 : index
        %get3A_552 = tpu.vector_load %arg12[%get3A_550, %get3A_551] {strides = array<i32>} : memref<128x128xf32, #tpu.memory_space<vmem>>, vector<1x16xf32>,
        %get3A_553 = vector.shape_cast %get3A_552 : vector<1x16xf32> to vector<16xf32>
        %add3A_554 = arith.addf %add3A_530, %get3A_553 : vector<16xf32>
        scf.yield %add3A_539, %add3A_544, %add3A_549, %add3A_554 : vector<16xf32>, vector<16xf32>, vector<16xf32>, vector<16xf32>
      }
      %scan3A_324 = arith.constant 16 : i32
      %add3A_325 = arith.constant 1 : i32
      %add3A_326 = arith.addi %scan3A_219, %add3A_325 : i32
      %mul3A_327 = arith.constant 6 : i32
      %mul3A_328 = arith.muli %mul3A_327, %add3A_326 : i32
      %add3A_329 = arith.constant 4 : i32
      %add3A_330 = arith.addi %mul3A_328, %add3A_329 : i32
      %lt3A_331 = arith.constant 196 : i32
      %lt3A_332 = arith.cmpi slt, %add3A_330, %lt3A_331 : i32
      %convert_element_type3A_333 = arith.extui %lt3A_332 : i1 to i32
      %cond3A_334 = arith.constant 0 : i32
      %cond3A_335 = arith.cmpi ne, %convert_element_type3A_333, %cond3A_334 : i32
      scf.if %cond3A_335 {
        %add3A_359 = arith.constant 1 : i32
        %add3A_360 = arith.addi %scan3A_219, %add3A_359 : i32
        %mul3A_361 = arith.constant 6 : i32
        %mul3A_362 = arith.muli %mul3A_361, %add3A_360 : i32
        %add3A_363 = arith.constant 4 : i32
        %add3A_364 = arith.addi %mul3A_362, %add3A_363 : i32
        %mul3A_365 = arith.constant 128 : i32
        %mul3A_366 = arith.muli %add3A_364, %mul3A_365 : i32
        %multiple_of3A_367 = tpu.assume_multiple %mul3A_366, 128 : i32
        %dma_start3A_368 = tpu.memref_slice %arg7[%multiple_of3A_367] : memref<25088xi32, #tpu.memory_space<vmem>> -> memref<128xi32, #tpu.memory_space<vmem>>
        %dma_start3A_369 = arith.constant 0 : i32
        %dma_start3A_370 = arith.constant 0 : i32
        %dma_start3A_371 = tpu.memref_slice %arg3[%dma_start3A_369, %dma_start3A_370] : memref<1000000x128xf32, #tpu.memory_space<hbm>> -> memref<1000000x128xf32, #tpu.memory_space<hbm>>
        tpu.enqueue_indirect_dma source(%dma_start3A_371 : memref<1000000x128xf32, #tpu.memory_space<hbm>>) target(%arg12 : memref<128x128xf32, #tpu.memory_space<vmem>>) offsets(%dma_start3A_368 : memref<128xi32, #tpu.memory_space<vmem>>) semaphore(%arg21 : memref<!tpu.dma_semaphore, #tpu.memory_space<semaphore_mem>>)
      } else {
      }
      %dma_wait3A_336 = arith.constant 0 : i32
      %dma_wait3A_337 = arith.constant 0 : i32
      %dma_wait3A_338 = tpu.memref_slice %arg3[%dma_wait3A_336, %dma_wait3A_337] : memref<1000000x128xf32, #tpu.memory_space<hbm>> -> memref<128x128xf32, #tpu.memory_space<hbm>>
      %dma_wait3A_339 = arith.constant 0 : i32
      %dma_wait3A_340 = arith.constant 0 : i32
      %dma_wait3A_341 = tpu.memref_slice %arg3[%dma_wait3A_339, %dma_wait3A_340] : memref<1000000x128xf32, #tpu.memory_space<hbm>> -> memref<128x128xf32, #tpu.memory_space<hbm>>
      tpu.wait_dma2 semaphore(%arg22 : memref<!tpu.dma_semaphore, #tpu.memory_space<semaphore_mem>>) src(%dma_wait3A_341 : memref<128x128xf32, #tpu.memory_space<hbm>>) dst(%arg13 : memref<128x128xf32, #tpu.memory_space<vmem>>)
      %scan3A_342 = arith.constant 0 : i32
      %scan3A_343 = arith.constant 16 : i32
      %scan3A_344 = arith.addi %scan3A_342, %scan3A_343 : i32
      %scan3A_345 = arith.constant 1 : i32
      %scan3A_346:4 = scf.for %scan3A_359 = %scan3A_342 to %scan3A_344 step %scan3A_345 iter_args(%scan3A_360 = %scan3A_323#0, %scan3A_361 = %scan3A_323#1, %scan3A_362 = %scan3A_323#2, %scan3A_363 = %scan3A_323#3) -> (vector<16xf32>, vector<16xf32>, vector<16xf32>, vector<16xf32>)  : i32 {
        %mul3A_364 = arith.constant 8 : i32
        %mul3A_365 = arith.muli %scan3A_359, %mul3A_364 : i32
        %add3A_366 = arith.constant 0 : i32
        %add3A_367 = arith.addi %mul3A_365, %add3A_366 : i32
        %get3A = arith.index_cast %add3A_367 : i32 to index
        %get3A_368 = arith.constant 0 : index
        %get3A_369 = tpu.vector_load %arg13[%get3A, %get3A_368] {strides = array<i32>} : memref<128x128xf32, #tpu.memory_space<vmem>>, vector<1x16xf32>,
        %get3A_370 = vector.shape_cast %get3A_369 : vector<1x16xf32> to vector<16xf32>
        %add3A_371 = arith.addf %scan3A_360, %get3A_370 : vector<16xf32>
        %get3A_372 = arith.index_cast %add3A_367 : i32 to index
        %get3A_373 = arith.constant 16 : index
        %get3A_374 = tpu.vector_load %arg13[%get3A_372, %get3A_373] {strides = array<i32>} : memref<128x128xf32, #tpu.memory_space<vmem>>, vector<1x16xf32>,
        %get3A_375 = vector.shape_cast %get3A_374 : vector<1x16xf32> to vector<16xf32>
        %add3A_376 = arith.addf %scan3A_361, %get3A_375 : vector<16xf32>
        %get3A_377 = arith.index_cast %add3A_367 : i32 to index
        %get3A_378 = arith.constant 32 : index
        %get3A_379 = tpu.vector_load %arg13[%get3A_377, %get3A_378] {strides = array<i32>} : memref<128x128xf32, #tpu.memory_space<vmem>>, vector<1x16xf32>,
        %get3A_380 = vector.shape_cast %get3A_379 : vector<1x16xf32> to vector<16xf32>
        %add3A_381 = arith.addf %scan3A_362, %get3A_380 : vector<16xf32>
        %get3A_382 = arith.index_cast %add3A_367 : i32 to index
        %get3A_383 = arith.constant 48 : index
        %get3A_384 = tpu.vector_load %arg13[%get3A_382, %get3A_383] {strides = array<i32>} : memref<128x128xf32, #tpu.memory_space<vmem>>, vector<1x16xf32>,
        %get3A_385 = vector.shape_cast %get3A_384 : vector<1x16xf32> to vector<16xf32>
        %add3A_386 = arith.addf %scan3A_363, %get3A_385 : vector<16xf32>
        %mul3A_387 = arith.constant 8 : i32
        %mul3A_388 = arith.muli %scan3A_359, %mul3A_387 : i32
        %add3A_389 = arith.constant 1 : i32
        %add3A_390 = arith.addi %mul3A_388, %add3A_389 : i32
        %get3A_391 = arith.index_cast %add3A_390 : i32 to index
        %get3A_392 = arith.constant 0 : index
        %get3A_393 = tpu.vector_load %arg13[%get3A_391, %get3A_392] {strides = array<i32>} : memref<128x128xf32, #tpu.memory_space<vmem>>, vector<1x16xf32>,
        %get3A_394 = vector.shape_cast %get3A_393 : vector<1x16xf32> to vector<16xf32>
        %add3A_395 = arith.addf %add3A_371, %get3A_394 : vector<16xf32>
        %get3A_396 = arith.index_cast %add3A_390 : i32 to index
        %get3A_397 = arith.constant 16 : index
        %get3A_398 = tpu.vector_load %arg13[%get3A_396, %get3A_397] {strides = array<i32>} : memref<128x128xf32, #tpu.memory_space<vmem>>, vector<1x16xf32>,
        %get3A_399 = vector.shape_cast %get3A_398 : vector<1x16xf32> to vector<16xf32>
        %add3A_400 = arith.addf %add3A_376, %get3A_399 : vector<16xf32>
        %get3A_401 = arith.index_cast %add3A_390 : i32 to index
        %get3A_402 = arith.constant 32 : index
        %get3A_403 = tpu.vector_load %arg13[%get3A_401, %get3A_402] {strides = array<i32>} : memref<128x128xf32, #tpu.memory_space<vmem>>, vector<1x16xf32>,
        %get3A_404 = vector.shape_cast %get3A_403 : vector<1x16xf32> to vector<16xf32>
        %add3A_405 = arith.addf %add3A_381, %get3A_404 : vector<16xf32>
        %get3A_406 = arith.index_cast %add3A_390 : i32 to index
        %get3A_407 = arith.constant 48 : index
        %get3A_408 = tpu.vector_load %arg13[%get3A_406, %get3A_407] {strides = array<i32>} : memref<128x128xf32, #tpu.memory_space<vmem>>, vector<1x16xf32>,
        %get3A_409 = vector.shape_cast %get3A_408 : vector<1x16xf32> to vector<16xf32>
        %add3A_410 = arith.addf %add3A_386, %get3A_409 : vector<16xf32>
        %mul3A_411 = arith.constant 8 : i32
        %mul3A_412 = arith.muli %scan3A_359, %mul3A_411 : i32
        %add3A_413 = arith.constant 2 : i32
        %add3A_414 = arith.addi %mul3A_412, %add3A_413 : i32
        %get3A_415 = arith.index_cast %add3A_414 : i32 to index
        %get3A_416 = arith.constant 0 : index
        %get3A_417 = tpu.vector_load %arg13[%get3A_415, %get3A_416] {strides = array<i32>} : memref<128x128xf32, #tpu.memory_space<vmem>>, vector<1x16xf32>,
        %get3A_418 = vector.shape_cast %get3A_417 : vector<1x16xf32> to vector<16xf32>
        %add3A_419 = arith.addf %add3A_395, %get3A_418 : vector<16xf32>
        %get3A_420 = arith.index_cast %add3A_414 : i32 to index
        %get3A_421 = arith.constant 16 : index
        %get3A_422 = tpu.vector_load %arg13[%get3A_420, %get3A_421] {strides = array<i32>} : memref<128x128xf32, #tpu.memory_space<vmem>>, vector<1x16xf32>,
        %get3A_423 = vector.shape_cast %get3A_422 : vector<1x16xf32> to vector<16xf32>
        %add3A_424 = arith.addf %add3A_400, %get3A_423 : vector<16xf32>
        %get3A_425 = arith.index_cast %add3A_414 : i32 to index
        %get3A_426 = arith.constant 32 : index
        %get3A_427 = tpu.vector_load %arg13[%get3A_425, %get3A_426] {strides = array<i32>} : memref<128x128xf32, #tpu.memory_space<vmem>>, vector<1x16xf32>,
        %get3A_428 = vector.shape_cast %get3A_427 : vector<1x16xf32> to vector<16xf32>
        %add3A_429 = arith.addf %add3A_405, %get3A_428 : vector<16xf32>
        %get3A_430 = arith.index_cast %add3A_414 : i32 to index
        %get3A_431 = arith.constant 48 : index
        %get3A_432 = tpu.vector_load %arg13[%get3A_430, %get3A_431] {strides = array<i32>} : memref<128x128xf32, #tpu.memory_space<vmem>>, vector<1x16xf32>,
        %get3A_433 = vector.shape_cast %get3A_432 : vector<1x16xf32> to vector<16xf32>
        %add3A_434 = arith.addf %add3A_410, %get3A_433 : vector<16xf32>
        %mul3A_435 = arith.constant 8 : i32
        %mul3A_436 = arith.muli %scan3A_359, %mul3A_435 : i32
        %add3A_437 = arith.constant 3 : i32
        %add3A_438 = arith.addi %mul3A_436, %add3A_437 : i32
        %get3A_439 = arith.index_cast %add3A_438 : i32 to index
        %get3A_440 = arith.constant 0 : index
        %get3A_441 = tpu.vector_load %arg13[%get3A_439, %get3A_440] {strides = array<i32>} : memref<128x128xf32, #tpu.memory_space<vmem>>, vector<1x16xf32>,
        %get3A_442 = vector.shape_cast %get3A_441 : vector<1x16xf32> to vector<16xf32>
        %add3A_443 = arith.addf %add3A_419, %get3A_442 : vector<16xf32>
        %get3A_444 = arith.index_cast %add3A_438 : i32 to index
        %get3A_445 = arith.constant 16 : index
        %get3A_446 = tpu.vector_load %arg13[%get3A_444, %get3A_445] {strides = array<i32>} : memref<128x128xf32, #tpu.memory_space<vmem>>, vector<1x16xf32>,
        %get3A_447 = vector.shape_cast %get3A_446 : vector<1x16xf32> to vector<16xf32>
        %add3A_448 = arith.addf %add3A_424, %get3A_447 : vector<16xf32>
        %get3A_449 = arith.index_cast %add3A_438 : i32 to index
        %get3A_450 = arith.constant 32 : index
        %get3A_451 = tpu.vector_load %arg13[%get3A_449, %get3A_450] {strides = array<i32>} : memref<128x128xf32, #tpu.memory_space<vmem>>, vector<1x16xf32>,
        %get3A_452 = vector.shape_cast %get3A_451 : vector<1x16xf32> to vector<16xf32>
        %add3A_453 = arith.addf %add3A_429, %get3A_452 : vector<16xf32>
        %get3A_454 = arith.index_cast %add3A_438 : i32 to index
        %get3A_455 = arith.constant 48 : index
        %get3A_456 = tpu.vector_load %arg13[%get3A_454, %get3A_455] {strides = array<i32>} : memref<128x128xf32, #tpu.memory_space<vmem>>, vector<1x16xf32>,
        %get3A_457 = vector.shape_cast %get3A_456 : vector<1x16xf32> to vector<16xf32>
        %add3A_458 = arith.addf %add3A_434, %get3A_457 : vector<16xf32>
        %mul3A_459 = arith.constant 8 : i32
        %mul3A_460 = arith.muli %scan3A_359, %mul3A_459 : i32
        %add3A_461 = arith.constant 4 : i32
        %add3A_462 = arith.addi %mul3A_460, %add3A_461 : i32
        %get3A_463 = arith.index_cast %add3A_462 : i32 to index
        %get3A_464 = arith.constant 0 : index
        %get3A_465 = tpu.vector_load %arg13[%get3A_463, %get3A_464] {strides = array<i32>} : memref<128x128xf32, #tpu.memory_space<vmem>>, vector<1x16xf32>,
        %get3A_466 = vector.shape_cast %get3A_465 : vector<1x16xf32> to vector<16xf32>
        %add3A_467 = arith.addf %add3A_443, %get3A_466 : vector<16xf32>
        %get3A_468 = arith.index_cast %add3A_462 : i32 to index
        %get3A_469 = arith.constant 16 : index
        %get3A_470 = tpu.vector_load %arg13[%get3A_468, %get3A_469] {strides = array<i32>} : memref<128x128xf32, #tpu.memory_space<vmem>>, vector<1x16xf32>,
        %get3A_471 = vector.shape_cast %get3A_470 : vector<1x16xf32> to vector<16xf32>
        %add3A_472 = arith.addf %add3A_448, %get3A_471 : vector<16xf32>
        %get3A_473 = arith.index_cast %add3A_462 : i32 to index
        %get3A_474 = arith.constant 32 : index
        %get3A_475 = tpu.vector_load %arg13[%get3A_473, %get3A_474] {strides = array<i32>} : memref<128x128xf32, #tpu.memory_space<vmem>>, vector<1x16xf32>,
        %get3A_476 = vector.shape_cast %get3A_475 : vector<1x16xf32> to vector<16xf32>
        %add3A_477 = arith.addf %add3A_453, %get3A_476 : vector<16xf32>
        %get3A_478 = arith.index_cast %add3A_462 : i32 to index
        %get3A_479 = arith.constant 48 : index
        %get3A_480 = tpu.vector_load %arg13[%get3A_478, %get3A_479] {strides = array<i32>} : memref<128x128xf32, #tpu.memory_space<vmem>>, vector<1x16xf32>,
        %get3A_481 = vector.shape_cast %get3A_480 : vector<1x16xf32> to vector<16xf32>
        %add3A_482 = arith.addf %add3A_458, %get3A_481 : vector<16xf32>
        %mul3A_483 = arith.constant 8 : i32
        %mul3A_484 = arith.muli %scan3A_359, %mul3A_483 : i32
        %add3A_485 = arith.constant 5 : i32
        %add3A_486 = arith.addi %mul3A_484, %add3A_485 : i32
        %get3A_487 = arith.index_cast %add3A_486 : i32 to index
        %get3A_488 = arith.constant 0 : index
        %get3A_489 = tpu.vector_load %arg13[%get3A_487, %get3A_488] {strides = array<i32>} : memref<128x128xf32, #tpu.memory_space<vmem>>, vector<1x16xf32>,
        %get3A_490 = vector.shape_cast %get3A_489 : vector<1x16xf32> to vector<16xf32>
        %add3A_491 = arith.addf %add3A_467, %get3A_490 : vector<16xf32>
        %get3A_492 = arith.index_cast %add3A_486 : i32 to index
        %get3A_493 = arith.constant 16 : index
        %get3A_494 = tpu.vector_load %arg13[%get3A_492, %get3A_493] {strides = array<i32>} : memref<128x128xf32, #tpu.memory_space<vmem>>, vector<1x16xf32>,
        %get3A_495 = vector.shape_cast %get3A_494 : vector<1x16xf32> to vector<16xf32>
        %add3A_496 = arith.addf %add3A_472, %get3A_495 : vector<16xf32>
        %get3A_497 = arith.index_cast %add3A_486 : i32 to index
        %get3A_498 = arith.constant 32 : index
        %get3A_499 = tpu.vector_load %arg13[%get3A_497, %get3A_498] {strides = array<i32>} : memref<128x128xf32, #tpu.memory_space<vmem>>, vector<1x16xf32>,
        %get3A_500 = vector.shape_cast %get3A_499 : vector<1x16xf32> to vector<16xf32>
        %add3A_501 = arith.addf %add3A_477, %get3A_500 : vector<16xf32>
        %get3A_502 = arith.index_cast %add3A_486 : i32 to index
        %get3A_503 = arith.constant 48 : index
        %get3A_504 = tpu.vector_load %arg13[%get3A_502, %get3A_503] {strides = array<i32>} : memref<128x128xf32, #tpu.memory_space<vmem>>, vector<1x16xf32>,
        %get3A_505 = vector.shape_cast %get3A_504 : vector<1x16xf32> to vector<16xf32>
        %add3A_506 = arith.addf %add3A_482, %get3A_505 : vector<16xf32>
        %mul3A_507 = arith.constant 8 : i32
        %mul3A_508 = arith.muli %scan3A_359, %mul3A_507 : i32
        %add3A_509 = arith.constant 6 : i32
        %add3A_510 = arith.addi %mul3A_508, %add3A_509 : i32
        %get3A_511 = arith.index_cast %add3A_510 : i32 to index
        %get3A_512 = arith.constant 0 : index
        %get3A_513 = tpu.vector_load %arg13[%get3A_511, %get3A_512] {strides = array<i32>} : memref<128x128xf32, #tpu.memory_space<vmem>>, vector<1x16xf32>,
        %get3A_514 = vector.shape_cast %get3A_513 : vector<1x16xf32> to vector<16xf32>
        %add3A_515 = arith.addf %add3A_491, %get3A_514 : vector<16xf32>
        %get3A_516 = arith.index_cast %add3A_510 : i32 to index
        %get3A_517 = arith.constant 16 : index
        %get3A_518 = tpu.vector_load %arg13[%get3A_516, %get3A_517] {strides = array<i32>} : memref<128x128xf32, #tpu.memory_space<vmem>>, vector<1x16xf32>,
        %get3A_519 = vector.shape_cast %get3A_518 : vector<1x16xf32> to vector<16xf32>
        %add3A_520 = arith.addf %add3A_496, %get3A_519 : vector<16xf32>
        %get3A_521 = arith.index_cast %add3A_510 : i32 to index
        %get3A_522 = arith.constant 32 : index
        %get3A_523 = tpu.vector_load %arg13[%get3A_521, %get3A_522] {strides = array<i32>} : memref<128x128xf32, #tpu.memory_space<vmem>>, vector<1x16xf32>,
        %get3A_524 = vector.shape_cast %get3A_523 : vector<1x16xf32> to vector<16xf32>
        %add3A_525 = arith.addf %add3A_501, %get3A_524 : vector<16xf32>
        %get3A_526 = arith.index_cast %add3A_510 : i32 to index
        %get3A_527 = arith.constant 48 : index
        %get3A_528 = tpu.vector_load %arg13[%get3A_526, %get3A_527] {strides = array<i32>} : memref<128x128xf32, #tpu.memory_space<vmem>>, vector<1x16xf32>,
        %get3A_529 = vector.shape_cast %get3A_528 : vector<1x16xf32> to vector<16xf32>
        %add3A_530 = arith.addf %add3A_506, %get3A_529 : vector<16xf32>
        %mul3A_531 = arith.constant 8 : i32
        %mul3A_532 = arith.muli %scan3A_359, %mul3A_531 : i32
        %add3A_533 = arith.constant 7 : i32
        %add3A_534 = arith.addi %mul3A_532, %add3A_533 : i32
        %get3A_535 = arith.index_cast %add3A_534 : i32 to index
        %get3A_536 = arith.constant 0 : index
        %get3A_537 = tpu.vector_load %arg13[%get3A_535, %get3A_536] {strides = array<i32>} : memref<128x128xf32, #tpu.memory_space<vmem>>, vector<1x16xf32>,
        %get3A_538 = vector.shape_cast %get3A_537 : vector<1x16xf32> to vector<16xf32>
        %add3A_539 = arith.addf %add3A_515, %get3A_538 : vector<16xf32>
        %get3A_540 = arith.index_cast %add3A_534 : i32 to index
        %get3A_541 = arith.constant 16 : index
        %get3A_542 = tpu.vector_load %arg13[%get3A_540, %get3A_541] {strides = array<i32>} : memref<128x128xf32, #tpu.memory_space<vmem>>, vector<1x16xf32>,
        %get3A_543 = vector.shape_cast %get3A_542 : vector<1x16xf32> to vector<16xf32>
        %add3A_544 = arith.addf %add3A_520, %get3A_543 : vector<16xf32>
        %get3A_545 = arith.index_cast %add3A_534 : i32 to index
        %get3A_546 = arith.constant 32 : index
        %get3A_547 = tpu.vector_load %arg13[%get3A_545, %get3A_546] {strides = array<i32>} : memref<128x128xf32, #tpu.memory_space<vmem>>, vector<1x16xf32>,
        %get3A_548 = vector.shape_cast %get3A_547 : vector<1x16xf32> to vector<16xf32>
        %add3A_549 = arith.addf %add3A_525, %get3A_548 : vector<16xf32>
        %get3A_550 = arith.index_cast %add3A_534 : i32 to index
        %get3A_551 = arith.constant 48 : index
        %get3A_552 = tpu.vector_load %arg13[%get3A_550, %get3A_551] {strides = array<i32>} : memref<128x128xf32, #tpu.memory_space<vmem>>, vector<1x16xf32>,
        %get3A_553 = vector.shape_cast %get3A_552 : vector<1x16xf32> to vector<16xf32>
        %add3A_554 = arith.addf %add3A_530, %get3A_553 : vector<16xf32>
        scf.yield %add3A_539, %add3A_544, %add3A_549, %add3A_554 : vector<16xf32>, vector<16xf32>, vector<16xf32>, vector<16xf32>
      }
      %scan3A_347 = arith.constant 16 : i32
      %add3A_348 = arith.constant 1 : i32
      %add3A_349 = arith.addi %scan3A_219, %add3A_348 : i32
      %mul3A_350 = arith.constant 6 : i32
      %mul3A_351 = arith.muli %mul3A_350, %add3A_349 : i32
      %add3A_352 = arith.constant 5 : i32
      %add3A_353 = arith.addi %mul3A_351, %add3A_352 : i32
      %lt3A_354 = arith.constant 196 : i32
      %lt3A_355 = arith.cmpi slt, %add3A_353, %lt3A_354 : i32
      %convert_element_type3A_356 = arith.extui %lt3A_355 : i1 to i32
      %cond3A_357 = arith.constant 0 : i32
      %cond3A_358 = arith.cmpi ne, %convert_element_type3A_356, %cond3A_357 : i32
      scf.if %cond3A_358 {
        %add3A_359 = arith.constant 1 : i32
        %add3A_360 = arith.addi %scan3A_219, %add3A_359 : i32
        %mul3A_361 = arith.constant 6 : i32
        %mul3A_362 = arith.muli %mul3A_361, %add3A_360 : i32
        %add3A_363 = arith.constant 5 : i32
        %add3A_364 = arith.addi %mul3A_362, %add3A_363 : i32
        %mul3A_365 = arith.constant 128 : i32
        %mul3A_366 = arith.muli %add3A_364, %mul3A_365 : i32
        %multiple_of3A_367 = tpu.assume_multiple %mul3A_366, 128 : i32
        %dma_start3A_368 = tpu.memref_slice %arg7[%multiple_of3A_367] : memref<25088xi32, #tpu.memory_space<vmem>> -> memref<128xi32, #tpu.memory_space<vmem>>
        %dma_start3A_369 = arith.constant 0 : i32
        %dma_start3A_370 = arith.constant 0 : i32
        %dma_start3A_371 = tpu.memref_slice %arg3[%dma_start3A_369, %dma_start3A_370] : memref<1000000x128xf32, #tpu.memory_space<hbm>> -> memref<1000000x128xf32, #tpu.memory_space<hbm>>
        tpu.enqueue_indirect_dma source(%dma_start3A_371 : memref<1000000x128xf32, #tpu.memory_space<hbm>>) target(%arg13 : memref<128x128xf32, #tpu.memory_space<vmem>>) offsets(%dma_start3A_368 : memref<128xi32, #tpu.memory_space<vmem>>) semaphore(%arg22 : memref<!tpu.dma_semaphore, #tpu.memory_space<semaphore_mem>>)
      } else {
      }
      scf.yield %scan3A_346#0, %scan3A_346#1, %scan3A_346#2, %scan3A_346#3 : vector<16xf32>, vector<16xf32>, vector<16xf32>, vector<16xf32>
    }
    %scan3A_139 = arith.constant 32 : i32
    %dma_wait3A_140 = arith.constant 0 : i32
    %dma_wait3A_141 = arith.constant 0 : i32
    %dma_wait3A_142 = tpu.memref_slice %arg3[%dma_wait3A_140, %dma_wait3A_141] : memref<1000000x128xf32, #tpu.memory_space<hbm>> -> memref<128x128xf32, #tpu.memory_space<hbm>>
    %dma_wait3A_143 = arith.constant 0 : i32
    %dma_wait3A_144 = arith.constant 0 : i32
    %dma_wait3A_145 = tpu.memref_slice %arg3[%dma_wait3A_143, %dma_wait3A_144] : memref<1000000x128xf32, #tpu.memory_space<hbm>> -> memref<128x128xf32, #tpu.memory_space<hbm>>
    tpu.wait_dma2 semaphore(%arg17 : memref<!tpu.dma_semaphore, #tpu.memory_space<semaphore_mem>>) src(%dma_wait3A_145 : memref<128x128xf32, #tpu.memory_space<hbm>>) dst(%arg8 : memref<128x128xf32, #tpu.memory_space<vmem>>)
    %scan3A_146 = arith.constant 0 : i32
    %scan3A_147 = arith.constant 16 : i32
    %scan3A_148 = arith.addi %scan3A_146, %scan3A_147 : i32
    %scan3A_149 = arith.constant 1 : i32
    %scan3A_150:4 = scf.for %scan3A_219 = %scan3A_146 to %scan3A_148 step %scan3A_149 iter_args(%scan3A_220 = %scan3A_138#0, %scan3A_221 = %scan3A_138#1, %scan3A_222 = %scan3A_138#2, %scan3A_223 = %scan3A_138#3) -> (vector<16xf32>, vector<16xf32>, vector<16xf32>, vector<16xf32>)  : i32 {
      %mul3A_224 = arith.constant 8 : i32
      %mul3A_225 = arith.muli %scan3A_219, %mul3A_224 : i32
      %add3A_226 = arith.constant 0 : i32
      %add3A_227 = arith.addi %mul3A_225, %add3A_226 : i32
      %get3A = arith.index_cast %add3A_227 : i32 to index
      %get3A_228 = arith.constant 0 : index
      %get3A_229 = tpu.vector_load %arg8[%get3A, %get3A_228] {strides = array<i32>} : memref<128x128xf32, #tpu.memory_space<vmem>>, vector<1x16xf32>,
      %get3A_230 = vector.shape_cast %get3A_229 : vector<1x16xf32> to vector<16xf32>
      %add3A_231 = arith.addf %scan3A_220, %get3A_230 : vector<16xf32>
      %get3A_232 = arith.index_cast %add3A_227 : i32 to index
      %get3A_233 = arith.constant 16 : index
      %get3A_234 = tpu.vector_load %arg8[%get3A_232, %get3A_233] {strides = array<i32>} : memref<128x128xf32, #tpu.memory_space<vmem>>, vector<1x16xf32>,
      %get3A_235 = vector.shape_cast %get3A_234 : vector<1x16xf32> to vector<16xf32>
      %add3A_236 = arith.addf %scan3A_221, %get3A_235 : vector<16xf32>
      %get3A_237 = arith.index_cast %add3A_227 : i32 to index
      %get3A_238 = arith.constant 32 : index
      %get3A_239 = tpu.vector_load %arg8[%get3A_237, %get3A_238] {strides = array<i32>} : memref<128x128xf32, #tpu.memory_space<vmem>>, vector<1x16xf32>,
      %get3A_240 = vector.shape_cast %get3A_239 : vector<1x16xf32> to vector<16xf32>
      %add3A_241 = arith.addf %scan3A_222, %get3A_240 : vector<16xf32>
      %get3A_242 = arith.index_cast %add3A_227 : i32 to index
      %get3A_243 = arith.constant 48 : index
      %get3A_244 = tpu.vector_load %arg8[%get3A_242, %get3A_243] {strides = array<i32>} : memref<128x128xf32, #tpu.memory_space<vmem>>, vector<1x16xf32>,
      %get3A_245 = vector.shape_cast %get3A_244 : vector<1x16xf32> to vector<16xf32>
      %add3A_246 = arith.addf %scan3A_223, %get3A_245 : vector<16xf32>
      %mul3A_247 = arith.constant 8 : i32
      %mul3A_248 = arith.muli %scan3A_219, %mul3A_247 : i32
      %add3A_249 = arith.constant 1 : i32
      %add3A_250 = arith.addi %mul3A_248, %add3A_249 : i32
      %get3A_251 = arith.index_cast %add3A_250 : i32 to index
      %get3A_252 = arith.constant 0 : index
      %get3A_253 = tpu.vector_load %arg8[%get3A_251, %get3A_252] {strides = array<i32>} : memref<128x128xf32, #tpu.memory_space<vmem>>, vector<1x16xf32>,
      %get3A_254 = vector.shape_cast %get3A_253 : vector<1x16xf32> to vector<16xf32>
      %add3A_255 = arith.addf %add3A_231, %get3A_254 : vector<16xf32>
      %get3A_256 = arith.index_cast %add3A_250 : i32 to index
      %get3A_257 = arith.constant 16 : index
      %get3A_258 = tpu.vector_load %arg8[%get3A_256, %get3A_257] {strides = array<i32>} : memref<128x128xf32, #tpu.memory_space<vmem>>, vector<1x16xf32>,
      %get3A_259 = vector.shape_cast %get3A_258 : vector<1x16xf32> to vector<16xf32>
      %add3A_260 = arith.addf %add3A_236, %get3A_259 : vector<16xf32>
      %get3A_261 = arith.index_cast %add3A_250 : i32 to index
      %get3A_262 = arith.constant 32 : index
      %get3A_263 = tpu.vector_load %arg8[%get3A_261, %get3A_262] {strides = array<i32>} : memref<128x128xf32, #tpu.memory_space<vmem>>, vector<1x16xf32>,
      %get3A_264 = vector.shape_cast %get3A_263 : vector<1x16xf32> to vector<16xf32>
      %add3A_265 = arith.addf %add3A_241, %get3A_264 : vector<16xf32>
      %get3A_266 = arith.index_cast %add3A_250 : i32 to index
      %get3A_267 = arith.constant 48 : index
      %get3A_268 = tpu.vector_load %arg8[%get3A_266, %get3A_267] {strides = array<i32>} : memref<128x128xf32, #tpu.memory_space<vmem>>, vector<1x16xf32>,
      %get3A_269 = vector.shape_cast %get3A_268 : vector<1x16xf32> to vector<16xf32>
      %add3A_270 = arith.addf %add3A_246, %get3A_269 : vector<16xf32>
      %mul3A_271 = arith.constant 8 : i32
      %mul3A_272 = arith.muli %scan3A_219, %mul3A_271 : i32
      %add3A_273 = arith.constant 2 : i32
      %add3A_274 = arith.addi %mul3A_272, %add3A_273 : i32
      %get3A_275 = arith.index_cast %add3A_274 : i32 to index
      %get3A_276 = arith.constant 0 : index
      %get3A_277 = tpu.vector_load %arg8[%get3A_275, %get3A_276] {strides = array<i32>} : memref<128x128xf32, #tpu.memory_space<vmem>>, vector<1x16xf32>,
      %get3A_278 = vector.shape_cast %get3A_277 : vector<1x16xf32> to vector<16xf32>
      %add3A_279 = arith.addf %add3A_255, %get3A_278 : vector<16xf32>
      %get3A_280 = arith.index_cast %add3A_274 : i32 to index
      %get3A_281 = arith.constant 16 : index
      %get3A_282 = tpu.vector_load %arg8[%get3A_280, %get3A_281] {strides = array<i32>} : memref<128x128xf32, #tpu.memory_space<vmem>>, vector<1x16xf32>,
      %get3A_283 = vector.shape_cast %get3A_282 : vector<1x16xf32> to vector<16xf32>
      %add3A_284 = arith.addf %add3A_260, %get3A_283 : vector<16xf32>
      %get3A_285 = arith.index_cast %add3A_274 : i32 to index
      %get3A_286 = arith.constant 32 : index
      %get3A_287 = tpu.vector_load %arg8[%get3A_285, %get3A_286] {strides = array<i32>} : memref<128x128xf32, #tpu.memory_space<vmem>>, vector<1x16xf32>,
      %get3A_288 = vector.shape_cast %get3A_287 : vector<1x16xf32> to vector<16xf32>
      %add3A_289 = arith.addf %add3A_265, %get3A_288 : vector<16xf32>
      %get3A_290 = arith.index_cast %add3A_274 : i32 to index
      %get3A_291 = arith.constant 48 : index
      %get3A_292 = tpu.vector_load %arg8[%get3A_290, %get3A_291] {strides = array<i32>} : memref<128x128xf32, #tpu.memory_space<vmem>>, vector<1x16xf32>,
      %get3A_293 = vector.shape_cast %get3A_292 : vector<1x16xf32> to vector<16xf32>
      %add3A_294 = arith.addf %add3A_270, %get3A_293 : vector<16xf32>
      %mul3A_295 = arith.constant 8 : i32
      %mul3A_296 = arith.muli %scan3A_219, %mul3A_295 : i32
      %add3A_297 = arith.constant 3 : i32
      %add3A_298 = arith.addi %mul3A_296, %add3A_297 : i32
      %get3A_299 = arith.index_cast %add3A_298 : i32 to index
      %get3A_300 = arith.constant 0 : index
      %get3A_301 = tpu.vector_load %arg8[%get3A_299, %get3A_300] {strides = array<i32>} : memref<128x128xf32, #tpu.memory_space<vmem>>, vector<1x16xf32>,
      %get3A_302 = vector.shape_cast %get3A_301 : vector<1x16xf32> to vector<16xf32>
      %add3A_303 = arith.addf %add3A_279, %get3A_302 : vector<16xf32>
      %get3A_304 = arith.index_cast %add3A_298 : i32 to index
      %get3A_305 = arith.constant 16 : index
      %get3A_306 = tpu.vector_load %arg8[%get3A_304, %get3A_305] {strides = array<i32>} : memref<128x128xf32, #tpu.memory_space<vmem>>, vector<1x16xf32>,
      %get3A_307 = vector.shape_cast %get3A_306 : vector<1x16xf32> to vector<16xf32>
      %add3A_308 = arith.addf %add3A_284, %get3A_307 : vector<16xf32>
      %get3A_309 = arith.index_cast %add3A_298 : i32 to index
      %get3A_310 = arith.constant 32 : index
      %get3A_311 = tpu.vector_load %arg8[%get3A_309, %get3A_310] {strides = array<i32>} : memref<128x128xf32, #tpu.memory_space<vmem>>, vector<1x16xf32>,
      %get3A_312 = vector.shape_cast %get3A_311 : vector<1x16xf32> to vector<16xf32>
      %add3A_313 = arith.addf %add3A_289, %get3A_312 : vector<16xf32>
      %get3A_314 = arith.index_cast %add3A_298 : i32 to index
      %get3A_315 = arith.constant 48 : index
      %get3A_316 = tpu.vector_load %arg8[%get3A_314, %get3A_315] {strides = array<i32>} : memref<128x128xf32, #tpu.memory_space<vmem>>, vector<1x16xf32>,
      %get3A_317 = vector.shape_cast %get3A_316 : vector<1x16xf32> to vector<16xf32>
      %add3A_318 = arith.addf %add3A_294, %get3A_317 : vector<16xf32>
      %mul3A_319 = arith.constant 8 : i32
      %mul3A_320 = arith.muli %scan3A_219, %mul3A_319 : i32
      %add3A_321 = arith.constant 4 : i32
      %add3A_322 = arith.addi %mul3A_320, %add3A_321 : i32
      %get3A_323 = arith.index_cast %add3A_322 : i32 to index
      %get3A_324 = arith.constant 0 : index
      %get3A_325 = tpu.vector_load %arg8[%get3A_323, %get3A_324] {strides = array<i32>} : memref<128x128xf32, #tpu.memory_space<vmem>>, vector<1x16xf32>,
      %get3A_326 = vector.shape_cast %get3A_325 : vector<1x16xf32> to vector<16xf32>
      %add3A_327 = arith.addf %add3A_303, %get3A_326 : vector<16xf32>
      %get3A_328 = arith.index_cast %add3A_322 : i32 to index
      %get3A_329 = arith.constant 16 : index
      %get3A_330 = tpu.vector_load %arg8[%get3A_328, %get3A_329] {strides = array<i32>} : memref<128x128xf32, #tpu.memory_space<vmem>>, vector<1x16xf32>,
      %get3A_331 = vector.shape_cast %get3A_330 : vector<1x16xf32> to vector<16xf32>
      %add3A_332 = arith.addf %add3A_308, %get3A_331 : vector<16xf32>
      %get3A_333 = arith.index_cast %add3A_322 : i32 to index
      %get3A_334 = arith.constant 32 : index
      %get3A_335 = tpu.vector_load %arg8[%get3A_333, %get3A_334] {strides = array<i32>} : memref<128x128xf32, #tpu.memory_space<vmem>>, vector<1x16xf32>,
      %get3A_336 = vector.shape_cast %get3A_335 : vector<1x16xf32> to vector<16xf32>
      %add3A_337 = arith.addf %add3A_313, %get3A_336 : vector<16xf32>
      %get3A_338 = arith.index_cast %add3A_322 : i32 to index
      %get3A_339 = arith.constant 48 : index
      %get3A_340 = tpu.vector_load %arg8[%get3A_338, %get3A_339] {strides = array<i32>} : memref<128x128xf32, #tpu.memory_space<vmem>>, vector<1x16xf32>,
      %get3A_341 = vector.shape_cast %get3A_340 : vector<1x16xf32> to vector<16xf32>
      %add3A_342 = arith.addf %add3A_318, %get3A_341 : vector<16xf32>
      %mul3A_343 = arith.constant 8 : i32
      %mul3A_344 = arith.muli %scan3A_219, %mul3A_343 : i32
      %add3A_345 = arith.constant 5 : i32
      %add3A_346 = arith.addi %mul3A_344, %add3A_345 : i32
      %get3A_347 = arith.index_cast %add3A_346 : i32 to index
      %get3A_348 = arith.constant 0 : index
      %get3A_349 = tpu.vector_load %arg8[%get3A_347, %get3A_348] {strides = array<i32>} : memref<128x128xf32, #tpu.memory_space<vmem>>, vector<1x16xf32>,
      %get3A_350 = vector.shape_cast %get3A_349 : vector<1x16xf32> to vector<16xf32>
      %add3A_351 = arith.addf %add3A_327, %get3A_350 : vector<16xf32>
      %get3A_352 = arith.index_cast %add3A_346 : i32 to index
      %get3A_353 = arith.constant 16 : index
      %get3A_354 = tpu.vector_load %arg8[%get3A_352, %get3A_353] {strides = array<i32>} : memref<128x128xf32, #tpu.memory_space<vmem>>, vector<1x16xf32>,
      %get3A_355 = vector.shape_cast %get3A_354 : vector<1x16xf32> to vector<16xf32>
      %add3A_356 = arith.addf %add3A_332, %get3A_355 : vector<16xf32>
      %get3A_357 = arith.index_cast %add3A_346 : i32 to index
      %get3A_358 = arith.constant 32 : index
      %get3A_359 = tpu.vector_load %arg8[%get3A_357, %get3A_358] {strides = array<i32>} : memref<128x128xf32, #tpu.memory_space<vmem>>, vector<1x16xf32>,
      %get3A_360 = vector.shape_cast %get3A_359 : vector<1x16xf32> to vector<16xf32>
      %add3A_361 = arith.addf %add3A_337, %get3A_360 : vector<16xf32>
      %get3A_362 = arith.index_cast %add3A_346 : i32 to index
      %get3A_363 = arith.constant 48 : index
      %get3A_364 = tpu.vector_load %arg8[%get3A_362, %get3A_363] {strides = array<i32>} : memref<128x128xf32, #tpu.memory_space<vmem>>, vector<1x16xf32>,
      %get3A_365 = vector.shape_cast %get3A_364 : vector<1x16xf32> to vector<16xf32>
      %add3A_366 = arith.addf %add3A_342, %get3A_365 : vector<16xf32>
      %mul3A_367 = arith.constant 8 : i32
      %mul3A_368 = arith.muli %scan3A_219, %mul3A_367 : i32
      %add3A_369 = arith.constant 6 : i32
      %add3A_370 = arith.addi %mul3A_368, %add3A_369 : i32
      %get3A_371 = arith.index_cast %add3A_370 : i32 to index
      %get3A_372 = arith.constant 0 : index
      %get3A_373 = tpu.vector_load %arg8[%get3A_371, %get3A_372] {strides = array<i32>} : memref<128x128xf32, #tpu.memory_space<vmem>>, vector<1x16xf32>,
      %get3A_374 = vector.shape_cast %get3A_373 : vector<1x16xf32> to vector<16xf32>
      %add3A_375 = arith.addf %add3A_351, %get3A_374 : vector<16xf32>
      %get3A_376 = arith.index_cast %add3A_370 : i32 to index
      %get3A_377 = arith.constant 16 : index
      %get3A_378 = tpu.vector_load %arg8[%get3A_376, %get3A_377] {strides = array<i32>} : memref<128x128xf32, #tpu.memory_space<vmem>>, vector<1x16xf32>,
      %get3A_379 = vector.shape_cast %get3A_378 : vector<1x16xf32> to vector<16xf32>
      %add3A_380 = arith.addf %add3A_356, %get3A_379 : vector<16xf32>
      %get3A_381 = arith.index_cast %add3A_370 : i32 to index
      %get3A_382 = arith.constant 32 : index
      %get3A_383 = tpu.vector_load %arg8[%get3A_381, %get3A_382] {strides = array<i32>} : memref<128x128xf32, #tpu.memory_space<vmem>>, vector<1x16xf32>,
      %get3A_384 = vector.shape_cast %get3A_383 : vector<1x16xf32> to vector<16xf32>
      %add3A_385 = arith.addf %add3A_361, %get3A_384 : vector<16xf32>
      %get3A_386 = arith.index_cast %add3A_370 : i32 to index
      %get3A_387 = arith.constant 48 : index
      %get3A_388 = tpu.vector_load %arg8[%get3A_386, %get3A_387] {strides = array<i32>} : memref<128x128xf32, #tpu.memory_space<vmem>>, vector<1x16xf32>,
      %get3A_389 = vector.shape_cast %get3A_388 : vector<1x16xf32> to vector<16xf32>
      %add3A_390 = arith.addf %add3A_366, %get3A_389 : vector<16xf32>
      %mul3A_391 = arith.constant 8 : i32
      %mul3A_392 = arith.muli %scan3A_219, %mul3A_391 : i32
      %add3A_393 = arith.constant 7 : i32
      %add3A_394 = arith.addi %mul3A_392, %add3A_393 : i32
      %get3A_395 = arith.index_cast %add3A_394 : i32 to index
      %get3A_396 = arith.constant 0 : index
      %get3A_397 = tpu.vector_load %arg8[%get3A_395, %get3A_396] {strides = array<i32>} : memref<128x128xf32, #tpu.memory_space<vmem>>, vector<1x16xf32>,
      %get3A_398 = vector.shape_cast %get3A_397 : vector<1x16xf32> to vector<16xf32>
      %add3A_399 = arith.addf %add3A_375, %get3A_398 : vector<16xf32>
      %get3A_400 = arith.index_cast %add3A_394 : i32 to index
      %get3A_401 = arith.constant 16 : index
      %get3A_402 = tpu.vector_load %arg8[%get3A_400, %get3A_401] {strides = array<i32>} : memref<128x128xf32, #tpu.memory_space<vmem>>, vector<1x16xf32>,
      %get3A_403 = vector.shape_cast %get3A_402 : vector<1x16xf32> to vector<16xf32>
      %add3A_404 = arith.addf %add3A_380, %get3A_403 : vector<16xf32>
      %get3A_405 = arith.index_cast %add3A_394 : i32 to index
      %get3A_406 = arith.constant 32 : index
      %get3A_407 = tpu.vector_load %arg8[%get3A_405, %get3A_406] {strides = array<i32>} : memref<128x128xf32, #tpu.memory_space<vmem>>, vector<1x16xf32>,
      %get3A_408 = vector.shape_cast %get3A_407 : vector<1x16xf32> to vector<16xf32>
      %add3A_409 = arith.addf %add3A_385, %get3A_408 : vector<16xf32>
      %get3A_410 = arith.index_cast %add3A_394 : i32 to index
      %get3A_411 = arith.constant 48 : index
      %get3A_412 = tpu.vector_load %arg8[%get3A_410, %get3A_411] {strides = array<i32>} : memref<128x128xf32, #tpu.memory_space<vmem>>, vector<1x16xf32>,
      %get3A_413 = vector.shape_cast %get3A_412 : vector<1x16xf32> to vector<16xf32>
      %add3A_414 = arith.addf %add3A_390, %get3A_413 : vector<16xf32>
      scf.yield %add3A_399, %add3A_404, %add3A_409, %add3A_414 : vector<16xf32>, vector<16xf32>, vector<16xf32>, vector<16xf32>
    }
    %scan3A_151 = arith.constant 16 : i32
    %dma_wait3A_152 = arith.constant 0 : i32
    %dma_wait3A_153 = arith.constant 0 : i32
    %dma_wait3A_154 = tpu.memref_slice %arg3[%dma_wait3A_152, %dma_wait3A_153] : memref<1000000x128xf32, #tpu.memory_space<hbm>> -> memref<128x128xf32, #tpu.memory_space<hbm>>
    %dma_wait3A_155 = arith.constant 0 : i32
    %dma_wait3A_156 = arith.constant 0 : i32
    %dma_wait3A_157 = tpu.memref_slice %arg3[%dma_wait3A_155, %dma_wait3A_156] : memref<1000000x128xf32, #tpu.memory_space<hbm>> -> memref<128x128xf32, #tpu.memory_space<hbm>>
    tpu.wait_dma2 semaphore(%arg18 : memref<!tpu.dma_semaphore, #tpu.memory_space<semaphore_mem>>) src(%dma_wait3A_157 : memref<128x128xf32, #tpu.memory_space<hbm>>) dst(%arg9 : memref<128x128xf32, #tpu.memory_space<vmem>>)
    %scan3A_158 = arith.constant 0 : i32
    %scan3A_159 = arith.constant 16 : i32
    %scan3A_160 = arith.addi %scan3A_158, %scan3A_159 : i32
    %scan3A_161 = arith.constant 1 : i32
    %scan3A_162:4 = scf.for %scan3A_219 = %scan3A_158 to %scan3A_160 step %scan3A_161 iter_args(%scan3A_220 = %scan3A_150#0, %scan3A_221 = %scan3A_150#1, %scan3A_222 = %scan3A_150#2, %scan3A_223 = %scan3A_150#3) -> (vector<16xf32>, vector<16xf32>, vector<16xf32>, vector<16xf32>)  : i32 {
      %mul3A_224 = arith.constant 8 : i32
      %mul3A_225 = arith.muli %scan3A_219, %mul3A_224 : i32
      %add3A_226 = arith.constant 0 : i32
      %add3A_227 = arith.addi %mul3A_225, %add3A_226 : i32
      %get3A = arith.index_cast %add3A_227 : i32 to index
      %get3A_228 = arith.constant 0 : index
      %get3A_229 = tpu.vector_load %arg9[%get3A, %get3A_228] {strides = array<i32>} : memref<128x128xf32, #tpu.memory_space<vmem>>, vector<1x16xf32>,
      %get3A_230 = vector.shape_cast %get3A_229 : vector<1x16xf32> to vector<16xf32>
      %add3A_231 = arith.addf %scan3A_220, %get3A_230 : vector<16xf32>
      %get3A_232 = arith.index_cast %add3A_227 : i32 to index
      %get3A_233 = arith.constant 16 : index
      %get3A_234 = tpu.vector_load %arg9[%get3A_232, %get3A_233] {strides = array<i32>} : memref<128x128xf32, #tpu.memory_space<vmem>>, vector<1x16xf32>,
      %get3A_235 = vector.shape_cast %get3A_234 : vector<1x16xf32> to vector<16xf32>
      %add3A_236 = arith.addf %scan3A_221, %get3A_235 : vector<16xf32>
      %get3A_237 = arith.index_cast %add3A_227 : i32 to index
      %get3A_238 = arith.constant 32 : index
      %get3A_239 = tpu.vector_load %arg9[%get3A_237, %get3A_238] {strides = array<i32>} : memref<128x128xf32, #tpu.memory_space<vmem>>, vector<1x16xf32>,
      %get3A_240 = vector.shape_cast %get3A_239 : vector<1x16xf32> to vector<16xf32>
      %add3A_241 = arith.addf %scan3A_222, %get3A_240 : vector<16xf32>
      %get3A_242 = arith.index_cast %add3A_227 : i32 to index
      %get3A_243 = arith.constant 48 : index
      %get3A_244 = tpu.vector_load %arg9[%get3A_242, %get3A_243] {strides = array<i32>} : memref<128x128xf32, #tpu.memory_space<vmem>>, vector<1x16xf32>,
      %get3A_245 = vector.shape_cast %get3A_244 : vector<1x16xf32> to vector<16xf32>
      %add3A_246 = arith.addf %scan3A_223, %get3A_245 : vector<16xf32>
      %mul3A_247 = arith.constant 8 : i32
      %mul3A_248 = arith.muli %scan3A_219, %mul3A_247 : i32
      %add3A_249 = arith.constant 1 : i32
      %add3A_250 = arith.addi %mul3A_248, %add3A_249 : i32
      %get3A_251 = arith.index_cast %add3A_250 : i32 to index
      %get3A_252 = arith.constant 0 : index
      %get3A_253 = tpu.vector_load %arg9[%get3A_251, %get3A_252] {strides = array<i32>} : memref<128x128xf32, #tpu.memory_space<vmem>>, vector<1x16xf32>,
      %get3A_254 = vector.shape_cast %get3A_253 : vector<1x16xf32> to vector<16xf32>
      %add3A_255 = arith.addf %add3A_231, %get3A_254 : vector<16xf32>
      %get3A_256 = arith.index_cast %add3A_250 : i32 to index
      %get3A_257 = arith.constant 16 : index
      %get3A_258 = tpu.vector_load %arg9[%get3A_256, %get3A_257] {strides = array<i32>} : memref<128x128xf32, #tpu.memory_space<vmem>>, vector<1x16xf32>,
      %get3A_259 = vector.shape_cast %get3A_258 : vector<1x16xf32> to vector<16xf32>
      %add3A_260 = arith.addf %add3A_236, %get3A_259 : vector<16xf32>
      %get3A_261 = arith.index_cast %add3A_250 : i32 to index
      %get3A_262 = arith.constant 32 : index
      %get3A_263 = tpu.vector_load %arg9[%get3A_261, %get3A_262] {strides = array<i32>} : memref<128x128xf32, #tpu.memory_space<vmem>>, vector<1x16xf32>,
      %get3A_264 = vector.shape_cast %get3A_263 : vector<1x16xf32> to vector<16xf32>
      %add3A_265 = arith.addf %add3A_241, %get3A_264 : vector<16xf32>
      %get3A_266 = arith.index_cast %add3A_250 : i32 to index
      %get3A_267 = arith.constant 48 : index
      %get3A_268 = tpu.vector_load %arg9[%get3A_266, %get3A_267] {strides = array<i32>} : memref<128x128xf32, #tpu.memory_space<vmem>>, vector<1x16xf32>,
      %get3A_269 = vector.shape_cast %get3A_268 : vector<1x16xf32> to vector<16xf32>
      %add3A_270 = arith.addf %add3A_246, %get3A_269 : vector<16xf32>
      %mul3A_271 = arith.constant 8 : i32
      %mul3A_272 = arith.muli %scan3A_219, %mul3A_271 : i32
      %add3A_273 = arith.constant 2 : i32
      %add3A_274 = arith.addi %mul3A_272, %add3A_273 : i32
      %get3A_275 = arith.index_cast %add3A_274 : i32 to index
      %get3A_276 = arith.constant 0 : index
      %get3A_277 = tpu.vector_load %arg9[%get3A_275, %get3A_276] {strides = array<i32>} : memref<128x128xf32, #tpu.memory_space<vmem>>, vector<1x16xf32>,
      %get3A_278 = vector.shape_cast %get3A_277 : vector<1x16xf32> to vector<16xf32>
      %add3A_279 = arith.addf %add3A_255, %get3A_278 : vector<16xf32>
      %get3A_280 = arith.index_cast %add3A_274 : i32 to index
      %get3A_281 = arith.constant 16 : index
      %get3A_282 = tpu.vector_load %arg9[%get3A_280, %get3A_281] {strides = array<i32>} : memref<128x128xf32, #tpu.memory_space<vmem>>, vector<1x16xf32>,
      %get3A_283 = vector.shape_cast %get3A_282 : vector<1x16xf32> to vector<16xf32>
      %add3A_284 = arith.addf %add3A_260, %get3A_283 : vector<16xf32>
      %get3A_285 = arith.index_cast %add3A_274 : i32 to index
      %get3A_286 = arith.constant 32 : index
      %get3A_287 = tpu.vector_load %arg9[%get3A_285, %get3A_286] {strides = array<i32>} : memref<128x128xf32, #tpu.memory_space<vmem>>, vector<1x16xf32>,
      %get3A_288 = vector.shape_cast %get3A_287 : vector<1x16xf32> to vector<16xf32>
      %add3A_289 = arith.addf %add3A_265, %get3A_288 : vector<16xf32>
      %get3A_290 = arith.index_cast %add3A_274 : i32 to index
      %get3A_291 = arith.constant 48 : index
      %get3A_292 = tpu.vector_load %arg9[%get3A_290, %get3A_291] {strides = array<i32>} : memref<128x128xf32, #tpu.memory_space<vmem>>, vector<1x16xf32>,
      %get3A_293 = vector.shape_cast %get3A_292 : vector<1x16xf32> to vector<16xf32>
      %add3A_294 = arith.addf %add3A_270, %get3A_293 : vector<16xf32>
      %mul3A_295 = arith.constant 8 : i32
      %mul3A_296 = arith.muli %scan3A_219, %mul3A_295 : i32
      %add3A_297 = arith.constant 3 : i32
      %add3A_298 = arith.addi %mul3A_296, %add3A_297 : i32
      %get3A_299 = arith.index_cast %add3A_298 : i32 to index
      %get3A_300 = arith.constant 0 : index
      %get3A_301 = tpu.vector_load %arg9[%get3A_299, %get3A_300] {strides = array<i32>} : memref<128x128xf32, #tpu.memory_space<vmem>>, vector<1x16xf32>,
      %get3A_302 = vector.shape_cast %get3A_301 : vector<1x16xf32> to vector<16xf32>
      %add3A_303 = arith.addf %add3A_279, %get3A_302 : vector<16xf32>
      %get3A_304 = arith.index_cast %add3A_298 : i32 to index
      %get3A_305 = arith.constant 16 : index
      %get3A_306 = tpu.vector_load %arg9[%get3A_304, %get3A_305] {strides = array<i32>} : memref<128x128xf32, #tpu.memory_space<vmem>>, vector<1x16xf32>,
      %get3A_307 = vector.shape_cast %get3A_306 : vector<1x16xf32> to vector<16xf32>
      %add3A_308 = arith.addf %add3A_284, %get3A_307 : vector<16xf32>
      %get3A_309 = arith.index_cast %add3A_298 : i32 to index
      %get3A_310 = arith.constant 32 : index
      %get3A_311 = tpu.vector_load %arg9[%get3A_309, %get3A_310] {strides = array<i32>} : memref<128x128xf32, #tpu.memory_space<vmem>>, vector<1x16xf32>,
      %get3A_312 = vector.shape_cast %get3A_311 : vector<1x16xf32> to vector<16xf32>
      %add3A_313 = arith.addf %add3A_289, %get3A_312 : vector<16xf32>
      %get3A_314 = arith.index_cast %add3A_298 : i32 to index
      %get3A_315 = arith.constant 48 : index
      %get3A_316 = tpu.vector_load %arg9[%get3A_314, %get3A_315] {strides = array<i32>} : memref<128x128xf32, #tpu.memory_space<vmem>>, vector<1x16xf32>,
      %get3A_317 = vector.shape_cast %get3A_316 : vector<1x16xf32> to vector<16xf32>
      %add3A_318 = arith.addf %add3A_294, %get3A_317 : vector<16xf32>
      %mul3A_319 = arith.constant 8 : i32
      %mul3A_320 = arith.muli %scan3A_219, %mul3A_319 : i32
      %add3A_321 = arith.constant 4 : i32
      %add3A_322 = arith.addi %mul3A_320, %add3A_321 : i32
      %get3A_323 = arith.index_cast %add3A_322 : i32 to index
      %get3A_324 = arith.constant 0 : index
      %get3A_325 = tpu.vector_load %arg9[%get3A_323, %get3A_324] {strides = array<i32>} : memref<128x128xf32, #tpu.memory_space<vmem>>, vector<1x16xf32>,
      %get3A_326 = vector.shape_cast %get3A_325 : vector<1x16xf32> to vector<16xf32>
      %add3A_327 = arith.addf %add3A_303, %get3A_326 : vector<16xf32>
      %get3A_328 = arith.index_cast %add3A_322 : i32 to index
      %get3A_329 = arith.constant 16 : index
      %get3A_330 = tpu.vector_load %arg9[%get3A_328, %get3A_329] {strides = array<i32>} : memref<128x128xf32, #tpu.memory_space<vmem>>, vector<1x16xf32>,
      %get3A_331 = vector.shape_cast %get3A_330 : vector<1x16xf32> to vector<16xf32>
      %add3A_332 = arith.addf %add3A_308, %get3A_331 : vector<16xf32>
      %get3A_333 = arith.index_cast %add3A_322 : i32 to index
      %get3A_334 = arith.constant 32 : index
      %get3A_335 = tpu.vector_load %arg9[%get3A_333, %get3A_334] {strides = array<i32>} : memref<128x128xf32, #tpu.memory_space<vmem>>, vector<1x16xf32>,
      %get3A_336 = vector.shape_cast %get3A_335 : vector<1x16xf32> to vector<16xf32>
      %add3A_337 = arith.addf %add3A_313, %get3A_336 : vector<16xf32>
      %get3A_338 = arith.index_cast %add3A_322 : i32 to index
      %get3A_339 = arith.constant 48 : index
      %get3A_340 = tpu.vector_load %arg9[%get3A_338, %get3A_339] {strides = array<i32>} : memref<128x128xf32, #tpu.memory_space<vmem>>, vector<1x16xf32>,
      %get3A_341 = vector.shape_cast %get3A_340 : vector<1x16xf32> to vector<16xf32>
      %add3A_342 = arith.addf %add3A_318, %get3A_341 : vector<16xf32>
      %mul3A_343 = arith.constant 8 : i32
      %mul3A_344 = arith.muli %scan3A_219, %mul3A_343 : i32
      %add3A_345 = arith.constant 5 : i32
      %add3A_346 = arith.addi %mul3A_344, %add3A_345 : i32
      %get3A_347 = arith.index_cast %add3A_346 : i32 to index
      %get3A_348 = arith.constant 0 : index
      %get3A_349 = tpu.vector_load %arg9[%get3A_347, %get3A_348] {strides = array<i32>} : memref<128x128xf32, #tpu.memory_space<vmem>>, vector<1x16xf32>,
      %get3A_350 = vector.shape_cast %get3A_349 : vector<1x16xf32> to vector<16xf32>
      %add3A_351 = arith.addf %add3A_327, %get3A_350 : vector<16xf32>
      %get3A_352 = arith.index_cast %add3A_346 : i32 to index
      %get3A_353 = arith.constant 16 : index
      %get3A_354 = tpu.vector_load %arg9[%get3A_352, %get3A_353] {strides = array<i32>} : memref<128x128xf32, #tpu.memory_space<vmem>>, vector<1x16xf32>,
      %get3A_355 = vector.shape_cast %get3A_354 : vector<1x16xf32> to vector<16xf32>
      %add3A_356 = arith.addf %add3A_332, %get3A_355 : vector<16xf32>
      %get3A_357 = arith.index_cast %add3A_346 : i32 to index
      %get3A_358 = arith.constant 32 : index
      %get3A_359 = tpu.vector_load %arg9[%get3A_357, %get3A_358] {strides = array<i32>} : memref<128x128xf32, #tpu.memory_space<vmem>>, vector<1x16xf32>,
      %get3A_360 = vector.shape_cast %get3A_359 : vector<1x16xf32> to vector<16xf32>
      %add3A_361 = arith.addf %add3A_337, %get3A_360 : vector<16xf32>
      %get3A_362 = arith.index_cast %add3A_346 : i32 to index
      %get3A_363 = arith.constant 48 : index
      %get3A_364 = tpu.vector_load %arg9[%get3A_362, %get3A_363] {strides = array<i32>} : memref<128x128xf32, #tpu.memory_space<vmem>>, vector<1x16xf32>,
      %get3A_365 = vector.shape_cast %get3A_364 : vector<1x16xf32> to vector<16xf32>
      %add3A_366 = arith.addf %add3A_342, %get3A_365 : vector<16xf32>
      %mul3A_367 = arith.constant 8 : i32
      %mul3A_368 = arith.muli %scan3A_219, %mul3A_367 : i32
      %add3A_369 = arith.constant 6 : i32
      %add3A_370 = arith.addi %mul3A_368, %add3A_369 : i32
      %get3A_371 = arith.index_cast %add3A_370 : i32 to index
      %get3A_372 = arith.constant 0 : index
      %get3A_373 = tpu.vector_load %arg9[%get3A_371, %get3A_372] {strides = array<i32>} : memref<128x128xf32, #tpu.memory_space<vmem>>, vector<1x16xf32>,
      %get3A_374 = vector.shape_cast %get3A_373 : vector<1x16xf32> to vector<16xf32>
      %add3A_375 = arith.addf %add3A_351, %get3A_374 : vector<16xf32>
      %get3A_376 = arith.index_cast %add3A_370 : i32 to index
      %get3A_377 = arith.constant 16 : index
      %get3A_378 = tpu.vector_load %arg9[%get3A_376, %get3A_377] {strides = array<i32>} : memref<128x128xf32, #tpu.memory_space<vmem>>, vector<1x16xf32>,
      %get3A_379 = vector.shape_cast %get3A_378 : vector<1x16xf32> to vector<16xf32>
      %add3A_380 = arith.addf %add3A_356, %get3A_379 : vector<16xf32>
      %get3A_381 = arith.index_cast %add3A_370 : i32 to index
      %get3A_382 = arith.constant 32 : index
      %get3A_383 = tpu.vector_load %arg9[%get3A_381, %get3A_382] {strides = array<i32>} : memref<128x128xf32, #tpu.memory_space<vmem>>, vector<1x16xf32>,
      %get3A_384 = vector.shape_cast %get3A_383 : vector<1x16xf32> to vector<16xf32>
      %add3A_385 = arith.addf %add3A_361, %get3A_384 : vector<16xf32>
      %get3A_386 = arith.index_cast %add3A_370 : i32 to index
      %get3A_387 = arith.constant 48 : index
      %get3A_388 = tpu.vector_load %arg9[%get3A_386, %get3A_387] {strides = array<i32>} : memref<128x128xf32, #tpu.memory_space<vmem>>, vector<1x16xf32>,
      %get3A_389 = vector.shape_cast %get3A_388 : vector<1x16xf32> to vector<16xf32>
      %add3A_390 = arith.addf %add3A_366, %get3A_389 : vector<16xf32>
      %mul3A_391 = arith.constant 8 : i32
      %mul3A_392 = arith.muli %scan3A_219, %mul3A_391 : i32
      %add3A_393 = arith.constant 7 : i32
      %add3A_394 = arith.addi %mul3A_392, %add3A_393 : i32
      %get3A_395 = arith.index_cast %add3A_394 : i32 to index
      %get3A_396 = arith.constant 0 : index
      %get3A_397 = tpu.vector_load %arg9[%get3A_395, %get3A_396] {strides = array<i32>} : memref<128x128xf32, #tpu.memory_space<vmem>>, vector<1x16xf32>,
      %get3A_398 = vector.shape_cast %get3A_397 : vector<1x16xf32> to vector<16xf32>
      %add3A_399 = arith.addf %add3A_375, %get3A_398 : vector<16xf32>
      %get3A_400 = arith.index_cast %add3A_394 : i32 to index
      %get3A_401 = arith.constant 16 : index
      %get3A_402 = tpu.vector_load %arg9[%get3A_400, %get3A_401] {strides = array<i32>} : memref<128x128xf32, #tpu.memory_space<vmem>>, vector<1x16xf32>,
      %get3A_403 = vector.shape_cast %get3A_402 : vector<1x16xf32> to vector<16xf32>
      %add3A_404 = arith.addf %add3A_380, %get3A_403 : vector<16xf32>
      %get3A_405 = arith.index_cast %add3A_394 : i32 to index
      %get3A_406 = arith.constant 32 : index
      %get3A_407 = tpu.vector_load %arg9[%get3A_405, %get3A_406] {strides = array<i32>} : memref<128x128xf32, #tpu.memory_space<vmem>>, vector<1x16xf32>,
      %get3A_408 = vector.shape_cast %get3A_407 : vector<1x16xf32> to vector<16xf32>
      %add3A_409 = arith.addf %add3A_385, %get3A_408 : vector<16xf32>
      %get3A_410 = arith.index_cast %add3A_394 : i32 to index
      %get3A_411 = arith.constant 48 : index
      %get3A_412 = tpu.vector_load %arg9[%get3A_410, %get3A_411] {strides = array<i32>} : memref<128x128xf32, #tpu.memory_space<vmem>>, vector<1x16xf32>,
      %get3A_413 = vector.shape_cast %get3A_412 : vector<1x16xf32> to vector<16xf32>
      %add3A_414 = arith.addf %add3A_390, %get3A_413 : vector<16xf32>
      scf.yield %add3A_399, %add3A_404, %add3A_409, %add3A_414 : vector<16xf32>, vector<16xf32>, vector<16xf32>, vector<16xf32>
    }
    %scan3A_163 = arith.constant 16 : i32
    %dma_wait3A_164 = arith.constant 0 : i32
    %dma_wait3A_165 = arith.constant 0 : i32
    %dma_wait3A_166 = tpu.memref_slice %arg3[%dma_wait3A_164, %dma_wait3A_165] : memref<1000000x128xf32, #tpu.memory_space<hbm>> -> memref<128x128xf32, #tpu.memory_space<hbm>>
    %dma_wait3A_167 = arith.constant 0 : i32
    %dma_wait3A_168 = arith.constant 0 : i32
    %dma_wait3A_169 = tpu.memref_slice %arg3[%dma_wait3A_167, %dma_wait3A_168] : memref<1000000x128xf32, #tpu.memory_space<hbm>> -> memref<128x128xf32, #tpu.memory_space<hbm>>
    tpu.wait_dma2 semaphore(%arg19 : memref<!tpu.dma_semaphore, #tpu.memory_space<semaphore_mem>>) src(%dma_wait3A_169 : memref<128x128xf32, #tpu.memory_space<hbm>>) dst(%arg10 : memref<128x128xf32, #tpu.memory_space<vmem>>)
    %scan3A_170 = arith.constant 0 : i32
    %scan3A_171 = arith.constant 16 : i32
    %scan3A_172 = arith.addi %scan3A_170, %scan3A_171 : i32
    %scan3A_173 = arith.constant 1 : i32
    %scan3A_174:4 = scf.for %scan3A_219 = %scan3A_170 to %scan3A_172 step %scan3A_173 iter_args(%scan3A_220 = %scan3A_162#0, %scan3A_221 = %scan3A_162#1, %scan3A_222 = %scan3A_162#2, %scan3A_223 = %scan3A_162#3) -> (vector<16xf32>, vector<16xf32>, vector<16xf32>, vector<16xf32>)  : i32 {
      %mul3A_224 = arith.constant 8 : i32
      %mul3A_225 = arith.muli %scan3A_219, %mul3A_224 : i32
      %add3A_226 = arith.constant 0 : i32
      %add3A_227 = arith.addi %mul3A_225, %add3A_226 : i32
      %get3A = arith.index_cast %add3A_227 : i32 to index
      %get3A_228 = arith.constant 0 : index
      %get3A_229 = tpu.vector_load %arg10[%get3A, %get3A_228] {strides = array<i32>} : memref<128x128xf32, #tpu.memory_space<vmem>>, vector<1x16xf32>,
      %get3A_230 = vector.shape_cast %get3A_229 : vector<1x16xf32> to vector<16xf32>
      %add3A_231 = arith.addf %scan3A_220, %get3A_230 : vector<16xf32>
      %get3A_232 = arith.index_cast %add3A_227 : i32 to index
      %get3A_233 = arith.constant 16 : index
      %get3A_234 = tpu.vector_load %arg10[%get3A_232, %get3A_233] {strides = array<i32>} : memref<128x128xf32, #tpu.memory_space<vmem>>, vector<1x16xf32>,
      %get3A_235 = vector.shape_cast %get3A_234 : vector<1x16xf32> to vector<16xf32>
      %add3A_236 = arith.addf %scan3A_221, %get3A_235 : vector<16xf32>
      %get3A_237 = arith.index_cast %add3A_227 : i32 to index
      %get3A_238 = arith.constant 32 : index
      %get3A_239 = tpu.vector_load %arg10[%get3A_237, %get3A_238] {strides = array<i32>} : memref<128x128xf32, #tpu.memory_space<vmem>>, vector<1x16xf32>,
      %get3A_240 = vector.shape_cast %get3A_239 : vector<1x16xf32> to vector<16xf32>
      %add3A_241 = arith.addf %scan3A_222, %get3A_240 : vector<16xf32>
      %get3A_242 = arith.index_cast %add3A_227 : i32 to index
      %get3A_243 = arith.constant 48 : index
      %get3A_244 = tpu.vector_load %arg10[%get3A_242, %get3A_243] {strides = array<i32>} : memref<128x128xf32, #tpu.memory_space<vmem>>, vector<1x16xf32>,
      %get3A_245 = vector.shape_cast %get3A_244 : vector<1x16xf32> to vector<16xf32>
      %add3A_246 = arith.addf %scan3A_223, %get3A_245 : vector<16xf32>
      %mul3A_247 = arith.constant 8 : i32
      %mul3A_248 = arith.muli %scan3A_219, %mul3A_247 : i32
      %add3A_249 = arith.constant 1 : i32
      %add3A_250 = arith.addi %mul3A_248, %add3A_249 : i32
      %get3A_251 = arith.index_cast %add3A_250 : i32 to index
      %get3A_252 = arith.constant 0 : index
      %get3A_253 = tpu.vector_load %arg10[%get3A_251, %get3A_252] {strides = array<i32>} : memref<128x128xf32, #tpu.memory_space<vmem>>, vector<1x16xf32>,
      %get3A_254 = vector.shape_cast %get3A_253 : vector<1x16xf32> to vector<16xf32>
      %add3A_255 = arith.addf %add3A_231, %get3A_254 : vector<16xf32>
      %get3A_256 = arith.index_cast %add3A_250 : i32 to index
      %get3A_257 = arith.constant 16 : index
      %get3A_258 = tpu.vector_load %arg10[%get3A_256, %get3A_257] {strides = array<i32>} : memref<128x128xf32, #tpu.memory_space<vmem>>, vector<1x16xf32>,
      %get3A_259 = vector.shape_cast %get3A_258 : vector<1x16xf32> to vector<16xf32>
      %add3A_260 = arith.addf %add3A_236, %get3A_259 : vector<16xf32>
      %get3A_261 = arith.index_cast %add3A_250 : i32 to index
      %get3A_262 = arith.constant 32 : index
      %get3A_263 = tpu.vector_load %arg10[%get3A_261, %get3A_262] {strides = array<i32>} : memref<128x128xf32, #tpu.memory_space<vmem>>, vector<1x16xf32>,
      %get3A_264 = vector.shape_cast %get3A_263 : vector<1x16xf32> to vector<16xf32>
      %add3A_265 = arith.addf %add3A_241, %get3A_264 : vector<16xf32>
      %get3A_266 = arith.index_cast %add3A_250 : i32 to index
      %get3A_267 = arith.constant 48 : index
      %get3A_268 = tpu.vector_load %arg10[%get3A_266, %get3A_267] {strides = array<i32>} : memref<128x128xf32, #tpu.memory_space<vmem>>, vector<1x16xf32>,
      %get3A_269 = vector.shape_cast %get3A_268 : vector<1x16xf32> to vector<16xf32>
      %add3A_270 = arith.addf %add3A_246, %get3A_269 : vector<16xf32>
      %mul3A_271 = arith.constant 8 : i32
      %mul3A_272 = arith.muli %scan3A_219, %mul3A_271 : i32
      %add3A_273 = arith.constant 2 : i32
      %add3A_274 = arith.addi %mul3A_272, %add3A_273 : i32
      %get3A_275 = arith.index_cast %add3A_274 : i32 to index
      %get3A_276 = arith.constant 0 : index
      %get3A_277 = tpu.vector_load %arg10[%get3A_275, %get3A_276] {strides = array<i32>} : memref<128x128xf32, #tpu.memory_space<vmem>>, vector<1x16xf32>,
      %get3A_278 = vector.shape_cast %get3A_277 : vector<1x16xf32> to vector<16xf32>
      %add3A_279 = arith.addf %add3A_255, %get3A_278 : vector<16xf32>
      %get3A_280 = arith.index_cast %add3A_274 : i32 to index
      %get3A_281 = arith.constant 16 : index
      %get3A_282 = tpu.vector_load %arg10[%get3A_280, %get3A_281] {strides = array<i32>} : memref<128x128xf32, #tpu.memory_space<vmem>>, vector<1x16xf32>,
      %get3A_283 = vector.shape_cast %get3A_282 : vector<1x16xf32> to vector<16xf32>
      %add3A_284 = arith.addf %add3A_260, %get3A_283 : vector<16xf32>
      %get3A_285 = arith.index_cast %add3A_274 : i32 to index
      %get3A_286 = arith.constant 32 : index
      %get3A_287 = tpu.vector_load %arg10[%get3A_285, %get3A_286] {strides = array<i32>} : memref<128x128xf32, #tpu.memory_space<vmem>>, vector<1x16xf32>,
      %get3A_288 = vector.shape_cast %get3A_287 : vector<1x16xf32> to vector<16xf32>
      %add3A_289 = arith.addf %add3A_265, %get3A_288 : vector<16xf32>
      %get3A_290 = arith.index_cast %add3A_274 : i32 to index
      %get3A_291 = arith.constant 48 : index
      %get3A_292 = tpu.vector_load %arg10[%get3A_290, %get3A_291] {strides = array<i32>} : memref<128x128xf32, #tpu.memory_space<vmem>>, vector<1x16xf32>,
      %get3A_293 = vector.shape_cast %get3A_292 : vector<1x16xf32> to vector<16xf32>
      %add3A_294 = arith.addf %add3A_270, %get3A_293 : vector<16xf32>
      %mul3A_295 = arith.constant 8 : i32
      %mul3A_296 = arith.muli %scan3A_219, %mul3A_295 : i32
      %add3A_297 = arith.constant 3 : i32
      %add3A_298 = arith.addi %mul3A_296, %add3A_297 : i32
      %get3A_299 = arith.index_cast %add3A_298 : i32 to index
      %get3A_300 = arith.constant 0 : index
      %get3A_301 = tpu.vector_load %arg10[%get3A_299, %get3A_300] {strides = array<i32>} : memref<128x128xf32, #tpu.memory_space<vmem>>, vector<1x16xf32>,
      %get3A_302 = vector.shape_cast %get3A_301 : vector<1x16xf32> to vector<16xf32>
      %add3A_303 = arith.addf %add3A_279, %get3A_302 : vector<16xf32>
      %get3A_304 = arith.index_cast %add3A_298 : i32 to index
      %get3A_305 = arith.constant 16 : index
      %get3A_306 = tpu.vector_load %arg10[%get3A_304, %get3A_305] {strides = array<i32>} : memref<128x128xf32, #tpu.memory_space<vmem>>, vector<1x16xf32>,
      %get3A_307 = vector.shape_cast %get3A_306 : vector<1x16xf32> to vector<16xf32>
      %add3A_308 = arith.addf %add3A_284, %get3A_307 : vector<16xf32>
      %get3A_309 = arith.index_cast %add3A_298 : i32 to index
      %get3A_310 = arith.constant 32 : index
      %get3A_311 = tpu.vector_load %arg10[%get3A_309, %get3A_310] {strides = array<i32>} : memref<128x128xf32, #tpu.memory_space<vmem>>, vector<1x16xf32>,
      %get3A_312 = vector.shape_cast %get3A_311 : vector<1x16xf32> to vector<16xf32>
      %add3A_313 = arith.addf %add3A_289, %get3A_312 : vector<16xf32>
      %get3A_314 = arith.index_cast %add3A_298 : i32 to index
      %get3A_315 = arith.constant 48 : index
      %get3A_316 = tpu.vector_load %arg10[%get3A_314, %get3A_315] {strides = array<i32>} : memref<128x128xf32, #tpu.memory_space<vmem>>, vector<1x16xf32>,
      %get3A_317 = vector.shape_cast %get3A_316 : vector<1x16xf32> to vector<16xf32>
      %add3A_318 = arith.addf %add3A_294, %get3A_317 : vector<16xf32>
      %mul3A_319 = arith.constant 8 : i32
      %mul3A_320 = arith.muli %scan3A_219, %mul3A_319 : i32
      %add3A_321 = arith.constant 4 : i32
      %add3A_322 = arith.addi %mul3A_320, %add3A_321 : i32
      %get3A_323 = arith.index_cast %add3A_322 : i32 to index
      %get3A_324 = arith.constant 0 : index
      %get3A_325 = tpu.vector_load %arg10[%get3A_323, %get3A_324] {strides = array<i32>} : memref<128x128xf32, #tpu.memory_space<vmem>>, vector<1x16xf32>,
      %get3A_326 = vector.shape_cast %get3A_325 : vector<1x16xf32> to vector<16xf32>
      %add3A_327 = arith.addf %add3A_303, %get3A_326 : vector<16xf32>
      %get3A_328 = arith.index_cast %add3A_322 : i32 to index
      %get3A_329 = arith.constant 16 : index
      %get3A_330 = tpu.vector_load %arg10[%get3A_328, %get3A_329] {strides = array<i32>} : memref<128x128xf32, #tpu.memory_space<vmem>>, vector<1x16xf32>,
      %get3A_331 = vector.shape_cast %get3A_330 : vector<1x16xf32> to vector<16xf32>
      %add3A_332 = arith.addf %add3A_308, %get3A_331 : vector<16xf32>
      %get3A_333 = arith.index_cast %add3A_322 : i32 to index
      %get3A_334 = arith.constant 32 : index
      %get3A_335 = tpu.vector_load %arg10[%get3A_333, %get3A_334] {strides = array<i32>} : memref<128x128xf32, #tpu.memory_space<vmem>>, vector<1x16xf32>,
      %get3A_336 = vector.shape_cast %get3A_335 : vector<1x16xf32> to vector<16xf32>
      %add3A_337 = arith.addf %add3A_313, %get3A_336 : vector<16xf32>
      %get3A_338 = arith.index_cast %add3A_322 : i32 to index
      %get3A_339 = arith.constant 48 : index
      %get3A_340 = tpu.vector_load %arg10[%get3A_338, %get3A_339] {strides = array<i32>} : memref<128x128xf32, #tpu.memory_space<vmem>>, vector<1x16xf32>,
      %get3A_341 = vector.shape_cast %get3A_340 : vector<1x16xf32> to vector<16xf32>
      %add3A_342 = arith.addf %add3A_318, %get3A_341 : vector<16xf32>
      %mul3A_343 = arith.constant 8 : i32
      %mul3A_344 = arith.muli %scan3A_219, %mul3A_343 : i32
      %add3A_345 = arith.constant 5 : i32
      %add3A_346 = arith.addi %mul3A_344, %add3A_345 : i32
      %get3A_347 = arith.index_cast %add3A_346 : i32 to index
      %get3A_348 = arith.constant 0 : index
      %get3A_349 = tpu.vector_load %arg10[%get3A_347, %get3A_348] {strides = array<i32>} : memref<128x128xf32, #tpu.memory_space<vmem>>, vector<1x16xf32>,
      %get3A_350 = vector.shape_cast %get3A_349 : vector<1x16xf32> to vector<16xf32>
      %add3A_351 = arith.addf %add3A_327, %get3A_350 : vector<16xf32>
      %get3A_352 = arith.index_cast %add3A_346 : i32 to index
      %get3A_353 = arith.constant 16 : index
      %get3A_354 = tpu.vector_load %arg10[%get3A_352, %get3A_353] {strides = array<i32>} : memref<128x128xf32, #tpu.memory_space<vmem>>, vector<1x16xf32>,
      %get3A_355 = vector.shape_cast %get3A_354 : vector<1x16xf32> to vector<16xf32>
      %add3A_356 = arith.addf %add3A_332, %get3A_355 : vector<16xf32>
      %get3A_357 = arith.index_cast %add3A_346 : i32 to index
      %get3A_358 = arith.constant 32 : index
      %get3A_359 = tpu.vector_load %arg10[%get3A_357, %get3A_358] {strides = array<i32>} : memref<128x128xf32, #tpu.memory_space<vmem>>, vector<1x16xf32>,
      %get3A_360 = vector.shape_cast %get3A_359 : vector<1x16xf32> to vector<16xf32>
      %add3A_361 = arith.addf %add3A_337, %get3A_360 : vector<16xf32>
      %get3A_362 = arith.index_cast %add3A_346 : i32 to index
      %get3A_363 = arith.constant 48 : index
      %get3A_364 = tpu.vector_load %arg10[%get3A_362, %get3A_363] {strides = array<i32>} : memref<128x128xf32, #tpu.memory_space<vmem>>, vector<1x16xf32>,
      %get3A_365 = vector.shape_cast %get3A_364 : vector<1x16xf32> to vector<16xf32>
      %add3A_366 = arith.addf %add3A_342, %get3A_365 : vector<16xf32>
      %mul3A_367 = arith.constant 8 : i32
      %mul3A_368 = arith.muli %scan3A_219, %mul3A_367 : i32
      %add3A_369 = arith.constant 6 : i32
      %add3A_370 = arith.addi %mul3A_368, %add3A_369 : i32
      %get3A_371 = arith.index_cast %add3A_370 : i32 to index
      %get3A_372 = arith.constant 0 : index
      %get3A_373 = tpu.vector_load %arg10[%get3A_371, %get3A_372] {strides = array<i32>} : memref<128x128xf32, #tpu.memory_space<vmem>>, vector<1x16xf32>,
      %get3A_374 = vector.shape_cast %get3A_373 : vector<1x16xf32> to vector<16xf32>
      %add3A_375 = arith.addf %add3A_351, %get3A_374 : vector<16xf32>
      %get3A_376 = arith.index_cast %add3A_370 : i32 to index
      %get3A_377 = arith.constant 16 : index
      %get3A_378 = tpu.vector_load %arg10[%get3A_376, %get3A_377] {strides = array<i32>} : memref<128x128xf32, #tpu.memory_space<vmem>>, vector<1x16xf32>,
      %get3A_379 = vector.shape_cast %get3A_378 : vector<1x16xf32> to vector<16xf32>
      %add3A_380 = arith.addf %add3A_356, %get3A_379 : vector<16xf32>
      %get3A_381 = arith.index_cast %add3A_370 : i32 to index
      %get3A_382 = arith.constant 32 : index
      %get3A_383 = tpu.vector_load %arg10[%get3A_381, %get3A_382] {strides = array<i32>} : memref<128x128xf32, #tpu.memory_space<vmem>>, vector<1x16xf32>,
      %get3A_384 = vector.shape_cast %get3A_383 : vector<1x16xf32> to vector<16xf32>
      %add3A_385 = arith.addf %add3A_361, %get3A_384 : vector<16xf32>
      %get3A_386 = arith.index_cast %add3A_370 : i32 to index
      %get3A_387 = arith.constant 48 : index
      %get3A_388 = tpu.vector_load %arg10[%get3A_386, %get3A_387] {strides = array<i32>} : memref<128x128xf32, #tpu.memory_space<vmem>>, vector<1x16xf32>,
      %get3A_389 = vector.shape_cast %get3A_388 : vector<1x16xf32> to vector<16xf32>
      %add3A_390 = arith.addf %add3A_366, %get3A_389 : vector<16xf32>
      %mul3A_391 = arith.constant 8 : i32
      %mul3A_392 = arith.muli %scan3A_219, %mul3A_391 : i32
      %add3A_393 = arith.constant 7 : i32
      %add3A_394 = arith.addi %mul3A_392, %add3A_393 : i32
      %get3A_395 = arith.index_cast %add3A_394 : i32 to index
      %get3A_396 = arith.constant 0 : index
      %get3A_397 = tpu.vector_load %arg10[%get3A_395, %get3A_396] {strides = array<i32>} : memref<128x128xf32, #tpu.memory_space<vmem>>, vector<1x16xf32>,
      %get3A_398 = vector.shape_cast %get3A_397 : vector<1x16xf32> to vector<16xf32>
      %add3A_399 = arith.addf %add3A_375, %get3A_398 : vector<16xf32>
      %get3A_400 = arith.index_cast %add3A_394 : i32 to index
      %get3A_401 = arith.constant 16 : index
      %get3A_402 = tpu.vector_load %arg10[%get3A_400, %get3A_401] {strides = array<i32>} : memref<128x128xf32, #tpu.memory_space<vmem>>, vector<1x16xf32>,
      %get3A_403 = vector.shape_cast %get3A_402 : vector<1x16xf32> to vector<16xf32>
      %add3A_404 = arith.addf %add3A_380, %get3A_403 : vector<16xf32>
      %get3A_405 = arith.index_cast %add3A_394 : i32 to index
      %get3A_406 = arith.constant 32 : index
      %get3A_407 = tpu.vector_load %arg10[%get3A_405, %get3A_406] {strides = array<i32>} : memref<128x128xf32, #tpu.memory_space<vmem>>, vector<1x16xf32>,
      %get3A_408 = vector.shape_cast %get3A_407 : vector<1x16xf32> to vector<16xf32>
      %add3A_409 = arith.addf %add3A_385, %get3A_408 : vector<16xf32>
      %get3A_410 = arith.index_cast %add3A_394 : i32 to index
      %get3A_411 = arith.constant 48 : index
      %get3A_412 = tpu.vector_load %arg10[%get3A_410, %get3A_411] {strides = array<i32>} : memref<128x128xf32, #tpu.memory_space<vmem>>, vector<1x16xf32>,
      %get3A_413 = vector.shape_cast %get3A_412 : vector<1x16xf32> to vector<16xf32>
      %add3A_414 = arith.addf %add3A_390, %get3A_413 : vector<16xf32>
      scf.yield %add3A_399, %add3A_404, %add3A_409, %add3A_414 : vector<16xf32>, vector<16xf32>, vector<16xf32>, vector<16xf32>
    }
    %scan3A_175 = arith.constant 16 : i32
    %dma_wait3A_176 = arith.constant 0 : i32
    %dma_wait3A_177 = arith.constant 0 : i32
    %dma_wait3A_178 = tpu.memref_slice %arg3[%dma_wait3A_176, %dma_wait3A_177] : memref<1000000x128xf32, #tpu.memory_space<hbm>> -> memref<128x128xf32, #tpu.memory_space<hbm>>
    %dma_wait3A_179 = arith.constant 0 : i32
    %dma_wait3A_180 = arith.constant 0 : i32
    %dma_wait3A_181 = tpu.memref_slice %arg3[%dma_wait3A_179, %dma_wait3A_180] : memref<1000000x128xf32, #tpu.memory_space<hbm>> -> memref<128x128xf32, #tpu.memory_space<hbm>>
    tpu.wait_dma2 semaphore(%arg20 : memref<!tpu.dma_semaphore, #tpu.memory_space<semaphore_mem>>) src(%dma_wait3A_181 : memref<128x128xf32, #tpu.memory_space<hbm>>) dst(%arg11 : memref<128x128xf32, #tpu.memory_space<vmem>>)
    %scan3A_182 = arith.constant 0 : i32
    %scan3A_183 = arith.constant 16 : i32
    %scan3A_184 = arith.addi %scan3A_182, %scan3A_183 : i32
    %scan3A_185 = arith.constant 1 : i32
    %scan3A_186:4 = scf.for %scan3A_219 = %scan3A_182 to %scan3A_184 step %scan3A_185 iter_args(%scan3A_220 = %scan3A_174#0, %scan3A_221 = %scan3A_174#1, %scan3A_222 = %scan3A_174#2, %scan3A_223 = %scan3A_174#3) -> (vector<16xf32>, vector<16xf32>, vector<16xf32>, vector<16xf32>)  : i32 {
      %mul3A_224 = arith.constant 8 : i32
      %mul3A_225 = arith.muli %scan3A_219, %mul3A_224 : i32
      %add3A_226 = arith.constant 0 : i32
      %add3A_227 = arith.addi %mul3A_225, %add3A_226 : i32
      %get3A = arith.index_cast %add3A_227 : i32 to index
      %get3A_228 = arith.constant 0 : index
      %get3A_229 = tpu.vector_load %arg11[%get3A, %get3A_228] {strides = array<i32>} : memref<128x128xf32, #tpu.memory_space<vmem>>, vector<1x16xf32>,
      %get3A_230 = vector.shape_cast %get3A_229 : vector<1x16xf32> to vector<16xf32>
      %add3A_231 = arith.addf %scan3A_220, %get3A_230 : vector<16xf32>
      %get3A_232 = arith.index_cast %add3A_227 : i32 to index
      %get3A_233 = arith.constant 16 : index
      %get3A_234 = tpu.vector_load %arg11[%get3A_232, %get3A_233] {strides = array<i32>} : memref<128x128xf32, #tpu.memory_space<vmem>>, vector<1x16xf32>,
      %get3A_235 = vector.shape_cast %get3A_234 : vector<1x16xf32> to vector<16xf32>
      %add3A_236 = arith.addf %scan3A_221, %get3A_235 : vector<16xf32>
      %get3A_237 = arith.index_cast %add3A_227 : i32 to index
      %get3A_238 = arith.constant 32 : index
      %get3A_239 = tpu.vector_load %arg11[%get3A_237, %get3A_238] {strides = array<i32>} : memref<128x128xf32, #tpu.memory_space<vmem>>, vector<1x16xf32>,
      %get3A_240 = vector.shape_cast %get3A_239 : vector<1x16xf32> to vector<16xf32>
      %add3A_241 = arith.addf %scan3A_222, %get3A_240 : vector<16xf32>
      %get3A_242 = arith.index_cast %add3A_227 : i32 to index
      %get3A_243 = arith.constant 48 : index
      %get3A_244 = tpu.vector_load %arg11[%get3A_242, %get3A_243] {strides = array<i32>} : memref<128x128xf32, #tpu.memory_space<vmem>>, vector<1x16xf32>,
      %get3A_245 = vector.shape_cast %get3A_244 : vector<1x16xf32> to vector<16xf32>
      %add3A_246 = arith.addf %scan3A_223, %get3A_245 : vector<16xf32>
      %mul3A_247 = arith.constant 8 : i32
      %mul3A_248 = arith.muli %scan3A_219, %mul3A_247 : i32
      %add3A_249 = arith.constant 1 : i32
      %add3A_250 = arith.addi %mul3A_248, %add3A_249 : i32
      %get3A_251 = arith.index_cast %add3A_250 : i32 to index
      %get3A_252 = arith.constant 0 : index
      %get3A_253 = tpu.vector_load %arg11[%get3A_251, %get3A_252] {strides = array<i32>} : memref<128x128xf32, #tpu.memory_space<vmem>>, vector<1x16xf32>,
      %get3A_254 = vector.shape_cast %get3A_253 : vector<1x16xf32> to vector<16xf32>
      %add3A_255 = arith.addf %add3A_231, %get3A_254 : vector<16xf32>
      %get3A_256 = arith.index_cast %add3A_250 : i32 to index
      %get3A_257 = arith.constant 16 : index
      %get3A_258 = tpu.vector_load %arg11[%get3A_256, %get3A_257] {strides = array<i32>} : memref<128x128xf32, #tpu.memory_space<vmem>>, vector<1x16xf32>,
      %get3A_259 = vector.shape_cast %get3A_258 : vector<1x16xf32> to vector<16xf32>
      %add3A_260 = arith.addf %add3A_236, %get3A_259 : vector<16xf32>
      %get3A_261 = arith.index_cast %add3A_250 : i32 to index
      %get3A_262 = arith.constant 32 : index
      %get3A_263 = tpu.vector_load %arg11[%get3A_261, %get3A_262] {strides = array<i32>} : memref<128x128xf32, #tpu.memory_space<vmem>>, vector<1x16xf32>,
      %get3A_264 = vector.shape_cast %get3A_263 : vector<1x16xf32> to vector<16xf32>
      %add3A_265 = arith.addf %add3A_241, %get3A_264 : vector<16xf32>
      %get3A_266 = arith.index_cast %add3A_250 : i32 to index
      %get3A_267 = arith.constant 48 : index
      %get3A_268 = tpu.vector_load %arg11[%get3A_266, %get3A_267] {strides = array<i32>} : memref<128x128xf32, #tpu.memory_space<vmem>>, vector<1x16xf32>,
      %get3A_269 = vector.shape_cast %get3A_268 : vector<1x16xf32> to vector<16xf32>
      %add3A_270 = arith.addf %add3A_246, %get3A_269 : vector<16xf32>
      %mul3A_271 = arith.constant 8 : i32
      %mul3A_272 = arith.muli %scan3A_219, %mul3A_271 : i32
      %add3A_273 = arith.constant 2 : i32
      %add3A_274 = arith.addi %mul3A_272, %add3A_273 : i32
      %get3A_275 = arith.index_cast %add3A_274 : i32 to index
      %get3A_276 = arith.constant 0 : index
      %get3A_277 = tpu.vector_load %arg11[%get3A_275, %get3A_276] {strides = array<i32>} : memref<128x128xf32, #tpu.memory_space<vmem>>, vector<1x16xf32>,
      %get3A_278 = vector.shape_cast %get3A_277 : vector<1x16xf32> to vector<16xf32>
      %add3A_279 = arith.addf %add3A_255, %get3A_278 : vector<16xf32>
      %get3A_280 = arith.index_cast %add3A_274 : i32 to index
      %get3A_281 = arith.constant 16 : index
      %get3A_282 = tpu.vector_load %arg11[%get3A_280, %get3A_281] {strides = array<i32>} : memref<128x128xf32, #tpu.memory_space<vmem>>, vector<1x16xf32>,
      %get3A_283 = vector.shape_cast %get3A_282 : vector<1x16xf32> to vector<16xf32>
      %add3A_284 = arith.addf %add3A_260, %get3A_283 : vector<16xf32>
      %get3A_285 = arith.index_cast %add3A_274 : i32 to index
      %get3A_286 = arith.constant 32 : index
      %get3A_287 = tpu.vector_load %arg11[%get3A_285, %get3A_286] {strides = array<i32>} : memref<128x128xf32, #tpu.memory_space<vmem>>, vector<1x16xf32>,
      %get3A_288 = vector.shape_cast %get3A_287 : vector<1x16xf32> to vector<16xf32>
      %add3A_289 = arith.addf %add3A_265, %get3A_288 : vector<16xf32>
      %get3A_290 = arith.index_cast %add3A_274 : i32 to index
      %get3A_291 = arith.constant 48 : index
      %get3A_292 = tpu.vector_load %arg11[%get3A_290, %get3A_291] {strides = array<i32>} : memref<128x128xf32, #tpu.memory_space<vmem>>, vector<1x16xf32>,
      %get3A_293 = vector.shape_cast %get3A_292 : vector<1x16xf32> to vector<16xf32>
      %add3A_294 = arith.addf %add3A_270, %get3A_293 : vector<16xf32>
      %mul3A_295 = arith.constant 8 : i32
      %mul3A_296 = arith.muli %scan3A_219, %mul3A_295 : i32
      %add3A_297 = arith.constant 3 : i32
      %add3A_298 = arith.addi %mul3A_296, %add3A_297 : i32
      %get3A_299 = arith.index_cast %add3A_298 : i32 to index
      %get3A_300 = arith.constant 0 : index
      %get3A_301 = tpu.vector_load %arg11[%get3A_299, %get3A_300] {strides = array<i32>} : memref<128x128xf32, #tpu.memory_space<vmem>>, vector<1x16xf32>,
      %get3A_302 = vector.shape_cast %get3A_301 : vector<1x16xf32> to vector<16xf32>
      %add3A_303 = arith.addf %add3A_279, %get3A_302 : vector<16xf32>
      %get3A_304 = arith.index_cast %add3A_298 : i32 to index
      %get3A_305 = arith.constant 16 : index
      %get3A_306 = tpu.vector_load %arg11[%get3A_304, %get3A_305] {strides = array<i32>} : memref<128x128xf32, #tpu.memory_space<vmem>>, vector<1x16xf32>,
      %get3A_307 = vector.shape_cast %get3A_306 : vector<1x16xf32> to vector<16xf32>
      %add3A_308 = arith.addf %add3A_284, %get3A_307 : vector<16xf32>
      %get3A_309 = arith.index_cast %add3A_298 : i32 to index
      %get3A_310 = arith.constant 32 : index
      %get3A_311 = tpu.vector_load %arg11[%get3A_309, %get3A_310] {strides = array<i32>} : memref<128x128xf32, #tpu.memory_space<vmem>>, vector<1x16xf32>,
      %get3A_312 = vector.shape_cast %get3A_311 : vector<1x16xf32> to vector<16xf32>
      %add3A_313 = arith.addf %add3A_289, %get3A_312 : vector<16xf32>
      %get3A_314 = arith.index_cast %add3A_298 : i32 to index
      %get3A_315 = arith.constant 48 : index
      %get3A_316 = tpu.vector_load %arg11[%get3A_314, %get3A_315] {strides = array<i32>} : memref<128x128xf32, #tpu.memory_space<vmem>>, vector<1x16xf32>,
      %get3A_317 = vector.shape_cast %get3A_316 : vector<1x16xf32> to vector<16xf32>
      %add3A_318 = arith.addf %add3A_294, %get3A_317 : vector<16xf32>
      %mul3A_319 = arith.constant 8 : i32
      %mul3A_320 = arith.muli %scan3A_219, %mul3A_319 : i32
      %add3A_321 = arith.constant 4 : i32
      %add3A_322 = arith.addi %mul3A_320, %add3A_321 : i32
      %get3A_323 = arith.index_cast %add3A_322 : i32 to index
      %get3A_324 = arith.constant 0 : index
      %get3A_325 = tpu.vector_load %arg11[%get3A_323, %get3A_324] {strides = array<i32>} : memref<128x128xf32, #tpu.memory_space<vmem>>, vector<1x16xf32>,
      %get3A_326 = vector.shape_cast %get3A_325 : vector<1x16xf32> to vector<16xf32>
      %add3A_327 = arith.addf %add3A_303, %get3A_326 : vector<16xf32>
      %get3A_328 = arith.index_cast %add3A_322 : i32 to index
      %get3A_329 = arith.constant 16 : index
      %get3A_330 = tpu.vector_load %arg11[%get3A_328, %get3A_329] {strides = array<i32>} : memref<128x128xf32, #tpu.memory_space<vmem>>, vector<1x16xf32>,
      %get3A_331 = vector.shape_cast %get3A_330 : vector<1x16xf32> to vector<16xf32>
      %add3A_332 = arith.addf %add3A_308, %get3A_331 : vector<16xf32>
      %get3A_333 = arith.index_cast %add3A_322 : i32 to index
      %get3A_334 = arith.constant 32 : index
      %get3A_335 = tpu.vector_load %arg11[%get3A_333, %get3A_334] {strides = array<i32>} : memref<128x128xf32, #tpu.memory_space<vmem>>, vector<1x16xf32>,
      %get3A_336 = vector.shape_cast %get3A_335 : vector<1x16xf32> to vector<16xf32>
      %add3A_337 = arith.addf %add3A_313, %get3A_336 : vector<16xf32>
      %get3A_338 = arith.index_cast %add3A_322 : i32 to index
      %get3A_339 = arith.constant 48 : index
      %get3A_340 = tpu.vector_load %arg11[%get3A_338, %get3A_339] {strides = array<i32>} : memref<128x128xf32, #tpu.memory_space<vmem>>, vector<1x16xf32>,
      %get3A_341 = vector.shape_cast %get3A_340 : vector<1x16xf32> to vector<16xf32>
      %add3A_342 = arith.addf %add3A_318, %get3A_341 : vector<16xf32>
      %mul3A_343 = arith.constant 8 : i32
      %mul3A_344 = arith.muli %scan3A_219, %mul3A_343 : i32
      %add3A_345 = arith.constant 5 : i32
      %add3A_346 = arith.addi %mul3A_344, %add3A_345 : i32
      %get3A_347 = arith.index_cast %add3A_346 : i32 to index
      %get3A_348 = arith.constant 0 : index
      %get3A_349 = tpu.vector_load %arg11[%get3A_347, %get3A_348] {strides = array<i32>} : memref<128x128xf32, #tpu.memory_space<vmem>>, vector<1x16xf32>,
      %get3A_350 = vector.shape_cast %get3A_349 : vector<1x16xf32> to vector<16xf32>
      %add3A_351 = arith.addf %add3A_327, %get3A_350 : vector<16xf32>
      %get3A_352 = arith.index_cast %add3A_346 : i32 to index
      %get3A_353 = arith.constant 16 : index
      %get3A_354 = tpu.vector_load %arg11[%get3A_352, %get3A_353] {strides = array<i32>} : memref<128x128xf32, #tpu.memory_space<vmem>>, vector<1x16xf32>,
      %get3A_355 = vector.shape_cast %get3A_354 : vector<1x16xf32> to vector<16xf32>
      %add3A_356 = arith.addf %add3A_332, %get3A_355 : vector<16xf32>
      %get3A_357 = arith.index_cast %add3A_346 : i32 to index
      %get3A_358 = arith.constant 32 : index
      %get3A_359 = tpu.vector_load %arg11[%get3A_357, %get3A_358] {strides = array<i32>} : memref<128x128xf32, #tpu.memory_space<vmem>>, vector<1x16xf32>,
      %get3A_360 = vector.shape_cast %get3A_359 : vector<1x16xf32> to vector<16xf32>
      %add3A_361 = arith.addf %add3A_337, %get3A_360 : vector<16xf32>
      %get3A_362 = arith.index_cast %add3A_346 : i32 to index
      %get3A_363 = arith.constant 48 : index
      %get3A_364 = tpu.vector_load %arg11[%get3A_362, %get3A_363] {strides = array<i32>} : memref<128x128xf32, #tpu.memory_space<vmem>>, vector<1x16xf32>,
      %get3A_365 = vector.shape_cast %get3A_364 : vector<1x16xf32> to vector<16xf32>
      %add3A_366 = arith.addf %add3A_342, %get3A_365 : vector<16xf32>
      %mul3A_367 = arith.constant 8 : i32
      %mul3A_368 = arith.muli %scan3A_219, %mul3A_367 : i32
      %add3A_369 = arith.constant 6 : i32
      %add3A_370 = arith.addi %mul3A_368, %add3A_369 : i32
      %get3A_371 = arith.index_cast %add3A_370 : i32 to index
      %get3A_372 = arith.constant 0 : index
      %get3A_373 = tpu.vector_load %arg11[%get3A_371, %get3A_372] {strides = array<i32>} : memref<128x128xf32, #tpu.memory_space<vmem>>, vector<1x16xf32>,
      %get3A_374 = vector.shape_cast %get3A_373 : vector<1x16xf32> to vector<16xf32>
      %add3A_375 = arith.addf %add3A_351, %get3A_374 : vector<16xf32>
      %get3A_376 = arith.index_cast %add3A_370 : i32 to index
      %get3A_377 = arith.constant 16 : index
      %get3A_378 = tpu.vector_load %arg11[%get3A_376, %get3A_377] {strides = array<i32>} : memref<128x128xf32, #tpu.memory_space<vmem>>, vector<1x16xf32>,
      %get3A_379 = vector.shape_cast %get3A_378 : vector<1x16xf32> to vector<16xf32>
      %add3A_380 = arith.addf %add3A_356, %get3A_379 : vector<16xf32>
      %get3A_381 = arith.index_cast %add3A_370 : i32 to index
      %get3A_382 = arith.constant 32 : index
      %get3A_383 = tpu.vector_load %arg11[%get3A_381, %get3A_382] {strides = array<i32>} : memref<128x128xf32, #tpu.memory_space<vmem>>, vector<1x16xf32>,
      %get3A_384 = vector.shape_cast %get3A_383 : vector<1x16xf32> to vector<16xf32>
      %add3A_385 = arith.addf %add3A_361, %get3A_384 : vector<16xf32>
      %get3A_386 = arith.index_cast %add3A_370 : i32 to index
      %get3A_387 = arith.constant 48 : index
      %get3A_388 = tpu.vector_load %arg11[%get3A_386, %get3A_387] {strides = array<i32>} : memref<128x128xf32, #tpu.memory_space<vmem>>, vector<1x16xf32>,
      %get3A_389 = vector.shape_cast %get3A_388 : vector<1x16xf32> to vector<16xf32>
      %add3A_390 = arith.addf %add3A_366, %get3A_389 : vector<16xf32>
      %mul3A_391 = arith.constant 8 : i32
      %mul3A_392 = arith.muli %scan3A_219, %mul3A_391 : i32
      %add3A_393 = arith.constant 7 : i32
      %add3A_394 = arith.addi %mul3A_392, %add3A_393 : i32
      %get3A_395 = arith.index_cast %add3A_394 : i32 to index
      %get3A_396 = arith.constant 0 : index
      %get3A_397 = tpu.vector_load %arg11[%get3A_395, %get3A_396] {strides = array<i32>} : memref<128x128xf32, #tpu.memory_space<vmem>>, vector<1x16xf32>,
      %get3A_398 = vector.shape_cast %get3A_397 : vector<1x16xf32> to vector<16xf32>
      %add3A_399 = arith.addf %add3A_375, %get3A_398 : vector<16xf32>
      %get3A_400 = arith.index_cast %add3A_394 : i32 to index
      %get3A_401 = arith.constant 16 : index
      %get3A_402 = tpu.vector_load %arg11[%get3A_400, %get3A_401] {strides = array<i32>} : memref<128x128xf32, #tpu.memory_space<vmem>>, vector<1x16xf32>,
      %get3A_403 = vector.shape_cast %get3A_402 : vector<1x16xf32> to vector<16xf32>
      %add3A_404 = arith.addf %add3A_380, %get3A_403 : vector<16xf32>
      %get3A_405 = arith.index_cast %add3A_394 : i32 to index
      %get3A_406 = arith.constant 32 : index
      %get3A_407 = tpu.vector_load %arg11[%get3A_405, %get3A_406] {strides = array<i32>} : memref<128x128xf32, #tpu.memory_space<vmem>>, vector<1x16xf32>,
      %get3A_408 = vector.shape_cast %get3A_407 : vector<1x16xf32> to vector<16xf32>
      %add3A_409 = arith.addf %add3A_385, %get3A_408 : vector<16xf32>
      %get3A_410 = arith.index_cast %add3A_394 : i32 to index
      %get3A_411 = arith.constant 48 : index
      %get3A_412 = tpu.vector_load %arg11[%get3A_410, %get3A_411] {strides = array<i32>} : memref<128x128xf32, #tpu.memory_space<vmem>>, vector<1x16xf32>,
      %get3A_413 = vector.shape_cast %get3A_412 : vector<1x16xf32> to vector<16xf32>
      %add3A_414 = arith.addf %add3A_390, %get3A_413 : vector<16xf32>
      scf.yield %add3A_399, %add3A_404, %add3A_409, %add3A_414 : vector<16xf32>, vector<16xf32>, vector<16xf32>, vector<16xf32>
    }
    %scan3A_187 = arith.constant 16 : i32
    %swap3A = arith.constant 0 : index
    %swap3A_188 = tpu.vector_load %arg14[%swap3A] {strides = array<i32>} : memref<128xf32, #tpu.memory_space<vmem>>, vector<16xf32>,
    %swap3A_189 = vector.shape_cast %swap3A_188 : vector<16xf32> to vector<16xf32>
    %swap3A_190 = vector.shape_cast %scan3A_186#0 : vector<16xf32> to vector<16xf32>
    tpu.vector_store %arg14[%swap3A], %swap3A_190 {strides = array<i32>} : memref<128xf32, #tpu.memory_space<vmem>>, vector<16xf32>,
    %swap3A_191 = arith.constant 64 : index
    %swap3A_192 = tpu.vector_load %arg14[%swap3A_191] {strides = array<i32>} : memref<128xf32, #tpu.memory_space<vmem>>, vector<16xf32>,
    %swap3A_193 = vector.shape_cast %swap3A_192 : vector<16xf32> to vector<16xf32>
    %swap3A_194 = vector.shape_cast %broadcast_in_dim3A_98 : vector<16xf32> to vector<16xf32>
    tpu.vector_store %arg14[%swap3A_191], %swap3A_194 {strides = array<i32>} : memref<128xf32, #tpu.memory_space<vmem>>, vector<16xf32>,
    %swap3A_195 = arith.constant 16 : index
    %swap3A_196 = tpu.vector_load %arg14[%swap3A_195] {strides = array<i32>} : memref<128xf32, #tpu.memory_space<vmem>>, vector<16xf32>,
    %swap3A_197 = vector.shape_cast %swap3A_196 : vector<16xf32> to vector<16xf32>
    %swap3A_198 = vector.shape_cast %scan3A_186#1 : vector<16xf32> to vector<16xf32>
    tpu.vector_store %arg14[%swap3A_195], %swap3A_198 {strides = array<i32>} : memref<128xf32, #tpu.memory_space<vmem>>, vector<16xf32>,
    %swap3A_199 = arith.constant 80 : index
    %swap3A_200 = tpu.vector_load %arg14[%swap3A_199] {strides = array<i32>} : memref<128xf32, #tpu.memory_space<vmem>>, vector<16xf32>,
    %swap3A_201 = vector.shape_cast %swap3A_200 : vector<16xf32> to vector<16xf32>
    %swap3A_202 = vector.shape_cast %broadcast_in_dim3A_98 : vector<16xf32> to vector<16xf32>
    tpu.vector_store %arg14[%swap3A_199], %swap3A_202 {strides = array<i32>} : memref<128xf32, #tpu.memory_space<vmem>>, vector<16xf32>,
    %swap3A_203 = arith.constant 32 : index
    %swap3A_204 = tpu.vector_load %arg14[%swap3A_203] {strides = array<i32>} : memref<128xf32, #tpu.memory_space<vmem>>, vector<16xf32>,
    %swap3A_205 = vector.shape_cast %swap3A_204 : vector<16xf32> to vector<16xf32>
    %swap3A_206 = vector.shape_cast %scan3A_186#2 : vector<16xf32> to vector<16xf32>
    tpu.vector_store %arg14[%swap3A_203], %swap3A_206 {strides = array<i32>} : memref<128xf32, #tpu.memory_space<vmem>>, vector<16xf32>,
    %swap3A_207 = arith.constant 96 : index
    %swap3A_208 = tpu.vector_load %arg14[%swap3A_207] {strides = array<i32>} : memref<128xf32, #tpu.memory_space<vmem>>, vector<16xf32>,
    %swap3A_209 = vector.shape_cast %swap3A_208 : vector<16xf32> to vector<16xf32>
    %swap3A_210 = vector.shape_cast %broadcast_in_dim3A_98 : vector<16xf32> to vector<16xf32>
    tpu.vector_store %arg14[%swap3A_207], %swap3A_210 {strides = array<i32>} : memref<128xf32, #tpu.memory_space<vmem>>, vector<16xf32>,
    %swap3A_211 = arith.constant 48 : index
    %swap3A_212 = tpu.vector_load %arg14[%swap3A_211] {strides = array<i32>} : memref<128xf32, #tpu.memory_space<vmem>>, vector<16xf32>,
    %swap3A_213 = vector.shape_cast %swap3A_212 : vector<16xf32> to vector<16xf32>
    %swap3A_214 = vector.shape_cast %scan3A_186#3 : vector<16xf32> to vector<16xf32>
    tpu.vector_store %arg14[%swap3A_211], %swap3A_214 {strides = array<i32>} : memref<128xf32, #tpu.memory_space<vmem>>, vector<16xf32>,
    %swap3A_215 = arith.constant 112 : index
    %swap3A_216 = tpu.vector_load %arg14[%swap3A_215] {strides = array<i32>} : memref<128xf32, #tpu.memory_space<vmem>>, vector<16xf32>,
    %swap3A_217 = vector.shape_cast %swap3A_216 : vector<16xf32> to vector<16xf32>
    %swap3A_218 = vector.shape_cast %broadcast_in_dim3A_98 : vector<16xf32> to vector<16xf32>
    tpu.vector_store %arg14[%swap3A_215], %swap3A_218 {strides = array<i32>} : memref<128xf32, #tpu.memory_space<vmem>>, vector<16xf32>,
    "tpu.region"() ({
      %run_scoped3A = tpu.sem_alloc : memref<!tpu.dma_semaphore, #tpu.memory_space<semaphore_mem>>
      %dma_start3A_219 = arith.constant 0 : i32
      %dma_start3A_220 = tpu.memref_slice %arg5[%add3A, %dma_start3A_219] : memref<32x128xf32, #tpu.memory_space<hbm>> -> memref<1x128xf32, #tpu.memory_space<hbm>>
      %dma_start3A_221 = tpu.memref_squeeze %dma_start3A_220 : memref<1x128xf32, #tpu.memory_space<hbm>> -> memref<128xf32, #tpu.memory_space<hbm>>
      %dma_start3A_222 = arith.constant 0 : i32
      %dma_start3A_223 = tpu.memref_slice %arg5[%add3A, %dma_start3A_222] : memref<32x128xf32, #tpu.memory_space<hbm>> -> memref<1x128xf32, #tpu.memory_space<hbm>>
      %dma_start3A_224 = tpu.memref_squeeze %dma_start3A_223 : memref<1x128xf32, #tpu.memory_space<hbm>> -> memref<128xf32, #tpu.memory_space<hbm>>
      tpu.enqueue_dma source(%arg14 : memref<128xf32, #tpu.memory_space<vmem>>) target(%dma_start3A_224 : memref<128xf32, #tpu.memory_space<hbm>>) target_semaphore(%run_scoped3A : memref<!tpu.dma_semaphore, #tpu.memory_space<semaphore_mem>>)
      %dma_wait3A_225 = arith.constant 0 : i32
      %dma_wait3A_226 = tpu.memref_slice %arg5[%add3A, %dma_wait3A_225] : memref<32x128xf32, #tpu.memory_space<hbm>> -> memref<1x128xf32, #tpu.memory_space<hbm>>
      %dma_wait3A_227 = tpu.memref_squeeze %dma_wait3A_226 : memref<1x128xf32, #tpu.memory_space<hbm>> -> memref<128xf32, #tpu.memory_space<hbm>>
      %dma_wait3A_228 = arith.constant 0 : i32
      %dma_wait3A_229 = tpu.memref_slice %arg5[%add3A, %dma_wait3A_228] : memref<32x128xf32, #tpu.memory_space<hbm>> -> memref<1x128xf32, #tpu.memory_space<hbm>>
      %dma_wait3A_230 = tpu.memref_squeeze %dma_wait3A_229 : memref<1x128xf32, #tpu.memory_space<hbm>> -> memref<128xf32, #tpu.memory_space<hbm>>
      tpu.wait_dma2 semaphore(%run_scoped3A : memref<!tpu.dma_semaphore, #tpu.memory_space<semaphore_mem>>) src(%arg14 : memref<128xf32, #tpu.memory_space<vmem>>) dst(%dma_wait3A_230 : memref<128xf32, #tpu.memory_space<hbm>>)
      tpu.yield
    }) : () -> ()
    return
  }
}

module attributes {stable_mosaic.version = 14 : i64} {
  func.func @_tc_head_body(%arg0: i32, %arg1: memref<2048x128xf32, #tpu.memory_space<vmem>>, %arg2: memref<32x128xf32, #tpu.memory_space<vmem>>, %arg3: memref<64x100xf32, #tpu.memory_space<vmem>>, %arg4: memref<1x100xf32, #tpu.memory_space<vmem>>, %arg5: memref<2048x100xf32, #tpu.memory_space<vmem>>) attributes {dimension_semantics = [#tpu.dimension_semantics<arbitrary>], iteration_bounds = array<i64: 8>, scalar_prefetch = 0 : i64, scratch_operands = 0 : i64, tpu.core_type = #tpu.core_type<tc>, window_params = [{transform_indices = @transform_0, window_bounds = array<i64: 2048, 128>}, {pipeline_mode = #tpu.pipeline_mode<synchronous>, transform_indices = @transform_1, window_bounds = array<i64: 32, 128>}, {pipeline_mode = #tpu.pipeline_mode<synchronous>, transform_indices = @transform_2, window_bounds = array<i64: 64, 100>}, {pipeline_mode = #tpu.pipeline_mode<synchronous>, transform_indices = @transform_3, window_bounds = array<i64: 1, 100>}, {transform_indices = @transform_4, window_bounds = array<i64: 2048, 100>}]} {
    %get3A = arith.constant 0 : index
    %get3A_0 = arith.constant 0 : index
    %get3A_1 = vector.load %arg1[%get3A, %get3A_0] : memref<2048x128xf32, #tpu.memory_space<vmem>>, vector<2048x128xf32>
    %slice3A = vector.extract_strided_slice %get3A_1 {offsets = [0, 0], sizes = [2048, 64], strides = [1, 1]} : vector<2048x128xf32> to vector<2048x64xf32>
    %get3A_2 = arith.constant 0 : index
    %get3A_3 = arith.constant 0 : index
    %get3A_4 = vector.load %arg2[%get3A_2, %get3A_3] : memref<32x128xf32, #tpu.memory_space<vmem>>, vector<32x128xf32>
    %slice3A_5 = vector.extract_strided_slice %get3A_4 {offsets = [0, 0], sizes = [32, 64], strides = [1, 1]} : vector<32x128xf32> to vector<32x64xf32>
    %reduce_sum3A = arith.constant dense<0.000000e+00> : vector<64xf32>
    %reduce_sum3A_6 = vector.multi_reduction <add>, %slice3A_5, %reduce_sum3A [0] : vector<32x64xf32> to vector<64xf32>
    %broadcast_in_dim3A = vector.shape_cast %reduce_sum3A_6 : vector<64xf32> to vector<1x64xf32>
    %iota3A = tpu.iota {dimensions = array<i32: 0>} : vector<2048x1xi32>
    %mul3A = arith.constant 2048 : i32
    %mul3A_7 = arith.muli %arg0, %mul3A : i32
    %add3A = vector.broadcast %mul3A_7 : i32 to vector<2048x1xi32>
    %add3A_8 = arith.addi %iota3A, %add3A : vector<2048x1xi32>
    %eq3A = arith.constant 16383 : i32
    %eq3A_9 = vector.broadcast %eq3A : i32 to vector<2048x1xi32>
    %eq3A_10 = arith.cmpi eq, %add3A_8, %eq3A_9 : vector<2048x1xi32>
    %jit3A = arith.constant 1.000000e+00 : f32
    %jit3A_11 = arith.constant 0.000000e+00 : f32
    %broadcast_in_dim3A_12 = vector.broadcast %jit3A : f32 to vector<2048x1xf32>
    %broadcast_in_dim3A_13 = vector.broadcast %jit3A_11 : f32 to vector<2048x1xf32>
    %select_n3A = arith.select %eq3A_10, %broadcast_in_dim3A_12, %broadcast_in_dim3A_13 : vector<2048x1xi1>, vector<2048x1xf32>
    %mul3A_14 = vector.broadcast %select_n3A : vector<2048x1xf32> to vector<2048x64xf32>
    %mul3A_15 = vector.broadcast %broadcast_in_dim3A : vector<1x64xf32> to vector<2048x64xf32>
    %mul3A_16 = arith.mulf %mul3A_14, %mul3A_15 : vector<2048x64xf32>
    %add3A_17 = arith.addf %slice3A, %mul3A_16 : vector<2048x64xf32>
    %jit3A_18 = arith.constant 1.24561393E-6 : f32
    %jit3A_19 = arith.constant 1.000000e+00 : f32
    %broadcast_in_dim3A_20 = vector.broadcast %jit3A_18 : f32 to vector<2048x1xf32>
    %broadcast_in_dim3A_21 = vector.broadcast %jit3A_19 : f32 to vector<2048x1xf32>
    %select_n3A_22 = arith.select %eq3A_10, %broadcast_in_dim3A_20, %broadcast_in_dim3A_21 : vector<2048x1xi1>, vector<2048x1xf32>
    %mul3A_23 = vector.broadcast %select_n3A_22 : vector<2048x1xf32> to vector<2048x64xf32>
    %mul3A_24 = arith.mulf %add3A_17, %mul3A_23 : vector<2048x64xf32>
    %get3A_25 = arith.constant 0 : index
    %get3A_26 = arith.constant 0 : index
    %get3A_27 = vector.load %arg3[%get3A_25, %get3A_26] : memref<64x100xf32, #tpu.memory_space<vmem>>, vector<64x100xf32>
    %dot_general3A = arith.constant dense<0.000000e+00> : vector<2048x100xf32>
    %dot_general3A_28 = tpu.matmul %mul3A_24, %get3A_27, %dot_general3A {dimension_numbers = #tpu.dot_dimension_numbers<[1], [0], [0], [1], [0, 0, 1, 1], [], []>, transpose_lhs_hint = false} : vector<2048x64xf32>, vector<64x100xf32>, vector<2048x100xf32> -> vector<2048x100xf32>
    %get3A_29 = arith.constant 0 : index
    %get3A_30 = arith.constant 0 : index
    %get3A_31 = vector.load %arg4[%get3A_29, %get3A_30] : memref<1x100xf32, #tpu.memory_space<vmem>>, vector<1x100xf32>
    %add3A_32 = vector.broadcast %get3A_31 : vector<1x100xf32> to vector<2048x100xf32>
    %add3A_33 = arith.addf %dot_general3A_28, %add3A_32 : vector<2048x100xf32>
    %swap3A = arith.constant 0 : index
    %swap3A_34 = arith.constant 0 : index
    %swap3A_35 = vector.load %arg5[%swap3A, %swap3A_34] : memref<2048x100xf32, #tpu.memory_space<vmem>>, vector<2048x100xf32>
    tpu.vector_store %arg5[%swap3A, %swap3A_34], %add3A_33 {strides = array<i32>} : memref<2048x100xf32, #tpu.memory_space<vmem>>, vector<2048x100xf32>,
    return
  }
  func.func @transform_0(%arg0: i32) -> (i32, i32) {
    %c0_i32 = arith.constant 0 : i32
    %c0_i32_0 = arith.constant 0 : i32
    return %arg0, %c0_i32 : i32, i32
  }
  func.func @transform_1(%arg0: i32) -> (i32, i32) {
    %c0_i32 = arith.constant 0 : i32
    %c0_i32_0 = arith.constant 0 : i32
    %c0_i32_1 = arith.constant 0 : i32
    return %c0_i32, %c0_i32_0 : i32, i32
  }
  func.func @transform_2(%arg0: i32) -> (i32, i32) {
    %c0_i32 = arith.constant 0 : i32
    %c0_i32_0 = arith.constant 0 : i32
    %c0_i32_1 = arith.constant 0 : i32
    return %c0_i32, %c0_i32_0 : i32, i32
  }
  func.func @transform_3(%arg0: i32) -> (i32, i32) {
    %c0_i32 = arith.constant 0 : i32
    %c0_i32_0 = arith.constant 0 : i32
    %c0_i32_1 = arith.constant 0 : i32
    return %c0_i32, %c0_i32_0 : i32, i32
  }
  func.func @transform_4(%arg0: i32) -> (i32, i32) {
    %c0_i32 = arith.constant 0 : i32
    %c0_i32_0 = arith.constant 0 : i32
    return %arg0, %c0_i32 : i32, i32
  }
}

module attributes {stable_mosaic.version = 14 : i64} {
  func.func @_pack_body(%arg0: i32, %arg1: memref<64x16384xf32, #tpu.memory_space<vmem>>, %arg2: memref<16384x128xf32, #tpu.memory_space<vmem>>) attributes {dimension_semantics = [#tpu.dimension_semantics<arbitrary>], iteration_bounds = array<i64: 62>, scalar_prefetch = 0 : i64, scratch_operands = 0 : i64, tpu.core_type = #tpu.core_type<tc>, window_params = [{transform_indices = @transform_0, window_bounds = array<i64: 64, 16384>}, {transform_indices = @transform_1, window_bounds = array<i64: 16384, 128>}]} {
    %get3A = arith.constant 0 : index
    %get3A_0 = arith.constant 0 : index
    %get3A_1 = vector.load %arg1[%get3A, %get3A_0] : memref<64x16384xf32, #tpu.memory_space<vmem>>, vector<64x16384xf32>
    %transpose3A = tpu.transpose %get3A_1, [1, 0] : vector<64x16384xf32> -> vector<16384x64xf32>
    %concatenate3A = tpu.concatenate %transpose3A, %transpose3A in 1 : vector<16384x64xf32>, vector<16384x64xf32> -> vector<16384x128xf32>
    %swap3A = arith.constant 0 : index
    %swap3A_2 = arith.constant 0 : index
    %swap3A_3 = vector.load %arg2[%swap3A, %swap3A_2] : memref<16384x128xf32, #tpu.memory_space<vmem>>, vector<16384x128xf32>
    tpu.vector_store %arg2[%swap3A, %swap3A_2], %concatenate3A {strides = array<i32>} : memref<16384x128xf32, #tpu.memory_space<vmem>>, vector<16384x128xf32>,
    return
  }
  func.func @transform_0(%arg0: i32) -> (i32, i32) {
    %c0_i32 = arith.constant 0 : i32
    %c0_i32_0 = arith.constant 0 : i32
    return %c0_i32, %arg0 : i32, i32
  }
  func.func @transform_1(%arg0: i32) -> (i32, i32) {
    %c0_i32 = arith.constant 0 : i32
    %c0_i32_0 = arith.constant 0 : i32
    return %arg0, %c0_i32 : i32, i32
  }
}

</mosaic_0001>

<sc_bundles>
// kernel: kernel.5.cloned.1.call-start
scs
__scs_entry_jumppad:
0x0: {  	(pc) =	sbr.rel $0x88, $3  }
0x1: {  	(tag) =	ssettag $0x0;
	lr =	simm.s32 $0x1  }
0x2: {  	[smem:$0x3F9D] =	sst lr;
	_ =	strace $0xD0000000  }
0x3: {  	_ = 	snop  }
0x4: {  	_ = 	snop  }
0x5: {  	_ = 	snop  }
0x6: {  	_ = 	snop  }
0x7: {  	_ = 	snop  }
__scs_overlays_trampoline_lowered:
0x8: {  	[smem:$0x3FAC] =	sst s0  }
0x9: {  	[smem:$0x3FAD] =	sst s1  }
0xa: {  	[smem:$0x3FAE] =	sst s2  }
0xb: {  	[smem:$0x3FAF] =	sst s3  }
0xc: {  	[smem:$0x3FB0] =	sst s4  }
0xd: {  	[smem:$0x3FB1] =	sst s5  }
0xe: {  	[smem:$0x3FB2] =	sst s6  }
0xf: {  	[smem:$0x3FB3] =	sst s7  }
0x10: {  	[smem:$0x3FB4] =	sst s8  }
0x11: {  	[smem:$0x3FB5] =	sst s9;
	s0 =	simm.s32 @!p0 $0x0  }
0x12: {  	s1 =	sld [smem:$0x3F9B];
	s0 =	simm.s32 @p0 $0x1  }
0x13: {  	[smem:$0x3FB6] =	sst s0;
	s0 =	simm.s32 @!p1 $0x0  }
0x14: {  	s2 =	sld [smem:$0x3F9A];
	s0 =	simm.s32 @p1 $0x1  }
0x15: {  	[smem:$0x3FB7] =	sst s0;
	s0 =	simm.s32 @!p2 $0x0  }
0x16: {  	s3 =	sld [smem:$0x3FDB];
	s0 =	simm.s32 @p2 $0x1  }
0x17: {  	s4 =	simm.s32 $0x1BF5;
	[smem:$0x3FB9] =	sst s0  }
0x18: {  	s0 =	sld [smem:$0x3F9C];
	_ =	swait.ge [sflag:s4], $0x0  }
0x19: {  	s7 =	sld [smem:$0x3F9D]  }
0x1a: {  	s8 =	sadd.s32 $0xFFFFE003, lr  }
0x1b: {  	s9 =	sadd.s32 $0xFFFFFEF7, lr;
	s5 =	simm.s32 $0xFFFFFFFF;
	p2 =	slt.u32 s8, $0xFFFFF086  }
0x1c: {  	p1 =	slt.u32 s9, $0xF7A;
	s5 =	simm.s32 @!p2 $0x0  }
0x1d: {  	s5 =	simm.s32 @p1 $0x1;
	p0 =	seq.s32 s7, s2  }
0x1e: {  	s7 =	smul.u32 @!p0 $0xF7A, s2;
	p2 =	seq.s32 @!p0 s5, $0x0  }
0x1f: {  	s9 =	smul.u32 $0xF7A, s1;
	s8 =	simm.s32 @!p0 $0x1BF5;
	p2 =	por !p2, p0  }
0x20: {  	[sflag:s8] =	ssyncset.s32 @!p0 $0xFFFFF086;
	s6 =	sadd.s32 @!p0 s3, s7;
	s7 =	simm.s32 @!p0 $0x108  }
0x21: {  	s3 =	sadd.s32 s3, s9;
	s6 =	sadd.s32 @!p0 $0x88, s6;
	s7 =	simm.s32 @p2 $0x1082  }
0x22: {  	[simem:s7], [sflag:s8] =	dma.local @!p0 [hbm:s6], $0xF7A  }
0x23: {  	s9 =	sor.u32 $0xD0000000, s2;
	s6 =	simm.s32 $0x108;
	_ =	swait.ge @!p0 [sflag:s8], $0x0  }
0x24: {  	s3 =	sadd.s32 $0x88, s3;
	s6 =	simm.s32 @!p1 $0x1082;
	[sflag:s4] =	ssyncset.s32 $0xFFFFF086  }
0x25: {  	[simem:s6], [sflag:s4] =	dma.local [hbm:s3], $0xF7A  }
0x26: {  	[smem:$0x3F9D] =	sst s1;
	(tag) =	ssettag s2;
	_ =	strace s9  }
0x27: {  	s1 =	sld [smem:$0x3FAD]  }
0x28: {  	s2 =	sld [smem:$0x3FAE]  }
0x29: {  	s4 =	sld [smem:$0x3FB0]  }
0x2a: {  	p0 =	seq.s32 s5, $0x0;
	s5 =	sld [smem:$0x3FB1]  }
0x2b: {  	s6 =	sld [smem:$0x3FB2]  }
0x2c: {  	s7 =	sld [smem:$0x3FB3]  }
0x2d: {  	s3 =	simm.s32 $0x108;
	s8 =	sld [smem:$0x3FB4]  }
0x2e: {  	s3 =	simm.s32 @!p0 $0x1082;
	s9 =	sld [smem:$0x3FB5]  }
0x2f: {  	lr =	sadd.s32 s0, s3;
	s0 =	sld [smem:$0x3FAC]  }
0x30: {  	s3 =	sld [smem:$0x3FAF]  }
0x31: {  	[smem:$0x3FB8] =	sst s10  }
0x32: {  	s10 =	sld [smem:$0x3FB6];
	_ =	sdelay $0x3  }
0x33: {  	p0 =	seq.s32 s10, $0x1;
	s10 =	sld [smem:$0x3FB8];
	_ =	sdelay $0x3  }
0x34: {  	[smem:$0x3FB8] =	sst s10  }
0x35: {  	s10 =	sld [smem:$0x3FB7];
	_ =	sdelay $0x3  }
0x36: {  	p1 =	seq.s32 s10, $0x1;
	s10 =	sld [smem:$0x3FB8];
	_ =	sdelay $0x3  }
0x37: {  	[smem:$0x3FB8] =	sst s10  }
0x38: {  	s10 =	sld [smem:$0x3FB9]  }
0x39: {  	_ = 	snop;
	(pc) =	sbr.ind lr, $3  }
0x3a: {  	_ = 	snop  }
0x3b: {  	_ = 	snop  }
0x3c: {  	p2 =	seq.s32 s10, $0x1;
	s10 =	sld [smem:$0x3FB8]  }
0x3d: {  	_ =	shalt  }
0x3e: {  	_ =	shalt  }
0x3f: {  	_ =	shalt  }
0x40: {  	_ =	shalt  }
0x41: {  	_ =	shalt  }
0x42: {  	_ =	shalt  }
0x43: {  	_ =	shalt  }
0x44: {  	_ =	shalt  }
0x45: {  	_ =	shalt  }
0x46: {  	_ =	shalt  }
0x47: {  	_ =	shalt  }
0x48: {  	_ =	shalt  }
0x49: {  	_ =	shalt  }
0x4a: {  	_ =	shalt  }
0x4b: {  	_ =	shalt  }
0x4c: {  	_ =	shalt  }
0x4d: {  	_ =	shalt  }
0x4e: {  	_ =	shalt  }
0x4f: {  	_ =	shalt  }
0x50: {  	_ =	shalt  }
0x51: {  	_ =	shalt  }
0x52: {  	_ =	shalt  }
0x53: {  	_ =	shalt  }
0x54: {  	_ =	shalt  }
0x55: {  	_ =	shalt  }
0x56: {  	_ =	shalt  }
0x57: {  	_ =	shalt  }
0x58: {  	_ =	shalt  }
0x59: {  	_ =	shalt  }
0x5a: {  	_ =	shalt  }
0x5b: {  	_ =	shalt  }
0x5c: {  	_ =	shalt  }
0x5d: {  	_ =	shalt  }
0x5e: {  	_ =	shalt  }
0x5f: {  	_ =	shalt  }
0x60: {  	_ =	shalt  }
0x61: {  	_ =	shalt  }
0x62: {  	_ =	shalt  }
0x63: {  	_ =	shalt  }
0x64: {  	_ =	shalt  }
0x65: {  	_ =	shalt  }
0x66: {  	_ =	shalt  }
0x67: {  	_ =	shalt  }
0x68: {  	_ =	shalt  }
0x69: {  	_ =	shalt  }
0x6a: {  	_ =	shalt  }
0x6b: {  	_ =	shalt  }
0x6c: {  	_ =	shalt  }
0x6d: {  	_ =	shalt  }
0x6e: {  	_ =	shalt  }
0x6f: {  	_ =	shalt  }
0x70: {  	_ =	shalt  }
0x71: {  	_ =	shalt  }
0x72: {  	_ =	shalt  }
0x73: {  	_ =	shalt  }
0x74: {  	_ =	shalt  }
0x75: {  	_ =	shalt  }
0x76: {  	_ =	shalt  }
0x77: {  	_ =	shalt  }
0x78: {  	_ =	shalt  }
0x79: {  	_ =	shalt  }
0x7a: {  	_ =	shalt  }
0x7b: {  	_ =	shalt  }
0x7c: {  	_ =	shalt  }
0x7d: {  	_ =	shalt  }
0x7e: {  	_ =	shalt  }
0x7f: {  	_ =	shalt  }
0x80: {  	_ =	shalt  }
0x81: {  	_ =	shalt  }
0x82: {  	_ =	shalt  }
0x83: {  	_ =	shalt  }
0x84: {  	_ =	shalt  }
0x85: {  	_ =	shalt  }
0x86: {  	_ =	shalt  }
0x87: {  	_ =	shalt  }
.Lfunc_end0:
.L_simem_size_0:
called_computation_lowered:
.L_overlay_start_0:
0x88: {  	s2 =	sld [smem:$0x3FD9]  }
0x89: {  	s3 =	sld [smem:$0x3FFE];
	_ =	sdelay $0x1  }
0x8a: {  	s1 =	srdreg.scid  }
0x8b: {  	s0 =	sand.u32 $0x1, s1  }
0x8c: {  	s17 =	sshll.u32 s0, $0xA;
	s2 =	sadd.s32 s3, s2  }
0x8d: {  	s2 =	sadd.s32 s2, s17  }
0x8e: {  	[smem:$0x3FC4] =	sst s2  }
0x8f: {  	_ = 	snop  }
0x90: {  	s2 =	sld [smem:$0x3FC9]  }
0x91: {  	s18 =	sld [smem:$0x3FD0];
	(tm) =	ssettm $0x1  }
0x92: {  	s4 =	sld [smem:$0x3FFB];
	_ =	sdelay $0x3  }
0x93: {  	_ =	strace s4  }
0x94: {  	s4 =	sld [smem:$0x3FFC];
	_ =	sdelay $0x3  }
0x95: {  	_ =	strace s4  }
0x96: {  	s4 =	sld [smem:$0x3FFD];
	_ =	sdelay $0x3  }
0x97: {  	_ =	strace s4  }
0x98: {  	_ =	strace $0x8FFFFFFF  }
0x99: {  	s19 =	sld [smem:$0x3FDB];
	_ =	sdelay $0x1  }
0x9a: {  	s5 =	simm.s32 $_scs_section_size  }
0x9b: {  	s6 =	simm.s32 $_size__tile_overlayer_lowered;
	s7 =	simm.s32 $_tile_overlayer_lowered  }
0x9c: {  	s22 =	simm.s32 $0x1BFF;
	s21 =	sshll.u32 s7, $0x1;
	s4 =	sadd.s32 s5, s19  }
0x9d: {  	s8 =	simm.s32 $0x0;
	s20 =	sshll.u32 s6, $0x1;
	s6 =	sadd.s32 s21, s4  }
0x9e: {  	[timem:s8], [sflag:s22] =	dma.local [hbm:s6], s20  }
0x9f: {  	_ =	swait.ge [sflag:s22], s20  }
0xa0: {  	s5 =	ssub.s32 $0x0, s20;
	[sflag:s22] =	ssyncset.done $0x0  }
0xa1: {  	[sflag:s22] =	ssyncadd.s32 s5;
	_ =	sdelay $0x1  }
0xa2: {  	s23 =	simm.s32 $0x1B8B  }
0xa3: {  	_ =	swait.ge [sflag:s23], $0x1  }
0xa4: {  	[sflag:s23] =	ssyncset.done $0x0  }
0xa5: {  	s25 =	simm.s32 $0x1B8E;
	s24 =	sld [smem:$0x3FFE];
	[sflag:s23] =	ssyncadd.s32 $0xFFFFFFFF  }
0xa6: {  	s26 =	simm.s32 $execute0_lowered;
	[smem:$0x3FD2] =	sst s25  }
0xa7: {  	s6 =	sshll.u32 s26, $0x1;
	_ =	strace $0x80000046;
	[dreg:$0x1] =	wrdreg $0xFFFFFFFF  }
0xa8: {  	s28 =	simm.s32 $_size_execute0_lowered;
	s4 =	sadd.s32 s4, s6;
	[dreg:$0x0] =	wrdreg $0x0  }
0xa9: {  	s6 =	sshll.u32 s28, $0x1;
	[dreg:$0x2] =	wrdreg s4  }
0xaa: {  	[dreg:$0x3] =	wrdreg s6  }
0xab: {  	[dreg:$0x4] =	wrdreg $0xC0  }
0xac: {  	_ =	task [dreg:s8], $0x5FFFF  }
0xad: {  	[dreg:$0x1] =	wrdreg $0xFFFFFFFF  }
0xae: {  	[dreg:$0x0] =	wrdreg $0x60  }
0xaf: {  	[dreg:$0x2] =	wrdreg s2  }
0xb0: {  	[dreg:$0x3] =	wrdreg s24  }
0xb1: {  	[dreg:$0x4] =	wrdreg s18  }
0xb2: {  	[dreg:$0x5] =	wrdreg $0x9  }
0xb3: {  	_ =	task.clear_ibuf [dreg:s8], $0x6FFFF;
	_ =	strace $0x90000046  }
0xb4: {  	s29 =	simm.s32 $0x9;
	_ =	strace $0x80000048  }
0xb5: {  	_ =	swait.ge [sflag:s29], $0x1  }
0xb6: {  	[sflag:s29] =	ssyncadd.s32 $0xFFFFFFFF  }
0xb7: {  	_ =	strace $0x90000048  }
0xb8: {  	_ =	sfence  }
0xb9: {  	s30 =	sld [smem:$0x0];
	_ =	sdelay $0x2  }
0xba: {  	s31 =	sshll.u32 s1, $0xD;
	s1 =	sshrl.u32 s1, $0x2  }
0xbb: {  	s3 =	sand.u32 $0x4000, s31;
	s1 =	sadd.s32 s1, s30  }
0xbc: {  	s0 =	sor.u32 s3, s0;
	s1 =	sshll.u32 s1, $0x11  }
0xbd: {  	s0 =	sor.u32 s1, s0  }
0xbe: {  	s0 =	sadd.s32 $0x8F2B, s0  }
0xbf: {  	[sflag:s0] =	ssyncadd.remote.s32 $0x1  }
0xc0: {  	_ =	sfence.sel $0xFFFF  }
0xc1: {  	[dreg:$0x0] =	wrdreg $0xFFFFFFFF;
	(pc) =	sbr.abs _section_cstart, $3  }
0xc2: {  	[dreg:$0x1] =	wrdreg $0xFFFFFFFF  }
0xc3: {  	_ =	task.clear_ibuf [dreg:s8], $0x2FFFF;
	_ =	strace $0x9FFFFFFF  }
0xc4: {  	(tm) =	ssettm $0x7FFFFFFF  }
0xc5: {  	_ =	shalt  }
tec
execute0_lowered:
.L_overlay_start_1:
0x0: {  	(tag) =	ssettag $0x1  }
0x1: {  	s0 =	rddreg [dreg:$0x0]  }
0x2: {  	s1 =	rddreg [dreg:$0x1]  }
0x3: {  	s10 =	rddreg [dreg:$0x2];
	s3 =	srdreg.scid  }
0x4: {  	s5 =	stileid.u32;
	s2 =	simm.s32 $0x0;
	s13 =	simm.s32 $0x1  }
0x5: {  	s14 =	simm.s32 $0x80;
	s15 =	simm.s32 $0x6400;
	s16 =	simm.s32 $0xA400  }
0x6: {  	s18 =	simm.s32 $0xE400;
	s20 =	simm.s32 $0x12400;
	s21 =	simm.s32 $0x3  }
0x7: {  	s22 =	simm.s32 $0x9;
	s23 =	simm.s32 $0x2;
	s17 =	simm.s32 $0x6  }
0x8: {  	s19 =	simm.s32 $0x7;
	s24 =	simm.s32 $0x8;
	s28 =	simm.s32 $0x0  }
0x9: {  	s4 =	sand.u32 $0x1, s3;
	s25 =	sshll.u32 s5, $0x1;
	[smem:$0x7FF] =	sst s2  }
0xa: {  	s3 =	sadd.s32 $0x1000, s1;
	s9 =	sor.u32 s4, s25;
	_ =	strace $0x80000047  }
0xb: {  	s4 =	ssub.s32 $0x2, s4;
	s26 =	smul.u32 $0x6200, s9;
	s6 =	sshll.u32 s9, $0xD  }
0xc: {  	s29 =	sshrl.u32 s4, $0x1;
	s30 =	sshll.u32 s9, $0x6;
	s31 =	sshll.u32 s9, $0x4  }
0xd: {  	s1 =	sadd.s32 s6, s1;
	s11 =	ssub.s32 s4, s29;
	s4 =	sadd.s32 s0, s30  }
0xe: {  	s10 =	sadd.s32 s10, s31;
	s6 =	sadd.s32 $0xF43400, s1;
	s7 =	sadd.s32 $0xF43C00, s1  }
0xf: {  	s5 =	sshrl.u32 s26, $0x3;
	s8 =	sadd.s32 $0xF44400, s1;
	s9 =	sadd.s32 $0xF44C00, s1  }
0x10: {  	s11 =	smax.u32 s11, $0x1;
	s1 =	simm.s32 $0x5;
	s5 =	sadd.s32 s0, s5  }
0x11: {  	v0 =	vimm.f32 $0.0e+00;
	s26 =	simm.s32 $0xA;
	s0 =	simm.s32 $0x4;
	s5 =	sadd.s32 $0x800, s5  }
.LBB2_1:
0x12: {  	[tilespmem:s2], [sflag:$0x1] =	stream.linear.gather [hbm4b:s4+s2], $0x200, $0x38;
	[tilespmem:$0x1E480] =	vst v63  }
0x13: {  	s12 =	simm.s32 $0x200  }
0x14: {  	[tilespmem:s12], [sflag:$0x2] =	stream.linear.gather [hbm4b:s5+s2], $0x6200, $0x38;
	[tilespmem:$0x1E480] =	vst v63  }
0x15: {  	_ =	swait.ge [sflag:s13], $0x200  }
0x16: {  	[sflag:s13] =	ssyncset.done $0x0  }
0x17: {  	[sflag:s13] =	ssyncadd.s32 $0xFFFFFE00  }
0x18: {  	[tilespmem:s15], [sflag:$0x3] =	stream.indirect.gather [hbm4b:s3+s14], $0x80, s2, s14, $0xb8;
	[tilespmem:$0x1E480] =	vst v63  }
0x19: {  	_ = 	snop  }
0x1a: {  	[tilespmem:s16], [sflag:$0x3] =	stream.indirect.gather [hbm4b:s3+s14], $0x80, s14, s14, $0xb8;
	[tilespmem:$0x1E480] =	vst v63  }
0x1b: {  	s25 =	simm.s32 $0x100  }
0x1c: {  	[tilespmem:s18], [sflag:$0x3] =	stream.indirect.gather [hbm4b:s3+s14], $0x80, s25, s14, $0xb8;
	[tilespmem:$0x1E480] =	vst v63  }
0x1d: {  	s31 =	simm.s32 $0x180  }
0x1e: {  	[tilespmem:s20], [sflag:$0x3] =	stream.indirect.gather [hbm4b:s3+s14], $0x80, s31, s14, $0xb8;
	[tilespmem:$0x1E480] =	vst v63  }
0x1f: {  	_ =	swait.ge [sflag:s21], $0x4000  }
0x20: {  	[sflag:s21] =	ssyncset.done $0x0  }
0x21: {  	[sflag:s21] =	ssyncadd.s32 $0xFFFFC000  }
0x22: {  	_ =	swait.ge [sflag:s21], $0x4000  }
0x23: {  	[sflag:s21] =	ssyncset.done $0x0  }
0x24: {  	[sflag:s21] =	ssyncadd.s32 $0xFFFFC000  }
0x25: {  	_ =	swait.ge [sflag:s21], $0x4000  }
0x26: {  	[sflag:s21] =	ssyncset.done $0x0  }
0x27: {  	[sflag:s21] =	ssyncadd.s32 $0xFFFFC000  }
0x28: {  	_ =	swait.ge [sflag:s21], $0x4000  }
0x29: {  	[sflag:s21] =	ssyncset.done $0x0  }
0x2a: {  	[sflag:s21] =	ssyncadd.s32 $0xFFFFC000  }
0x2b: {  	[hbm4b:s6+s2] =	stream.linear.scatter [tilespmem:s15], [sflag:$0x9], $0x4000, $0x38;
	[tilespmem:$0x1E480] =	vst v63  }
0x2c: {  	_ = 	snop  }
0x2d: {  	[hbm4b:s7+s2] =	stream.linear.scatter [tilespmem:s16], [sflag:$0x9], $0x4000, $0x38;
	[tilespmem:$0x1E480] =	vst v63  }
0x2e: {  	_ = 	snop  }
0x2f: {  	[hbm4b:s8+s2] =	stream.linear.scatter [tilespmem:s18], [sflag:$0x9], $0x4000, $0x38;
	[tilespmem:$0x1E480] =	vst v63  }
0x30: {  	_ = 	snop  }
0x31: {  	[hbm4b:s9+s2] =	stream.linear.scatter [tilespmem:s20], [sflag:$0x9], $0x4000, $0x38;
	[tilespmem:$0x1E480] =	vst v63  }
0x32: {  	_ =	swait.ge [sflag:s22], $0x4000  }
0x33: {  	[sflag:s22] =	ssyncset.done $0x0  }
0x34: {  	[sflag:s22] =	ssyncadd.s32 $0xFFFFC000  }
0x35: {  	_ =	swait.ge [sflag:s22], $0x4000  }
0x36: {  	[sflag:s22] =	ssyncset.done $0x0  }
0x37: {  	[sflag:s22] =	ssyncadd.s32 $0xFFFFC000  }
0x38: {  	_ =	swait.ge [sflag:s22], $0x4000  }
0x39: {  	[sflag:s22] =	ssyncset.done $0x0  }
0x3a: {  	[sflag:s22] =	ssyncadd.s32 $0xFFFFC000  }
0x3b: {  	_ =	swait.ge [sflag:s22], $0x4000  }
0x3c: {  	[sflag:s22] =	ssyncset.done $0x0  }
0x3d: {  	[sflag:s22] =	ssyncadd.s32 $0xFFFFC000  }
0x3e: {  	_ =	swait.ge [sflag:s23], $0x6200  }
0x3f: {  	[sflag:s23] =	ssyncset.done $0x0  }
0x40: {  	[sflag:s23] =	ssyncadd.s32 $0xFFFF9E00  }
0x41: {  	[tilespmem:s15], [sflag:$0x3] =	stream.indirect.gather [hbm4b:s3+s14], $0x80, s12, s14, $0xb8;
	[tilespmem:$0x1E480] =	vst v63  }
0x42: {  	s30 =	simm.s32 $0x280  }
0x43: {  	[tilespmem:s16], [sflag:$0x4] =	stream.indirect.gather [hbm4b:s3+s14], $0x80, s30, s14, $0xb8;
	[tilespmem:$0x1E480] =	vst v63  }
0x44: {  	s31 =	simm.s32 $0x300  }
0x45: {  	[tilespmem:s18], [sflag:$0x5] =	stream.indirect.gather [hbm4b:s3+s14], $0x80, s31, s14, $0xb8;
	[tilespmem:$0x1E480] =	vst v63  }
0x46: {  	s25 =	simm.s32 $0x380  }
0x47: {  	[tilespmem:s20], [sflag:$0x6] =	stream.indirect.gather [hbm4b:s3+s14], $0x80, s25, s14, $0xb8;
	[tilespmem:$0x1E480] =	vst v63  }
0x48: {  	s30 =	simm.s32 $0x400;
	s31 =	simm.s32 $0x16400  }
0x49: {  	[tilespmem:s31], [sflag:$0x7] =	stream.indirect.gather [hbm4b:s3+s14], $0x80, s30, s14, $0xb8;
	[tilespmem:$0x1E480] =	vst v63  }
0x4a: {  	v2 =	vimm.f32 $0.0e+00;
	s29 =	simm.s32 $0x0;
	s30 =	simm.s32 $0x480;
	s31 =	simm.s32 $0x1A400  }
0x4b: {  	v4 =	vimm.f32 $0.0e+00;
	v3 =	vimm.f32 $0.0e+00;
	v5 =	vimm.f32 $0.0e+00;
	[tilespmem:s31], [sflag:$0x8] =	stream.indirect.gather [hbm4b:s3+s14], $0x80, s30, s14, $0xb8;
	[tilespmem:$0x1E480] =	vst v63  }
.LBB2_2:
0x4c: {  	_ =	swait.ge [sflag:s21], $0x4000  }
0x4d: {  	[sflag:s21] =	ssyncset.done $0x0  }
0x4e: {  	s25 =	simm.s32 $0x0;
	[sflag:s21] =	ssyncadd.s32 $0xFFFFC000  }
0x4f: {  	v6 =	vld [tilespmem:s25+$0x6780]  }
0x50: {  	v8 =	vld [tilespmem:s25+$0x6790]  }
0x51: {  	v9 =	vld [tilespmem:s25+$0x6700]  }
0x52: {  	v10 =	vld [tilespmem:s25+$0x6710]  }
0x53: {  	v13 =	vld [tilespmem:s25+$0x6680]  }
0x54: {  	v14 =	vld [tilespmem:s25+$0x6690]  }
0x55: {  	v16 =	vld [tilespmem:s25+$0x6600]  }
0x56: {  	v18 =	vld [tilespmem:s25+$0x6610]  }
0x57: {  	v17 =	vld [tilespmem:s25+$0x6580]  }
0x58: {  	v19 =	vld [tilespmem:s25+$0x6590]  }
0x59: {  	v12 =	vld [tilespmem:s25+$0x6500]  }
0x5a: {  	v15 =	vld [tilespmem:s25+$0x6510]  }
0x5b: {  	v7 =	vld [tilespmem:s25+$0x6480]  }
0x5c: {  	v11 =	vld [tilespmem:s25+$0x6490]  }
0x5d: {  	v21 =	vld [tilespmem:s25+$0x6400]  }
0x5e: {  	v22 =	vld [tilespmem:s25+$0x6410]  }
0x5f: {  	s30 =	simm.s32 $0x1000;
	v20 =	vld [tilespmem:s25+$0x6420]  }
.LBB2_3:
0x60: {  	p0 =	sne.s32 s30, $0xF000;
	v1 =	vld [tilespmem:s25+$0x6430]  }
0x61: {  	v23 =	vld [tilespmem:s25+$0x64A0]  }
0x62: {  	v24 =	vld [tilespmem:s25+$0x64B0]  }
0x63: {  	v25 =	vld [tilespmem:s25+$0x6520]  }
0x64: {  	v5 =	vadd.f32 v21, v5;
	v3 =	vadd.f32 v22, v3;
	v21 =	vld [tilespmem:s25+$0x6530]  }
0x65: {  	v4 =	vadd.f32 v20, v4;
	v1 =	vadd.f32 v1, v2;
	v2 =	vld [tilespmem:s25+$0x65A0]  }
0x66: {  	v5 =	vadd.f32 v7, v5;
	v3 =	vadd.f32 v11, v3;
	v7 =	vld [tilespmem:s25+$0x65B0]  }
0x67: {  	v4 =	vadd.f32 v23, v4;
	v1 =	vadd.f32 v24, v1;
	v11 =	vld [tilespmem:s25+$0x6620]  }
0x68: {  	v5 =	vadd.f32 v12, v5;
	v3 =	vadd.f32 v15, v3;
	v12 =	vld [tilespmem:s25+$0x6630]  }
0x69: {  	v4 =	vadd.f32 v25, v4;
	v1 =	vadd.f32 v21, v1;
	v15 =	vld [tilespmem:s25+$0x66A0]  }
0x6a: {  	v5 =	vadd.f32 v17, v5;
	v3 =	vadd.f32 v19, v3;
	v17 =	vld [tilespmem:s25+$0x66B0]  }
0x6b: {  	v2 =	vadd.f32 v2, v4;
	v1 =	vadd.f32 v7, v1;
	v4 =	vld [tilespmem:s25+$0x6720]  }
0x6c: {  	v5 =	vadd.f32 v16, v5;
	v3 =	vadd.f32 v18, v3;
	v7 =	vld [tilespmem:s25+$0x6730]  }
0x6d: {  	v2 =	vadd.f32 v11, v2;
	v1 =	vadd.f32 v12, v1;
	v11 =	vld [tilespmem:s25+$0x67A0]  }
0x6e: {  	v5 =	vadd.f32 v13, v5;
	v3 =	vadd.f32 v14, v3;
	v12 =	vld [tilespmem:s25+$0x67B0];
	s25 =	sshra.s32 s30, $0x2  }
0x6f: {  	v2 =	vadd.f32 v15, v2;
	v16 =	vld [tilespmem:s25+$0x6780];
	v1 =	vadd.f32 v17, v1  }
0x70: {  	v5 =	vadd.f32 v9, v5;
	v3 =	vadd.f32 v10, v3;
	v15 =	vld [tilespmem:s25+$0x6790]  }
0x71: {  	v2 =	vadd.f32 v4, v2;
	v9 =	vld [tilespmem:s25+$0x6700];
	v1 =	vadd.f32 v7, v1  }
0x72: {  	v5 =	vadd.f32 v6, v5;
	v3 =	vadd.f32 v8, v3;
	v10 =	vld [tilespmem:s25+$0x6710]  }
0x73: {  	v4 =	vadd.f32 v11, v2;
	v13 =	vld [tilespmem:s25+$0x6680];
	v2 =	vadd.f32 v12, v1  }
0x74: {  	v14 =	vld [tilespmem:s25+$0x6690];
	v6 =	vmov v16  }
0x75: {  	v16 =	vld [tilespmem:s25+$0x6600];
	v8 =	vmov v15  }
0x76: {  	v18 =	vld [tilespmem:s25+$0x6610]  }
0x77: {  	v17 =	vld [tilespmem:s25+$0x6580]  }
0x78: {  	v19 =	vld [tilespmem:s25+$0x6590]  }
0x79: {  	v12 =	vld [tilespmem:s25+$0x6500]  }
0x7a: {  	v15 =	vld [tilespmem:s25+$0x6510]  }
.Ltmp0:
0x7b: {  	v7 =	vld [tilespmem:s25+$0x6480];
	(pc) =	sbr.rel @p0 .LBB2_3-.Ltmp0, $4  }
0x7c: {  	v11 =	vld [tilespmem:s25+$0x6490]  }
0x7d: {  	v21 =	vld [tilespmem:s25+$0x6400]  }
0x7e: {  	v22 =	vld [tilespmem:s25+$0x6410]  }
0x7f: {  	s30 =	sadd.s32 $0x1000, s30;
	v20 =	vld [tilespmem:s25+$0x6420]  }
0x80: {  	v23 =	vld [tilespmem:s25+$0x6430]  }
0x81: {  	v24 =	vld [tilespmem:s25+$0x64A0]  }
0x82: {  	v25 =	vld [tilespmem:s25+$0x64B0]  }
0x83: {  	v26 =	vld [tilespmem:s25+$0x6520]  }
0x84: {  	v27 =	vld [tilespmem:s25+$0x6530]  }
0x85: {  	v28 =	vld [tilespmem:s25+$0x65A0]  }
0x86: {  	v29 =	vld [tilespmem:s25+$0x65B0]  }
0x87: {  	v30 =	vld [tilespmem:s25+$0x6620]  }
0x88: {  	v31 =	vld [tilespmem:s25+$0x6630]  }
0x89: {  	v32 =	vld [tilespmem:s25+$0x66A0];
	s31 =	sadd.s32 $0x1, s29  }
0x8a: {  	v33 =	vld [tilespmem:s25+$0x66B0];
	s12 =	smul.u32 $0xC00, s31  }
0x8b: {  	v34 =	vld [tilespmem:s25+$0x6720]  }
0x8c: {  	v35 =	vld [tilespmem:s25+$0x6730];
	s30 =	sshra.s32 s12, $0x2  }
0x8d: {  	v36 =	vld [tilespmem:s25+$0x67A0];
	s12 =	sadd.s32 $0x200, s30  }
0x8e: {  	v37 =	vld [tilespmem:s25+$0x67B0];
	[tilespmem:s15], [sflag:$0x3] =	stream.indirect.gather [hbm4b:s3+s14], $0x80, s12, s14, $0xb8  }
0x8f: {  	_ =	swait.ge [sflag:s0], $0x4000  }
0x90: {  	[sflag:s0] =	ssyncset.done $0x0  }
0x91: {  	s25 =	simm.s32 $0x0;
	[sflag:s0] =	ssyncadd.s32 $0xFFFFC000  }
0x92: {  	v1 =	vld [tilespmem:s25+$0xA780]  }
0x93: {  	v21 =	vadd.f32 v21, v5;
	v22 =	vadd.f32 v22, v3;
	v3 =	vld [tilespmem:s25+$0xA790]  }
0x94: {  	v4 =	vadd.f32 v20, v4;
	v2 =	vadd.f32 v23, v2;
	v5 =	vld [tilespmem:s25+$0xA700]  }
0x95: {  	v20 =	vadd.f32 v7, v21;
	v21 =	vadd.f32 v11, v22;
	v7 =	vld [tilespmem:s25+$0xA710]  }
0x96: {  	v4 =	vadd.f32 v24, v4;
	v2 =	vadd.f32 v25, v2;
	v11 =	vld [tilespmem:s25+$0xA680]  }
0x97: {  	v20 =	vadd.f32 v12, v20;
	v21 =	vadd.f32 v15, v21;
	v12 =	vld [tilespmem:s25+$0xA690]  }
0x98: {  	v4 =	vadd.f32 v26, v4;
	v2 =	vadd.f32 v27, v2;
	v15 =	vld [tilespmem:s25+$0xA600]  }
0x99: {  	v20 =	vadd.f32 v17, v20;
	v21 =	vadd.f32 v19, v21;
	v17 =	vld [tilespmem:s25+$0xA610]  }
0x9a: {  	v19 =	vld [tilespmem:s25+$0xA580];
	v4 =	vadd.f32 v28, v4;
	v2 =	vadd.f32 v29, v2  }
0x9b: {  	v20 =	vadd.f32 v16, v20;
	v16 =	vld [tilespmem:s25+$0xA500];
	v21 =	vadd.f32 v18, v21  }
0x9c: {  	v18 =	vld [tilespmem:s25+$0xA590];
	v4 =	vadd.f32 v30, v4;
	v2 =	vadd.f32 v31, v2  }
0x9d: {  	v20 =	vadd.f32 v13, v20;
	v13 =	vld [tilespmem:s25+$0xA510];
	v21 =	vadd.f32 v14, v21  }
0x9e: {  	v14 =	vld [tilespmem:s25+$0xA480];
	v4 =	vadd.f32 v32, v4;
	v2 =	vadd.f32 v33, v2  }
0x9f: {  	v9 =	vadd.f32 v9, v20;
	v20 =	vld [tilespmem:s25+$0xA400];
	v21 =	vadd.f32 v10, v21  }
0xa0: {  	v10 =	vld [tilespmem:s25+$0xA490];
	v22 =	vadd.f32 v34, v4;
	v2 =	vadd.f32 v35, v2  }
0xa1: {  	v4 =	vadd.f32 v6, v9;
	v6 =	vadd.f32 v8, v21;
	v21 =	vld [tilespmem:s25+$0xA410]  }
0xa2: {  	s12 =	simm.s32 $0x1000;
	v8 =	vadd.f32 v36, v22;
	v22 =	vld [tilespmem:s25+$0xA420];
	v9 =	vadd.f32 v37, v2  }
.LBB2_5:
0xa3: {  	p0 =	sne.s32 s12, $0xF000;
	v2 =	vld [tilespmem:s25+$0xA430]  }
0xa4: {  	v23 =	vld [tilespmem:s25+$0xA4A0]  }
0xa5: {  	v24 =	vld [tilespmem:s25+$0xA4B0]  }
0xa6: {  	v25 =	vld [tilespmem:s25+$0xA520]  }
0xa7: {  	v4 =	vadd.f32 v20, v4;
	v6 =	vadd.f32 v21, v6;
	v20 =	vld [tilespmem:s25+$0xA530]  }
0xa8: {  	v8 =	vadd.f32 v22, v8;
	v2 =	vadd.f32 v2, v9;
	v9 =	vld [tilespmem:s25+$0xA5A0]  }
0xa9: {  	v4 =	vadd.f32 v14, v4;
	v6 =	vadd.f32 v10, v6;
	v10 =	vld [tilespmem:s25+$0xA5B0]  }
0xaa: {  	v8 =	vadd.f32 v23, v8;
	v2 =	vadd.f32 v24, v2;
	v14 =	vld [tilespmem:s25+$0xA620]  }
0xab: {  	v4 =	vadd.f32 v16, v4;
	v6 =	vadd.f32 v13, v6;
	v13 =	vld [tilespmem:s25+$0xA630]  }
0xac: {  	v8 =	vadd.f32 v25, v8;
	v2 =	vadd.f32 v20, v2;
	v16 =	vld [tilespmem:s25+$0xA6A0]  }
0xad: {  	v4 =	vadd.f32 v19, v4;
	v6 =	vadd.f32 v18, v6;
	v18 =	vld [tilespmem:s25+$0xA6B0]  }
0xae: {  	v8 =	vadd.f32 v9, v8;
	v2 =	vadd.f32 v10, v2;
	v9 =	vld [tilespmem:s25+$0xA720]  }
0xaf: {  	v4 =	vadd.f32 v15, v4;
	v6 =	vadd.f32 v17, v6;
	v10 =	vld [tilespmem:s25+$0xA730]  }
0xb0: {  	v8 =	vadd.f32 v14, v8;
	v2 =	vadd.f32 v13, v2;
	v13 =	vld [tilespmem:s25+$0xA7A0]  }
0xb1: {  	v4 =	vadd.f32 v11, v4;
	v6 =	vadd.f32 v12, v6;
	v12 =	vld [tilespmem:s25+$0xA7B0];
	s25 =	sshra.s32 s12, $0x2  }
0xb2: {  	v8 =	vadd.f32 v16, v8;
	v14 =	vld [tilespmem:s25+$0xA780];
	v2 =	vadd.f32 v18, v2  }
0xb3: {  	v4 =	vadd.f32 v5, v4;
	v6 =	vadd.f32 v7, v6;
	v16 =	vld [tilespmem:s25+$0xA790]  }
0xb4: {  	v8 =	vadd.f32 v9, v8;
	v5 =	vld [tilespmem:s25+$0xA700];
	v2 =	vadd.f32 v10, v2  }
0xb5: {  	v4 =	vadd.f32 v1, v4;
	v6 =	vadd.f32 v3, v6;
	v7 =	vld [tilespmem:s25+$0xA710]  }
0xb6: {  	v8 =	vadd.f32 v13, v8;
	v11 =	vld [tilespmem:s25+$0xA680];
	v9 =	vadd.f32 v12, v2  }
0xb7: {  	v12 =	vld [tilespmem:s25+$0xA690];
	v1 =	vmov v14  }
0xb8: {  	v15 =	vld [tilespmem:s25+$0xA600];
	v3 =	vmov v16  }
0xb9: {  	v17 =	vld [tilespmem:s25+$0xA610]  }
0xba: {  	v19 =	vld [tilespmem:s25+$0xA580]  }
0xbb: {  	v18 =	vld [tilespmem:s25+$0xA590]  }
0xbc: {  	v16 =	vld [tilespmem:s25+$0xA500]  }
0xbd: {  	v13 =	vld [tilespmem:s25+$0xA510]  }
.Ltmp1:
0xbe: {  	v14 =	vld [tilespmem:s25+$0xA480];
	(pc) =	sbr.rel @p0 .LBB2_5-.Ltmp1, $4  }
0xbf: {  	v10 =	vld [tilespmem:s25+$0xA490]  }
0xc0: {  	v20 =	vld [tilespmem:s25+$0xA400]  }
0xc1: {  	v21 =	vld [tilespmem:s25+$0xA410]  }
0xc2: {  	s12 =	sadd.s32 $0x1000, s12;
	v22 =	vld [tilespmem:s25+$0xA420]  }
0xc3: {  	v23 =	vld [tilespmem:s25+$0xA430]  }
0xc4: {  	v24 =	vld [tilespmem:s25+$0xA4A0]  }
0xc5: {  	v25 =	vld [tilespmem:s25+$0xA4B0]  }
0xc6: {  	v26 =	vld [tilespmem:s25+$0xA520]  }
0xc7: {  	v27 =	vld [tilespmem:s25+$0xA530]  }
0xc8: {  	v28 =	vld [tilespmem:s25+$0xA5A0]  }
0xc9: {  	v29 =	vld [tilespmem:s25+$0xA5B0]  }
0xca: {  	v30 =	vld [tilespmem:s25+$0xA620]  }
0xcb: {  	v31 =	vld [tilespmem:s25+$0xA630]  }
0xcc: {  	v32 =	vld [tilespmem:s25+$0xA6A0]  }
0xcd: {  	v33 =	vld [tilespmem:s25+$0xA6B0]  }
0xce: {  	v34 =	vld [tilespmem:s25+$0xA720]  }
0xcf: {  	v35 =	vld [tilespmem:s25+$0xA730]  }
0xd0: {  	v36 =	vld [tilespmem:s25+$0xA7A0];
	s12 =	sadd.s32 $0x280, s30  }
0xd1: {  	v37 =	vld [tilespmem:s25+$0xA7B0];
	[tilespmem:s16], [sflag:$0x4] =	stream.indirect.gather [hbm4b:s3+s14], $0x80, s12, s14, $0xb8  }
0xd2: {  	_ =	swait.ge [sflag:s1], $0x4000  }
0xd3: {  	[sflag:s1] =	ssyncset.done $0x0  }
0xd4: {  	s25 =	simm.s32 $0x0;
	[sflag:s1] =	ssyncadd.s32 $0xFFFFC000  }
0xd5: {  	v2 =	vld [tilespmem:s25+$0xE780]  }
0xd6: {  	v20 =	vadd.f32 v20, v4;
	v21 =	vadd.f32 v21, v6;
	v4 =	vld [tilespmem:s25+$0xE790]  }
0xd7: {  	v22 =	vadd.f32 v22, v8;
	v9 =	vadd.f32 v23, v9;
	v6 =	vld [tilespmem:s25+$0xE700]  }
0xd8: {  	v14 =	vadd.f32 v14, v20;
	v20 =	vadd.f32 v10, v21;
	v8 =	vld [tilespmem:s25+$0xE710]  }
0xd9: {  	v10 =	vld [tilespmem:s25+$0xE680];
	v21 =	vadd.f32 v24, v22;
	v9 =	vadd.f32 v25, v9  }
0xda: {  	v14 =	vadd.f32 v16, v14;
	v16 =	vld [tilespmem:s25+$0xE600];
	v20 =	vadd.f32 v13, v20  }
0xdb: {  	v13 =	vld [tilespmem:s25+$0xE690];
	v21 =	vadd.f32 v26, v21;
	v9 =	vadd.f32 v27, v9  }
0xdc: {  	v14 =	vadd.f32 v19, v14;
	v19 =	vld [tilespmem:s25+$0xE580];
	v20 =	vadd.f32 v18, v20  }
0xdd: {  	v18 =	vld [tilespmem:s25+$0xE610];
	v21 =	vadd.f32 v28, v21;
	v9 =	vadd.f32 v29, v9  }
0xde: {  	v15 =	vadd.f32 v15, v14;
	v14 =	vld [tilespmem:s25+$0xE500];
	v20 =	vadd.f32 v17, v20  }
0xdf: {  	v17 =	vld [tilespmem:s25+$0xE590];
	v21 =	vadd.f32 v30, v21;
	v9 =	vadd.f32 v31, v9  }
0xe0: {  	v15 =	vadd.f32 v11, v15;
	v11 =	vld [tilespmem:s25+$0xE480];
	v20 =	vadd.f32 v12, v20  }
0xe1: {  	v12 =	vld [tilespmem:s25+$0xE510];
	v21 =	vadd.f32 v32, v21;
	v9 =	vadd.f32 v33, v9  }
0xe2: {  	v5 =	vadd.f32 v5, v15;
	v15 =	vld [tilespmem:s25+$0xE490];
	v7 =	vadd.f32 v7, v20  }
0xe3: {  	v20 =	vld [tilespmem:s25+$0xE400];
	v22 =	vadd.f32 v34, v21;
	v9 =	vadd.f32 v35, v9  }
0xe4: {  	v1 =	vadd.f32 v1, v5;
	v21 =	vld [tilespmem:s25+$0xE410];
	v5 =	vadd.f32 v3, v7  }
0xe5: {  	s12 =	simm.s32 $0x1000;
	v7 =	vadd.f32 v36, v22;
	v22 =	vld [tilespmem:s25+$0xE420];
	v9 =	vadd.f32 v37, v9  }
.LBB2_7:
0xe6: {  	p0 =	sne.s32 s12, $0xF000;
	v3 =	vld [tilespmem:s25+$0xE430]  }
0xe7: {  	v23 =	vld [tilespmem:s25+$0xE4A0]  }
0xe8: {  	v24 =	vld [tilespmem:s25+$0xE4B0]  }
0xe9: {  	v25 =	vld [tilespmem:s25+$0xE520]  }
0xea: {  	v1 =	vadd.f32 v20, v1;
	v5 =	vadd.f32 v21, v5;
	v20 =	vld [tilespmem:s25+$0xE530]  }
0xeb: {  	v7 =	vadd.f32 v22, v7;
	v3 =	vadd.f32 v3, v9;
	v9 =	vld [tilespmem:s25+$0xE5A0]  }
0xec: {  	v1 =	vadd.f32 v11, v1;
	v5 =	vadd.f32 v15, v5;
	v11 =	vld [tilespmem:s25+$0xE5B0]  }
0xed: {  	v7 =	vadd.f32 v23, v7;
	v3 =	vadd.f32 v24, v3;
	v15 =	vld [tilespmem:s25+$0xE620]  }
0xee: {  	v1 =	vadd.f32 v14, v1;
	v5 =	vadd.f32 v12, v5;
	v12 =	vld [tilespmem:s25+$0xE630]  }
0xef: {  	v7 =	vadd.f32 v25, v7;
	v3 =	vadd.f32 v20, v3;
	v14 =	vld [tilespmem:s25+$0xE6A0]  }
0xf0: {  	v1 =	vadd.f32 v19, v1;
	v5 =	vadd.f32 v17, v5;
	v17 =	vld [tilespmem:s25+$0xE6B0]  }
0xf1: {  	v7 =	vadd.f32 v9, v7;
	v3 =	vadd.f32 v11, v3;
	v9 =	vld [tilespmem:s25+$0xE720]  }
0xf2: {  	v1 =	vadd.f32 v16, v1;
	v5 =	vadd.f32 v18, v5;
	v11 =	vld [tilespmem:s25+$0xE730]  }
0xf3: {  	v7 =	vadd.f32 v15, v7;
	v3 =	vadd.f32 v12, v3;
	v12 =	vld [tilespmem:s25+$0xE7A0]  }
0xf4: {  	v1 =	vadd.f32 v10, v1;
	v5 =	vadd.f32 v13, v5;
	v13 =	vld [tilespmem:s25+$0xE7B0];
	s25 =	sshra.s32 s12, $0x2  }
0xf5: {  	v7 =	vadd.f32 v14, v7;
	v15 =	vld [tilespmem:s25+$0xE780];
	v3 =	vadd.f32 v17, v3  }
0xf6: {  	v1 =	vadd.f32 v6, v1;
	v5 =	vadd.f32 v8, v5;
	v14 =	vld [tilespmem:s25+$0xE790]  }
0xf7: {  	v7 =	vadd.f32 v9, v7;
	v6 =	vld [tilespmem:s25+$0xE700];
	v3 =	vadd.f32 v11, v3  }
0xf8: {  	v1 =	vadd.f32 v2, v1;
	v5 =	vadd.f32 v4, v5;
	v8 =	vld [tilespmem:s25+$0xE710]  }
0xf9: {  	v7 =	vadd.f32 v12, v7;
	v10 =	vld [tilespmem:s25+$0xE680];
	v9 =	vadd.f32 v13, v3  }
0xfa: {  	v13 =	vld [tilespmem:s25+$0xE690];
	v2 =	vmov v15  }
0xfb: {  	v16 =	vld [tilespmem:s25+$0xE600];
	v4 =	vmov v14  }
0xfc: {  	v18 =	vld [tilespmem:s25+$0xE610]  }
0xfd: {  	v19 =	vld [tilespmem:s25+$0xE580]  }
0xfe: {  	v17 =	vld [tilespmem:s25+$0xE590]  }
0xff: {  	v14 =	vld [tilespmem:s25+$0xE500]  }
0x100: {  	v12 =	vld [tilespmem:s25+$0xE510]  }
.Ltmp2:
0x101: {  	v11 =	vld [tilespmem:s25+$0xE480];
	(pc) =	sbr.rel @p0 .LBB2_7-.Ltmp2, $4  }
0x102: {  	v15 =	vld [tilespmem:s25+$0xE490]  }
0x103: {  	v20 =	vld [tilespmem:s25+$0xE400]  }
0x104: {  	v21 =	vld [tilespmem:s25+$0xE410]  }
0x105: {  	s12 =	sadd.s32 $0x1000, s12;
	v22 =	vld [tilespmem:s25+$0xE420]  }
0x106: {  	v23 =	vld [tilespmem:s25+$0xE430]  }
0x107: {  	v24 =	vld [tilespmem:s25+$0xE4A0]  }
0x108: {  	v25 =	vld [tilespmem:s25+$0xE4B0]  }
0x109: {  	v26 =	vld [tilespmem:s25+$0xE520]  }
0x10a: {  	v27 =	vld [tilespmem:s25+$0xE530]  }
0x10b: {  	v28 =	vld [tilespmem:s25+$0xE5A0]  }
0x10c: {  	v29 =	vld [tilespmem:s25+$0xE5B0]  }
0x10d: {  	v30 =	vld [tilespmem:s25+$0xE620]  }
0x10e: {  	v31 =	vld [tilespmem:s25+$0xE630]  }
0x10f: {  	v32 =	vld [tilespmem:s25+$0xE6A0]  }
0x110: {  	v33 =	vld [tilespmem:s25+$0xE6B0]  }
0x111: {  	v34 =	vld [tilespmem:s25+$0xE720]  }
0x112: {  	v35 =	vld [tilespmem:s25+$0xE730]  }
0x113: {  	v36 =	vld [tilespmem:s25+$0xE7A0];
	s12 =	sadd.s32 $0x300, s30  }
0x114: {  	v37 =	vld [tilespmem:s25+$0xE7B0];
	[tilespmem:s18], [sflag:$0x5] =	stream.indirect.gather [hbm4b:s3+s14], $0x80, s12, s14, $0xb8  }
0x115: {  	_ =	swait.ge [sflag:s17], $0x4000  }
0x116: {  	[sflag:s17] =	ssyncset.done $0x0  }
0x117: {  	s25 =	simm.s32 $0x0;
	[sflag:s17] =	ssyncadd.s32 $0xFFFFC000  }
0x118: {  	v3 =	vld [tilespmem:s25+$0x12780]  }
0x119: {  	v1 =	vadd.f32 v20, v1;
	v20 =	vadd.f32 v21, v5;
	v5 =	vld [tilespmem:s25+$0x12790]  }
0x11a: {  	v21 =	vadd.f32 v22, v7;
	v22 =	vadd.f32 v23, v9;
	v7 =	vld [tilespmem:s25+$0x12700]  }
0x11b: {  	v1 =	vadd.f32 v11, v1;
	v15 =	vadd.f32 v15, v20;
	v9 =	vld [tilespmem:s25+$0x12710]  }
0x11c: {  	v11 =	vld [tilespmem:s25+$0x12680];
	v20 =	vadd.f32 v24, v21;
	v21 =	vadd.f32 v25, v22  }
0x11d: {  	v1 =	vadd.f32 v14, v1;
	v14 =	vld [tilespmem:s25+$0x12690];
	v12 =	vadd.f32 v12, v15  }
0x11e: {  	v15 =	vld [tilespmem:s25+$0x12600];
	v20 =	vadd.f32 v26, v20;
	v21 =	vadd.f32 v27, v21  }
0x11f: {  	v1 =	vadd.f32 v19, v1;
	v19 =	vld [tilespmem:s25+$0x12580];
	v12 =	vadd.f32 v17, v12  }
0x120: {  	v17 =	vld [tilespmem:s25+$0x12610];
	v20 =	vadd.f32 v28, v20;
	v21 =	vadd.f32 v29, v21  }
0x121: {  	v1 =	vadd.f32 v16, v1;
	v16 =	vld [tilespmem:s25+$0x12590];
	v18 =	vadd.f32 v18, v12  }
0x122: {  	v12 =	vld [tilespmem:s25+$0x12500];
	v20 =	vadd.f32 v30, v20;
	v21 =	vadd.f32 v31, v21  }
0x123: {  	v1 =	vadd.f32 v10, v1;
	v10 =	vld [tilespmem:s25+$0x12480];
	v18 =	vadd.f32 v13, v18  }
0x124: {  	v13 =	vld [tilespmem:s25+$0x12510];
	v20 =	vadd.f32 v32, v20;
	v21 =	vadd.f32 v33, v21  }
0x125: {  	v1 =	vadd.f32 v6, v1;
	v6 =	vadd.f32 v8, v18;
	v18 =	vld [tilespmem:s25+$0x12490]  }
0x126: {  	v8 =	vadd.f32 v34, v20;
	v20 =	vld [tilespmem:s25+$0x12400];
	v22 =	vadd.f32 v35, v21  }
0x127: {  	v2 =	vadd.f32 v2, v1;
	v4 =	vadd.f32 v4, v6;
	v21 =	vld [tilespmem:s25+$0x12410]  }
0x128: {  	s12 =	simm.s32 $0x1000;
	v6 =	vadd.f32 v36, v8;
	v8 =	vadd.f32 v37, v22;
	v22 =	vld [tilespmem:s25+$0x12420]  }
.LBB2_9:
0x129: {  	p0 =	sne.s32 s12, $0xF000;
	v1 =	vld [tilespmem:s25+$0x12430]  }
0x12a: {  	v23 =	vld [tilespmem:s25+$0x124A0]  }
0x12b: {  	v24 =	vld [tilespmem:s25+$0x124B0]  }
0x12c: {  	v25 =	vld [tilespmem:s25+$0x12520]  }
0x12d: {  	v2 =	vadd.f32 v20, v2;
	v4 =	vadd.f32 v21, v4;
	v20 =	vld [tilespmem:s25+$0x12530]  }
0x12e: {  	v6 =	vadd.f32 v22, v6;
	v1 =	vadd.f32 v1, v8;
	v8 =	vld [tilespmem:s25+$0x125A0]  }
0x12f: {  	v2 =	vadd.f32 v10, v2;
	v4 =	vadd.f32 v18, v4;
	v10 =	vld [tilespmem:s25+$0x125B0]  }
0x130: {  	v6 =	vadd.f32 v23, v6;
	v1 =	vadd.f32 v24, v1;
	v18 =	vld [tilespmem:s25+$0x12620]  }
0x131: {  	v2 =	vadd.f32 v12, v2;
	v4 =	vadd.f32 v13, v4;
	v12 =	vld [tilespmem:s25+$0x12630]  }
0x132: {  	v6 =	vadd.f32 v25, v6;
	v1 =	vadd.f32 v20, v1;
	v13 =	vld [tilespmem:s25+$0x126A0]  }
0x133: {  	v2 =	vadd.f32 v19, v2;
	v4 =	vadd.f32 v16, v4;
	v16 =	vld [tilespmem:s25+$0x126B0]  }
0x134: {  	v6 =	vadd.f32 v8, v6;
	v1 =	vadd.f32 v10, v1;
	v8 =	vld [tilespmem:s25+$0x12720]  }
0x135: {  	v2 =	vadd.f32 v15, v2;
	v4 =	vadd.f32 v17, v4;
	v10 =	vld [tilespmem:s25+$0x12730]  }
0x136: {  	v6 =	vadd.f32 v18, v6;
	v1 =	vadd.f32 v12, v1;
	v12 =	vld [tilespmem:s25+$0x127A0]  }
0x137: {  	v2 =	vadd.f32 v11, v2;
	v4 =	vadd.f32 v14, v4;
	v14 =	vld [tilespmem:s25+$0x127B0];
	s25 =	sshra.s32 s12, $0x2  }
0x138: {  	v6 =	vadd.f32 v13, v6;
	v15 =	vld [tilespmem:s25+$0x12780];
	v1 =	vadd.f32 v16, v1  }
0x139: {  	v2 =	vadd.f32 v7, v2;
	v4 =	vadd.f32 v9, v4;
	v13 =	vld [tilespmem:s25+$0x12790]  }
0x13a: {  	v6 =	vadd.f32 v8, v6;
	v7 =	vld [tilespmem:s25+$0x12700];
	v1 =	vadd.f32 v10, v1  }
0x13b: {  	v2 =	vadd.f32 v3, v2;
	v4 =	vadd.f32 v5, v4;
	v9 =	vld [tilespmem:s25+$0x12710]  }
0x13c: {  	v6 =	vadd.f32 v12, v6;
	v11 =	vld [tilespmem:s25+$0x12680];
	v8 =	vadd.f32 v14, v1  }
0x13d: {  	v14 =	vld [tilespmem:s25+$0x12690];
	v3 =	vmov v15  }
0x13e: {  	v15 =	vld [tilespmem:s25+$0x12600];
	v5 =	vmov v13  }
0x13f: {  	v17 =	vld [tilespmem:s25+$0x12610]  }
0x140: {  	v19 =	vld [tilespmem:s25+$0x12580]  }
0x141: {  	v16 =	vld [tilespmem:s25+$0x12590]  }
0x142: {  	v12 =	vld [tilespmem:s25+$0x12500]  }
0x143: {  	v13 =	vld [tilespmem:s25+$0x12510]  }
.Ltmp3:
0x144: {  	v10 =	vld [tilespmem:s25+$0x12480];
	(pc) =	sbr.rel @p0 .LBB2_9-.Ltmp3, $4  }
0x145: {  	v18 =	vld [tilespmem:s25+$0x12490]  }
0x146: {  	v20 =	vld [tilespmem:s25+$0x12400]  }
0x147: {  	v21 =	vld [tilespmem:s25+$0x12410]  }
0x148: {  	s12 =	sadd.s32 $0x1000, s12;
	v22 =	vld [tilespmem:s25+$0x12420]  }
0x149: {  	v23 =	vld [tilespmem:s25+$0x12430]  }
0x14a: {  	v24 =	vld [tilespmem:s25+$0x124A0]  }
0x14b: {  	v25 =	vld [tilespmem:s25+$0x124B0]  }
0x14c: {  	v26 =	vld [tilespmem:s25+$0x12520]  }
0x14d: {  	v27 =	vld [tilespmem:s25+$0x12530]  }
0x14e: {  	v28 =	vld [tilespmem:s25+$0x125A0]  }
0x14f: {  	v29 =	vld [tilespmem:s25+$0x125B0]  }
0x150: {  	v30 =	vld [tilespmem:s25+$0x12620]  }
0x151: {  	v31 =	vld [tilespmem:s25+$0x12630]  }
0x152: {  	v32 =	vld [tilespmem:s25+$0x126A0]  }
0x153: {  	v33 =	vld [tilespmem:s25+$0x126B0]  }
0x154: {  	v34 =	vld [tilespmem:s25+$0x12720]  }
0x155: {  	v35 =	vld [tilespmem:s25+$0x12730]  }
0x156: {  	v36 =	vld [tilespmem:s25+$0x127A0];
	s12 =	sadd.s32 $0x380, s30  }
0x157: {  	v37 =	vld [tilespmem:s25+$0x127B0];
	[tilespmem:s20], [sflag:$0x6] =	stream.indirect.gather [hbm4b:s3+s14], $0x80, s12, s14, $0xb8  }
0x158: {  	_ =	swait.ge [sflag:s19], $0x4000  }
0x159: {  	[sflag:s19] =	ssyncset.done $0x0  }
0x15a: {  	s25 =	simm.s32 $0x0;
	[sflag:s19] =	ssyncadd.s32 $0xFFFFC000  }
0x15b: {  	v1 =	vld [tilespmem:s25+$0x16780]  }
0x15c: {  	v20 =	vadd.f32 v20, v2;
	v21 =	vadd.f32 v21, v4;
	v2 =	vld [tilespmem:s25+$0x16790]  }
0x15d: {  	v22 =	vadd.f32 v22, v6;
	v8 =	vadd.f32 v23, v8;
	v4 =	vld [tilespmem:s25+$0x16700]  }
0x15e: {  	v20 =	vadd.f32 v10, v20;
	v18 =	vadd.f32 v18, v21;
	v6 =	vld [tilespmem:s25+$0x16710]  }
0x15f: {  	v10 =	vld [tilespmem:s25+$0x16680];
	v21 =	vadd.f32 v24, v22;
	v8 =	vadd.f32 v25, v8  }
0x160: {  	v20 =	vadd.f32 v12, v20;
	v12 =	vld [tilespmem:s25+$0x16690];
	v18 =	vadd.f32 v13, v18  }
0x161: {  	v13 =	vld [tilespmem:s25+$0x16600];
	v21 =	vadd.f32 v26, v21;
	v8 =	vadd.f32 v27, v8  }
0x162: {  	v19 =	vadd.f32 v19, v20;
	v20 =	vadd.f32 v16, v18;
	v16 =	vld [tilespmem:s25+$0x16610]  }
0x163: {  	v18 =	vld [tilespmem:s25+$0x16580];
	v21 =	vadd.f32 v28, v21;
	v8 =	vadd.f32 v29, v8  }
0x164: {  	v19 =	vadd.f32 v15, v19;
	v15 =	vld [tilespmem:s25+$0x16590];
	v20 =	vadd.f32 v17, v20  }
0x165: {  	v17 =	vld [tilespmem:s25+$0x16500];
	v21 =	vadd.f32 v30, v21;
	v8 =	vadd.f32 v31, v8  }
0x166: {  	v19 =	vadd.f32 v11, v19;
	v11 =	vld [tilespmem:s25+$0x16510];
	v20 =	vadd.f32 v14, v20  }
0x167: {  	v14 =	vld [tilespmem:s25+$0x16480];
	v21 =	vadd.f32 v32, v21;
	v8 =	vadd.f32 v33, v8  }
0x168: {  	v7 =	vadd.f32 v7, v19;
	v19 =	vld [tilespmem:s25+$0x16490];
	v9 =	vadd.f32 v9, v20  }
0x169: {  	v20 =	vld [tilespmem:s25+$0x16400];
	v22 =	vadd.f32 v34, v21;
	v23 =	vadd.f32 v35, v8  }
0x16a: {  	v7 =	vadd.f32 v3, v7;
	v21 =	vld [tilespmem:s25+$0x16410];
	v5 =	vadd.f32 v5, v9  }
0x16b: {  	s12 =	simm.s32 $0x1000;
	v8 =	vadd.f32 v36, v22;
	v22 =	vld [tilespmem:s25+$0x16420];
	v9 =	vadd.f32 v37, v23  }
.LBB2_11:
0x16c: {  	p0 =	sne.s32 s12, $0xF000;
	v3 =	vld [tilespmem:s25+$0x16430]  }
0x16d: {  	v23 =	vld [tilespmem:s25+$0x164A0]  }
0x16e: {  	v24 =	vld [tilespmem:s25+$0x164B0]  }
0x16f: {  	v25 =	vld [tilespmem:s25+$0x16520]  }
0x170: {  	v7 =	vadd.f32 v20, v7;
	v5 =	vadd.f32 v21, v5;
	v20 =	vld [tilespmem:s25+$0x16530]  }
0x171: {  	v8 =	vadd.f32 v22, v8;
	v3 =	vadd.f32 v3, v9;
	v9 =	vld [tilespmem:s25+$0x165A0]  }
0x172: {  	v7 =	vadd.f32 v14, v7;
	v5 =	vadd.f32 v19, v5;
	v14 =	vld [tilespmem:s25+$0x165B0]  }
0x173: {  	v8 =	vadd.f32 v23, v8;
	v3 =	vadd.f32 v24, v3;
	v19 =	vld [tilespmem:s25+$0x16620]  }
0x174: {  	v7 =	vadd.f32 v17, v7;
	v5 =	vadd.f32 v11, v5;
	v11 =	vld [tilespmem:s25+$0x16630]  }
0x175: {  	v8 =	vadd.f32 v25, v8;
	v3 =	vadd.f32 v20, v3;
	v17 =	vld [tilespmem:s25+$0x166A0]  }
0x176: {  	v7 =	vadd.f32 v18, v7;
	v5 =	vadd.f32 v15, v5;
	v15 =	vld [tilespmem:s25+$0x166B0]  }
0x177: {  	v8 =	vadd.f32 v9, v8;
	v3 =	vadd.f32 v14, v3;
	v9 =	vld [tilespmem:s25+$0x16720]  }
0x178: {  	v7 =	vadd.f32 v13, v7;
	v5 =	vadd.f32 v16, v5;
	v13 =	vld [tilespmem:s25+$0x16730]  }
0x179: {  	v8 =	vadd.f32 v19, v8;
	v3 =	vadd.f32 v11, v3;
	v11 =	vld [tilespmem:s25+$0x167A0]  }
0x17a: {  	v7 =	vadd.f32 v10, v7;
	v5 =	vadd.f32 v12, v5;
	v12 =	vld [tilespmem:s25+$0x167B0];
	s25 =	sshra.s32 s12, $0x2  }
0x17b: {  	v8 =	vadd.f32 v17, v8;
	v14 =	vld [tilespmem:s25+$0x16780];
	v3 =	vadd.f32 v15, v3  }
0x17c: {  	v7 =	vadd.f32 v4, v7;
	v5 =	vadd.f32 v6, v5;
	v15 =	vld [tilespmem:s25+$0x16790]  }
0x17d: {  	v8 =	vadd.f32 v9, v8;
	v4 =	vld [tilespmem:s25+$0x16700];
	v3 =	vadd.f32 v13, v3  }
0x17e: {  	v7 =	vadd.f32 v1, v7;
	v5 =	vadd.f32 v2, v5;
	v6 =	vld [tilespmem:s25+$0x16710]  }
0x17f: {  	v8 =	vadd.f32 v11, v8;
	v10 =	vld [tilespmem:s25+$0x16680];
	v9 =	vadd.f32 v12, v3  }
0x180: {  	v12 =	vld [tilespmem:s25+$0x16690];
	v1 =	vmov v14  }
0x181: {  	v13 =	vld [tilespmem:s25+$0x16600];
	v2 =	vmov v15  }
0x182: {  	v16 =	vld [tilespmem:s25+$0x16610]  }
0x183: {  	v18 =	vld [tilespmem:s25+$0x16580]  }
0x184: {  	v15 =	vld [tilespmem:s25+$0x16590]  }
0x185: {  	v17 =	vld [tilespmem:s25+$0x16500]  }
0x186: {  	v11 =	vld [tilespmem:s25+$0x16510]  }
.Ltmp4:
0x187: {  	v14 =	vld [tilespmem:s25+$0x16480];
	(pc) =	sbr.rel @p0 .LBB2_11-.Ltmp4, $4  }
0x188: {  	v19 =	vld [tilespmem:s25+$0x16490]  }
0x189: {  	v20 =	vld [tilespmem:s25+$0x16400]  }
0x18a: {  	v21 =	vld [tilespmem:s25+$0x16410]  }
0x18b: {  	s12 =	sadd.s32 $0x1000, s12;
	v22 =	vld [tilespmem:s25+$0x16420]  }
0x18c: {  	v23 =	vld [tilespmem:s25+$0x16430]  }
0x18d: {  	v24 =	vld [tilespmem:s25+$0x164A0]  }
0x18e: {  	v25 =	vld [tilespmem:s25+$0x164B0]  }
0x18f: {  	v26 =	vld [tilespmem:s25+$0x16520]  }
0x190: {  	v27 =	vld [tilespmem:s25+$0x16530]  }
0x191: {  	v28 =	vld [tilespmem:s25+$0x165A0]  }
0x192: {  	v29 =	vld [tilespmem:s25+$0x165B0]  }
0x193: {  	v30 =	vld [tilespmem:s25+$0x16620]  }
0x194: {  	v31 =	vld [tilespmem:s25+$0x16630]  }
0x195: {  	v32 =	vld [tilespmem:s25+$0x166A0]  }
0x196: {  	v33 =	vld [tilespmem:s25+$0x166B0]  }
0x197: {  	v34 =	vld [tilespmem:s25+$0x16720]  }
0x198: {  	v35 =	vld [tilespmem:s25+$0x16730]  }
0x199: {  	v36 =	vld [tilespmem:s25+$0x167A0];
	p0 =	seq.s32 s29, $0x1F  }
0x19a: {  	v37 =	vld [tilespmem:s25+$0x167B0];
	s12 =	sadd.s32 @!p0 $0x400, s30;
	s25 =	simm.s32 @!p0 $0x80;
	s29 =	simm.s32 @!p0 $0x16400  }
0x19b: {  	[tilespmem:s29], [sflag:$0x7] =	stream.indirect.gather @!p0 [hbm4b:s3+s25], $0x80, s12, s25, $0xb8;
	[tilespmem:$0x1E480] =	vst v63  }
0x19c: {  	_ =	swait.ge [sflag:s24], $0x4000  }
0x19d: {  	[sflag:s24] =	ssyncset.done $0x0  }
0x19e: {  	s29 =	simm.s32 $0x0;
	[sflag:s24] =	ssyncadd.s32 $0xFFFFC000  }
0x19f: {  	v20 =	vadd.f32 v20, v7;
	v3 =	vld [tilespmem:s29+$0x1A780]  }
0x1a0: {  	v21 =	vadd.f32 v21, v5;
	v22 =	vadd.f32 v22, v8;
	v7 =	vld [tilespmem:s29+$0x1A790]  }
0x1a1: {  	v14 =	vadd.f32 v14, v20;
	v9 =	vadd.f32 v23, v9;
	v5 =	vld [tilespmem:s29+$0x1A700]  }
0x1a2: {  	v19 =	vadd.f32 v19, v21;
	v8 =	vld [tilespmem:s29+$0x1A710];
	v20 =	vadd.f32 v24, v22  }
0x1a3: {  	v17 =	vadd.f32 v17, v14;
	v14 =	vld [tilespmem:s29+$0x1A600];
	v21 =	vadd.f32 v25, v9  }
0x1a4: {  	v9 =	vld [tilespmem:s29+$0x1A680];
	v19 =	vadd.f32 v11, v19  }
0x1a5: {  	v11 =	vld [tilespmem:s29+$0x1A690];
	v20 =	vadd.f32 v26, v20;
	v21 =	vadd.f32 v27, v21  }
0x1a6: {  	v18 =	vadd.f32 v18, v17;
	v17 =	vld [tilespmem:s29+$0x1A580];
	v19 =	vadd.f32 v15, v19  }
0x1a7: {  	v15 =	vld [tilespmem:s29+$0x1A610];
	v20 =	vadd.f32 v28, v20;
	v21 =	vadd.f32 v29, v21  }
0x1a8: {  	v18 =	vadd.f32 v13, v18;
	v13 =	vld [tilespmem:s29+$0x1A590];
	v19 =	vadd.f32 v16, v19  }
0x1a9: {  	v16 =	vld [tilespmem:s29+$0x1A500];
	v20 =	vadd.f32 v30, v20;
	v21 =	vadd.f32 v31, v21  }
0x1aa: {  	v18 =	vadd.f32 v10, v18;
	v10 =	vld [tilespmem:s29+$0x1A510];
	v19 =	vadd.f32 v12, v19  }
0x1ab: {  	v12 =	vld [tilespmem:s29+$0x1A480];
	v20 =	vadd.f32 v32, v20;
	v21 =	vadd.f32 v33, v21  }
0x1ac: {  	v4 =	vadd.f32 v4, v18;
	v18 =	vld [tilespmem:s29+$0x1A490];
	v6 =	vadd.f32 v6, v19  }
0x1ad: {  	v19 =	vld [tilespmem:s29+$0x1A400];
	v22 =	vadd.f32 v34, v20;
	v21 =	vadd.f32 v35, v21  }
0x1ae: {  	v1 =	vadd.f32 v1, v4;
	v20 =	vld [tilespmem:s29+$0x1A410];
	v2 =	vadd.f32 v2, v6  }
0x1af: {  	s12 =	simm.s32 $0x1000;
	v4 =	vadd.f32 v36, v22;
	v6 =	vadd.f32 v37, v21;
	v21 =	vld [tilespmem:s29+$0x1A420]  }
.LBB2_13:
0x1b0: {  	p1 =	sne.s32 s12, $0xF000;
	v22 =	vld [tilespmem:s29+$0x1A430]  }
0x1b1: {  	v23 =	vld [tilespmem:s29+$0x1A4A0]  }
0x1b2: {  	v24 =	vld [tilespmem:s29+$0x1A4B0]  }
0x1b3: {  	v25 =	vld [tilespmem:s29+$0x1A520]  }
0x1b4: {  	v1 =	vadd.f32 v19, v1;
	v2 =	vadd.f32 v20, v2;
	v19 =	vld [tilespmem:s29+$0x1A530]  }
0x1b5: {  	v4 =	vadd.f32 v21, v4;
	v6 =	vadd.f32 v22, v6;
	v20 =	vld [tilespmem:s29+$0x1A5A0]  }
0x1b6: {  	v1 =	vadd.f32 v12, v1;
	v2 =	vadd.f32 v18, v2;
	v12 =	vld [tilespmem:s29+$0x1A5B0]  }
0x1b7: {  	v4 =	vadd.f32 v23, v4;
	v6 =	vadd.f32 v24, v6;
	v18 =	vld [tilespmem:s29+$0x1A620]  }
0x1b8: {  	v1 =	vadd.f32 v16, v1;
	v2 =	vadd.f32 v10, v2;
	v10 =	vld [tilespmem:s29+$0x1A630]  }
0x1b9: {  	v4 =	vadd.f32 v25, v4;
	v6 =	vadd.f32 v19, v6;
	v16 =	vld [tilespmem:s29+$0x1A6A0]  }
0x1ba: {  	v1 =	vadd.f32 v17, v1;
	v2 =	vadd.f32 v13, v2;
	v13 =	vld [tilespmem:s29+$0x1A6B0]  }
0x1bb: {  	v4 =	vadd.f32 v20, v4;
	v6 =	vadd.f32 v12, v6;
	v12 =	vld [tilespmem:s29+$0x1A720]  }
0x1bc: {  	v1 =	vadd.f32 v14, v1;
	v2 =	vadd.f32 v15, v2;
	v14 =	vld [tilespmem:s29+$0x1A730]  }
0x1bd: {  	v4 =	vadd.f32 v18, v4;
	v6 =	vadd.f32 v10, v6;
	v10 =	vld [tilespmem:s29+$0x1A7A0]  }
0x1be: {  	v1 =	vadd.f32 v9, v1;
	v2 =	vadd.f32 v11, v2;
	v11 =	vld [tilespmem:s29+$0x1A7B0];
	s29 =	sshra.s32 s12, $0x2  }
0x1bf: {  	v4 =	vadd.f32 v16, v4;
	v15 =	vld [tilespmem:s29+$0x1A780];
	v6 =	vadd.f32 v13, v6  }
0x1c0: {  	v1 =	vadd.f32 v5, v1;
	v2 =	vadd.f32 v8, v2;
	v13 =	vld [tilespmem:s29+$0x1A790]  }
0x1c1: {  	v4 =	vadd.f32 v12, v4;
	v5 =	vld [tilespmem:s29+$0x1A700];
	v6 =	vadd.f32 v14, v6  }
0x1c2: {  	v1 =	vadd.f32 v3, v1;
	v2 =	vadd.f32 v7, v2;
	v8 =	vld [tilespmem:s29+$0x1A710]  }
0x1c3: {  	v4 =	vadd.f32 v10, v4;
	v9 =	vld [tilespmem:s29+$0x1A680];
	v6 =	vadd.f32 v11, v6  }
0x1c4: {  	v11 =	vld [tilespmem:s29+$0x1A690];
	v3 =	vmov v15  }
0x1c5: {  	v14 =	vld [tilespmem:s29+$0x1A600];
	v7 =	vmov v13  }
0x1c6: {  	v15 =	vld [tilespmem:s29+$0x1A610]  }
0x1c7: {  	v17 =	vld [tilespmem:s29+$0x1A580]  }
0x1c8: {  	v13 =	vld [tilespmem:s29+$0x1A590]  }
0x1c9: {  	v16 =	vld [tilespmem:s29+$0x1A500]  }
0x1ca: {  	v10 =	vld [tilespmem:s29+$0x1A510]  }
.Ltmp5:
0x1cb: {  	v12 =	vld [tilespmem:s29+$0x1A480];
	(pc) =	sbr.rel @p1 .LBB2_13-.Ltmp5, $4  }
0x1cc: {  	v18 =	vld [tilespmem:s29+$0x1A490]  }
0x1cd: {  	v19 =	vld [tilespmem:s29+$0x1A400]  }
0x1ce: {  	v20 =	vld [tilespmem:s29+$0x1A410]  }
0x1cf: {  	s12 =	sadd.s32 $0x1000, s12;
	v21 =	vld [tilespmem:s29+$0x1A420]  }
0x1d0: {  	v22 =	vld [tilespmem:s29+$0x1A430]  }
0x1d1: {  	v23 =	vld [tilespmem:s29+$0x1A4A0]  }
0x1d2: {  	v24 =	vld [tilespmem:s29+$0x1A4B0]  }
0x1d3: {  	v25 =	vld [tilespmem:s29+$0x1A520]  }
0x1d4: {  	v53 =	vld [tilespmem:s29+$0x1A530]  }
0x1d5: {  	v54 =	vld [tilespmem:s29+$0x1A5A0]  }
0x1d6: {  	v55 =	vld [tilespmem:s29+$0x1A5B0];
	v1 =	vadd.f32 v19, v1;
	v2 =	vadd.f32 v20, v2  }
0x1d7: {  	v56 =	vld [tilespmem:s29+$0x1A620];
	v4 =	vadd.f32 v21, v4;
	v6 =	vadd.f32 v22, v6  }
0x1d8: {  	v57 =	vld [tilespmem:s29+$0x1A630];
	v1 =	vadd.f32 v12, v1;
	v2 =	vadd.f32 v18, v2  }
0x1d9: {  	v58 =	vld [tilespmem:s29+$0x1A6A0];
	v4 =	vadd.f32 v23, v4;
	v6 =	vadd.f32 v24, v6  }
0x1da: {  	v59 =	vld [tilespmem:s29+$0x1A6B0];
	v1 =	vadd.f32 v16, v1;
	v2 =	vadd.f32 v10, v2  }
0x1db: {  	v60 =	vld [tilespmem:s29+$0x1A720];
	v4 =	vadd.f32 v25, v4;
	v6 =	vadd.f32 v53, v6  }
0x1dc: {  	v61 =	vld [tilespmem:s29+$0x1A730];
	v1 =	vadd.f32 v17, v1;
	v2 =	vadd.f32 v13, v2  }
0x1dd: {  	v62 =	vld [tilespmem:s29+$0x1A7A0];
	s12 =	sadd.s32 @!p0 $0x480, s30;
	v4 =	vadd.f32 v54, v4;
	v6 =	vadd.f32 v55, v6  }
0x1de: {  	v63 =	vld [tilespmem:s29+$0x1A7B0];
	s25 =	simm.s32 @!p0 $0x80;
	s29 =	simm.s32 @!p0 $0x1A400;
	p1 =	sne.s32 @!p0 s31, $0x20;
	v1 =	vadd.f32 v14, v1;
	v2 =	vadd.f32 v15, v2  }
0x1df: {  	[tilespmem:s29], [sflag:$0x8] =	stream.indirect.gather @!p0 [hbm4b:s3+s25], $0x80, s12, s25, $0xb8;
	v4 =	vadd.f32 v56, v4;
	v6 =	vadd.f32 v57, v6;
	[tilespmem:$0x1E480] =	vst v63  }
0x1e0: {  	p0 =	por p0, !p1;
	v1 =	vadd.f32 v9, v1;
	v2 =	vadd.f32 v11, v2  }
.Ltmp6:
0x1e1: {  	v4 =	vadd.f32 v58, v4;
	v6 =	vadd.f32 v59, v6;
	(pc) =	sbr.rel @!p0 .LBB2_2-.Ltmp6, $4  }
0x1e2: {  	v1 =	vadd.f32 v5, v1;
	v2 =	vadd.f32 v8, v2  }
0x1e3: {  	v4 =	vadd.f32 v60, v4;
	v6 =	vadd.f32 v61, v6  }
0x1e4: {  	v5 =	vadd.f32 v3, v1;
	v3 =	vadd.f32 v7, v2  }
0x1e5: {  	s29 =	smov.u32 s31;
	v4 =	vadd.f32 v62, v4;
	v2 =	vadd.f32 v63, v6  }
0x1e6: {  	_ =	swait.ge [sflag:s21], $0x4000  }
0x1e7: {  	[sflag:s21] =	ssyncset.done $0x0  }
0x1e8: {  	s25 =	simm.s32 $0x0;
	[sflag:s21] =	ssyncadd.s32 $0xFFFFC000  }
0x1e9: {  	v6 =	vld [tilespmem:s25+$0x6780]  }
0x1ea: {  	v8 =	vld [tilespmem:s25+$0x6790]  }
0x1eb: {  	v9 =	vld [tilespmem:s25+$0x6700]  }
0x1ec: {  	v11 =	vld [tilespmem:s25+$0x6710]  }
0x1ed: {  	v13 =	vld [tilespmem:s25+$0x6680]  }
0x1ee: {  	v14 =	vld [tilespmem:s25+$0x6690]  }
0x1ef: {  	v17 =	vld [tilespmem:s25+$0x6600]  }
0x1f0: {  	v18 =	vld [tilespmem:s25+$0x6610]  }
0x1f1: {  	v16 =	vld [tilespmem:s25+$0x6580]  }
0x1f2: {  	v19 =	vld [tilespmem:s25+$0x6590]  }
0x1f3: {  	v12 =	vld [tilespmem:s25+$0x6500]  }
0x1f4: {  	v15 =	vld [tilespmem:s25+$0x6510]  }
0x1f5: {  	v7 =	vld [tilespmem:s25+$0x6480]  }
0x1f6: {  	v10 =	vld [tilespmem:s25+$0x6490]  }
0x1f7: {  	v21 =	vld [tilespmem:s25+$0x6400]  }
0x1f8: {  	v22 =	vld [tilespmem:s25+$0x6410]  }
0x1f9: {  	s12 =	simm.s32 $0x1000;
	v20 =	vld [tilespmem:s25+$0x6420]  }
.LBB2_16:
0x1fa: {  	p0 =	sne.s32 s12, $0xF000;
	v1 =	vld [tilespmem:s25+$0x6430]  }
0x1fb: {  	v23 =	vld [tilespmem:s25+$0x64A0]  }
0x1fc: {  	v24 =	vld [tilespmem:s25+$0x64B0]  }
0x1fd: {  	v25 =	vld [tilespmem:s25+$0x6520]  }
0x1fe: {  	v5 =	vadd.f32 v21, v5;
	v3 =	vadd.f32 v22, v3;
	v21 =	vld [tilespmem:s25+$0x6530]  }
0x1ff: {  	v4 =	vadd.f32 v20, v4;
	v1 =	vadd.f32 v1, v2;
	v2 =	vld [tilespmem:s25+$0x65A0]  }
0x200: {  	v5 =	vadd.f32 v7, v5;
	v3 =	vadd.f32 v10, v3;
	v7 =	vld [tilespmem:s25+$0x65B0]  }
0x201: {  	v4 =	vadd.f32 v23, v4;
	v1 =	vadd.f32 v24, v1;
	v10 =	vld [tilespmem:s25+$0x6620]  }
0x202: {  	v5 =	vadd.f32 v12, v5;
	v3 =	vadd.f32 v15, v3;
	v12 =	vld [tilespmem:s25+$0x6630]  }
0x203: {  	v4 =	vadd.f32 v25, v4;
	v1 =	vadd.f32 v21, v1;
	v15 =	vld [tilespmem:s25+$0x66A0]  }
0x204: {  	v5 =	vadd.f32 v16, v5;
	v3 =	vadd.f32 v19, v3;
	v16 =	vld [tilespmem:s25+$0x66B0]  }
0x205: {  	v2 =	vadd.f32 v2, v4;
	v1 =	vadd.f32 v7, v1;
	v4 =	vld [tilespmem:s25+$0x6720]  }
0x206: {  	v5 =	vadd.f32 v17, v5;
	v3 =	vadd.f32 v18, v3;
	v7 =	vld [tilespmem:s25+$0x6730]  }
0x207: {  	v2 =	vadd.f32 v10, v2;
	v1 =	vadd.f32 v12, v1;
	v10 =	vld [tilespmem:s25+$0x67A0]  }
0x208: {  	v5 =	vadd.f32 v13, v5;
	v3 =	vadd.f32 v14, v3;
	v12 =	vld [tilespmem:s25+$0x67B0];
	s25 =	sshra.s32 s12, $0x2  }
0x209: {  	v2 =	vadd.f32 v15, v2;
	v17 =	vld [tilespmem:s25+$0x6780];
	v1 =	vadd.f32 v16, v1  }
0x20a: {  	v5 =	vadd.f32 v9, v5;
	v3 =	vadd.f32 v11, v3;
	v15 =	vld [tilespmem:s25+$0x6790]  }
0x20b: {  	v2 =	vadd.f32 v4, v2;
	v9 =	vld [tilespmem:s25+$0x6700];
	v1 =	vadd.f32 v7, v1  }
0x20c: {  	v5 =	vadd.f32 v6, v5;
	v3 =	vadd.f32 v8, v3;
	v11 =	vld [tilespmem:s25+$0x6710]  }
0x20d: {  	v4 =	vadd.f32 v10, v2;
	v13 =	vld [tilespmem:s25+$0x6680];
	v2 =	vadd.f32 v12, v1  }
0x20e: {  	v14 =	vld [tilespmem:s25+$0x6690];
	v6 =	vmov v17  }
0x20f: {  	v17 =	vld [tilespmem:s25+$0x6600];
	v8 =	vmov v15  }
0x210: {  	v18 =	vld [tilespmem:s25+$0x6610]  }
0x211: {  	v16 =	vld [tilespmem:s25+$0x6580]  }
0x212: {  	v19 =	vld [tilespmem:s25+$0x6590]  }
0x213: {  	v12 =	vld [tilespmem:s25+$0x6500]  }
0x214: {  	v15 =	vld [tilespmem:s25+$0x6510]  }
.Ltmp7:
0x215: {  	v7 =	vld [tilespmem:s25+$0x6480];
	(pc) =	sbr.rel @p0 .LBB2_16-.Ltmp7, $4  }
0x216: {  	v10 =	vld [tilespmem:s25+$0x6490]  }
0x217: {  	v21 =	vld [tilespmem:s25+$0x6400]  }
0x218: {  	v22 =	vld [tilespmem:s25+$0x6410]  }
0x219: {  	s12 =	sadd.s32 $0x1000, s12;
	v20 =	vld [tilespmem:s25+$0x6420]  }
0x21a: {  	v23 =	vld [tilespmem:s25+$0x6430]  }
0x21b: {  	v24 =	vld [tilespmem:s25+$0x64A0]  }
0x21c: {  	v25 =	vld [tilespmem:s25+$0x64B0]  }
0x21d: {  	v26 =	vld [tilespmem:s25+$0x6520]  }
0x21e: {  	v27 =	vld [tilespmem:s25+$0x6530]  }
0x21f: {  	v28 =	vld [tilespmem:s25+$0x65A0]  }
0x220: {  	v29 =	vld [tilespmem:s25+$0x65B0]  }
0x221: {  	v30 =	vld [tilespmem:s25+$0x6620]  }
0x222: {  	v31 =	vld [tilespmem:s25+$0x6630]  }
0x223: {  	v32 =	vld [tilespmem:s25+$0x66A0]  }
0x224: {  	v33 =	vld [tilespmem:s25+$0x66B0]  }
0x225: {  	v34 =	vld [tilespmem:s25+$0x6720]  }
0x226: {  	v35 =	vld [tilespmem:s25+$0x6730]  }
0x227: {  	v36 =	vld [tilespmem:s25+$0x67A0]  }
0x228: {  	v37 =	vld [tilespmem:s25+$0x67B0];
	_ =	swait.ge [sflag:s0], $0x4000  }
0x229: {  	[sflag:s0] =	ssyncset.done $0x0  }
0x22a: {  	s25 =	simm.s32 $0x0;
	[sflag:s0] =	ssyncadd.s32 $0xFFFFC000  }
0x22b: {  	v1 =	vld [tilespmem:s25+$0xA780]  }
0x22c: {  	v21 =	vadd.f32 v21, v5;
	v22 =	vadd.f32 v22, v3;
	v3 =	vld [tilespmem:s25+$0xA790]  }
0x22d: {  	v5 =	vld [tilespmem:s25+$0xA700];
	v4 =	vadd.f32 v20, v4;
	v2 =	vadd.f32 v23, v2  }
0x22e: {  	v20 =	vadd.f32 v7, v21;
	v7 =	vld [tilespmem:s25+$0xA710];
	v21 =	vadd.f32 v10, v22  }
0x22f: {  	v10 =	vld [tilespmem:s25+$0xA680];
	v4 =	vadd.f32 v24, v4;
	v2 =	vadd.f32 v25, v2  }
0x230: {  	v20 =	vadd.f32 v12, v20;
	v12 =	vld [tilespmem:s25+$0xA690];
	v21 =	vadd.f32 v15, v21  }
0x231: {  	v15 =	vld [tilespmem:s25+$0xA600];
	v4 =	vadd.f32 v26, v4;
	v2 =	vadd.f32 v27, v2  }
0x232: {  	v20 =	vadd.f32 v16, v20;
	v16 =	vld [tilespmem:s25+$0xA610];
	v21 =	vadd.f32 v19, v21  }
0x233: {  	v19 =	vld [tilespmem:s25+$0xA580];
	v4 =	vadd.f32 v28, v4;
	v2 =	vadd.f32 v29, v2  }
0x234: {  	v20 =	vadd.f32 v17, v20;
	v17 =	vld [tilespmem:s25+$0xA590];
	v21 =	vadd.f32 v18, v21  }
0x235: {  	v18 =	vld [tilespmem:s25+$0xA500];
	v4 =	vadd.f32 v30, v4;
	v2 =	vadd.f32 v31, v2  }
0x236: {  	v20 =	vadd.f32 v13, v20;
	v13 =	vld [tilespmem:s25+$0xA510];
	v21 =	vadd.f32 v14, v21  }
0x237: {  	v14 =	vld [tilespmem:s25+$0xA480];
	v4 =	vadd.f32 v32, v4;
	v2 =	vadd.f32 v33, v2  }
0x238: {  	v9 =	vadd.f32 v9, v20;
	v20 =	vld [tilespmem:s25+$0xA400];
	v21 =	vadd.f32 v11, v21  }
0x239: {  	v11 =	vld [tilespmem:s25+$0xA490];
	v22 =	vadd.f32 v34, v4;
	v2 =	vadd.f32 v35, v2  }
0x23a: {  	v4 =	vadd.f32 v6, v9;
	v6 =	vadd.f32 v8, v21;
	v21 =	vld [tilespmem:s25+$0xA410]  }
0x23b: {  	s12 =	simm.s32 $0x1000;
	v8 =	vadd.f32 v36, v22;
	v22 =	vld [tilespmem:s25+$0xA420];
	v9 =	vadd.f32 v37, v2  }
.LBB2_18:
0x23c: {  	p0 =	sne.s32 s12, $0xF000;
	v2 =	vld [tilespmem:s25+$0xA430]  }
0x23d: {  	v23 =	vld [tilespmem:s25+$0xA4A0]  }
0x23e: {  	v24 =	vld [tilespmem:s25+$0xA4B0]  }
0x23f: {  	v25 =	vld [tilespmem:s25+$0xA520]  }
0x240: {  	v4 =	vadd.f32 v20, v4;
	v6 =	vadd.f32 v21, v6;
	v20 =	vld [tilespmem:s25+$0xA530]  }
0x241: {  	v8 =	vadd.f32 v22, v8;
	v2 =	vadd.f32 v2, v9;
	v9 =	vld [tilespmem:s25+$0xA5A0]  }
0x242: {  	v4 =	vadd.f32 v14, v4;
	v6 =	vadd.f32 v11, v6;
	v11 =	vld [tilespmem:s25+$0xA5B0]  }
0x243: {  	v8 =	vadd.f32 v23, v8;
	v2 =	vadd.f32 v24, v2;
	v14 =	vld [tilespmem:s25+$0xA620]  }
0x244: {  	v4 =	vadd.f32 v18, v4;
	v6 =	vadd.f32 v13, v6;
	v13 =	vld [tilespmem:s25+$0xA630]  }
0x245: {  	v8 =	vadd.f32 v25, v8;
	v2 =	vadd.f32 v20, v2;
	v18 =	vld [tilespmem:s25+$0xA6A0]  }
0x246: {  	v4 =	vadd.f32 v19, v4;
	v6 =	vadd.f32 v17, v6;
	v17 =	vld [tilespmem:s25+$0xA6B0]  }
0x247: {  	v8 =	vadd.f32 v9, v8;
	v2 =	vadd.f32 v11, v2;
	v9 =	vld [tilespmem:s25+$0xA720]  }
0x248: {  	v4 =	vadd.f32 v15, v4;
	v6 =	vadd.f32 v16, v6;
	v11 =	vld [tilespmem:s25+$0xA730]  }
0x249: {  	v8 =	vadd.f32 v14, v8;
	v2 =	vadd.f32 v13, v2;
	v13 =	vld [tilespmem:s25+$0xA7A0]  }
0x24a: {  	v4 =	vadd.f32 v10, v4;
	v6 =	vadd.f32 v12, v6;
	v12 =	vld [tilespmem:s25+$0xA7B0];
	s25 =	sshra.s32 s12, $0x2  }
0x24b: {  	v8 =	vadd.f32 v18, v8;
	v14 =	vld [tilespmem:s25+$0xA780];
	v2 =	vadd.f32 v17, v2  }
0x24c: {  	v4 =	vadd.f32 v5, v4;
	v6 =	vadd.f32 v7, v6;
	v16 =	vld [tilespmem:s25+$0xA790]  }
0x24d: {  	v8 =	vadd.f32 v9, v8;
	v5 =	vld [tilespmem:s25+$0xA700];
	v2 =	vadd.f32 v11, v2  }
0x24e: {  	v4 =	vadd.f32 v1, v4;
	v6 =	vadd.f32 v3, v6;
	v7 =	vld [tilespmem:s25+$0xA710]  }
0x24f: {  	v8 =	vadd.f32 v13, v8;
	v10 =	vld [tilespmem:s25+$0xA680];
	v9 =	vadd.f32 v12, v2  }
0x250: {  	v12 =	vld [tilespmem:s25+$0xA690];
	v1 =	vmov v14  }
0x251: {  	v15 =	vld [tilespmem:s25+$0xA600];
	v3 =	vmov v16  }
0x252: {  	v16 =	vld [tilespmem:s25+$0xA610]  }
0x253: {  	v19 =	vld [tilespmem:s25+$0xA580]  }
0x254: {  	v17 =	vld [tilespmem:s25+$0xA590]  }
0x255: {  	v18 =	vld [tilespmem:s25+$0xA500]  }
0x256: {  	v13 =	vld [tilespmem:s25+$0xA510]  }
.Ltmp8:
0x257: {  	v14 =	vld [tilespmem:s25+$0xA480];
	(pc) =	sbr.rel @p0 .LBB2_18-.Ltmp8, $4  }
0x258: {  	v11 =	vld [tilespmem:s25+$0xA490]  }
0x259: {  	v20 =	vld [tilespmem:s25+$0xA400]  }
0x25a: {  	v21 =	vld [tilespmem:s25+$0xA410]  }
0x25b: {  	s12 =	sadd.s32 $0x1000, s12;
	v22 =	vld [tilespmem:s25+$0xA420]  }
0x25c: {  	v23 =	vld [tilespmem:s25+$0xA430]  }
0x25d: {  	v24 =	vld [tilespmem:s25+$0xA4A0]  }
0x25e: {  	v25 =	vld [tilespmem:s25+$0xA4B0]  }
0x25f: {  	v26 =	vld [tilespmem:s25+$0xA520]  }
0x260: {  	v27 =	vld [tilespmem:s25+$0xA530]  }
0x261: {  	v28 =	vld [tilespmem:s25+$0xA5A0]  }
0x262: {  	v29 =	vld [tilespmem:s25+$0xA5B0]  }
0x263: {  	v30 =	vld [tilespmem:s25+$0xA620]  }
0x264: {  	v31 =	vld [tilespmem:s25+$0xA630]  }
0x265: {  	v32 =	vld [tilespmem:s25+$0xA6A0]  }
0x266: {  	v33 =	vld [tilespmem:s25+$0xA6B0]  }
0x267: {  	v34 =	vld [tilespmem:s25+$0xA720]  }
0x268: {  	v35 =	vld [tilespmem:s25+$0xA730]  }
0x269: {  	v36 =	vld [tilespmem:s25+$0xA7A0]  }
0x26a: {  	v37 =	vld [tilespmem:s25+$0xA7B0];
	_ =	swait.ge [sflag:s1], $0x4000  }
0x26b: {  	[sflag:s1] =	ssyncset.done $0x0  }
0x26c: {  	s25 =	simm.s32 $0x0;
	[sflag:s1] =	ssyncadd.s32 $0xFFFFC000  }
0x26d: {  	v2 =	vld [tilespmem:s25+$0xE780]  }
0x26e: {  	v20 =	vadd.f32 v20, v4;
	v21 =	vadd.f32 v21, v6;
	v4 =	vld [tilespmem:s25+$0xE790]  }
0x26f: {  	v6 =	vld [tilespmem:s25+$0xE700];
	v22 =	vadd.f32 v22, v8;
	v9 =	vadd.f32 v23, v9  }
0x270: {  	v14 =	vadd.f32 v14, v20;
	v8 =	vld [tilespmem:s25+$0xE710];
	v11 =	vadd.f32 v11, v21  }
0x271: {  	v20 =	vadd.f32 v24, v22;
	v21 =	vadd.f32 v25, v9;
	v9 =	vld [tilespmem:s25+$0xE680]  }
0x272: {  	v14 =	vadd.f32 v18, v14;
	v18 =	vadd.f32 v13, v11;
	v11 =	vld [tilespmem:s25+$0xE690]  }
0x273: {  	v13 =	vld [tilespmem:s25+$0xE600];
	v20 =	vadd.f32 v26, v20;
	v21 =	vadd.f32 v27, v21  }
0x274: {  	v19 =	vadd.f32 v19, v14;
	v14 =	vld [tilespmem:s25+$0xE610];
	v18 =	vadd.f32 v17, v18  }
0x275: {  	v17 =	vld [tilespmem:s25+$0xE580];
	v20 =	vadd.f32 v28, v20;
	v21 =	vadd.f32 v29, v21  }
0x276: {  	v19 =	vadd.f32 v15, v19;
	v15 =	vld [tilespmem:s25+$0xE500];
	v18 =	vadd.f32 v16, v18  }
0x277: {  	v16 =	vld [tilespmem:s25+$0xE590];
	v20 =	vadd.f32 v30, v20;
	v21 =	vadd.f32 v31, v21  }
0x278: {  	v10 =	vadd.f32 v10, v19;
	v19 =	vadd.f32 v12, v18;
	v12 =	vld [tilespmem:s25+$0xE510]  }
0x279: {  	v18 =	vld [tilespmem:s25+$0xE480];
	v20 =	vadd.f32 v32, v20;
	v21 =	vadd.f32 v33, v21  }
0x27a: {  	v5 =	vadd.f32 v5, v10;
	v7 =	vadd.f32 v7, v19;
	v19 =	vld [tilespmem:s25+$0xE490]  }
0x27b: {  	v10 =	vadd.f32 v34, v20;
	v20 =	vld [tilespmem:s25+$0xE400];
	v22 =	vadd.f32 v35, v21  }
0x27c: {  	v5 =	vadd.f32 v1, v5;
	v3 =	vadd.f32 v3, v7;
	v21 =	vld [tilespmem:s25+$0xE410]  }
0x27d: {  	s12 =	simm.s32 $0x1000;
	v7 =	vadd.f32 v36, v10;
	v10 =	vadd.f32 v37, v22;
	v22 =	vld [tilespmem:s25+$0xE420]  }
.LBB2_20:
0x27e: {  	p0 =	sne.s32 s12, $0xF000;
	v1 =	vld [tilespmem:s25+$0xE430]  }
0x27f: {  	v23 =	vld [tilespmem:s25+$0xE4A0]  }
0x280: {  	v24 =	vld [tilespmem:s25+$0xE4B0]  }
0x281: {  	v25 =	vld [tilespmem:s25+$0xE520]  }
0x282: {  	v5 =	vadd.f32 v20, v5;
	v3 =	vadd.f32 v21, v3;
	v20 =	vld [tilespmem:s25+$0xE530]  }
0x283: {  	v7 =	vadd.f32 v22, v7;
	v1 =	vadd.f32 v1, v10;
	v10 =	vld [tilespmem:s25+$0xE5A0]  }
0x284: {  	v5 =	vadd.f32 v18, v5;
	v3 =	vadd.f32 v19, v3;
	v18 =	vld [tilespmem:s25+$0xE5B0]  }
0x285: {  	v7 =	vadd.f32 v23, v7;
	v1 =	vadd.f32 v24, v1;
	v19 =	vld [tilespmem:s25+$0xE620]  }
0x286: {  	v5 =	vadd.f32 v15, v5;
	v3 =	vadd.f32 v12, v3;
	v12 =	vld [tilespmem:s25+$0xE630]  }
0x287: {  	v7 =	vadd.f32 v25, v7;
	v1 =	vadd.f32 v20, v1;
	v15 =	vld [tilespmem:s25+$0xE6A0]  }
0x288: {  	v5 =	vadd.f32 v17, v5;
	v3 =	vadd.f32 v16, v3;
	v16 =	vld [tilespmem:s25+$0xE6B0]  }
0x289: {  	v7 =	vadd.f32 v10, v7;
	v1 =	vadd.f32 v18, v1;
	v10 =	vld [tilespmem:s25+$0xE720]  }
0x28a: {  	v5 =	vadd.f32 v13, v5;
	v3 =	vadd.f32 v14, v3;
	v13 =	vld [tilespmem:s25+$0xE730]  }
0x28b: {  	v7 =	vadd.f32 v19, v7;
	v1 =	vadd.f32 v12, v1;
	v12 =	vld [tilespmem:s25+$0xE7A0]  }
0x28c: {  	v5 =	vadd.f32 v9, v5;
	v3 =	vadd.f32 v11, v3;
	v11 =	vld [tilespmem:s25+$0xE7B0];
	s25 =	sshra.s32 s12, $0x2  }
0x28d: {  	v7 =	vadd.f32 v15, v7;
	v14 =	vld [tilespmem:s25+$0xE780];
	v1 =	vadd.f32 v16, v1  }
0x28e: {  	v5 =	vadd.f32 v6, v5;
	v3 =	vadd.f32 v8, v3;
	v15 =	vld [tilespmem:s25+$0xE790]  }
0x28f: {  	v7 =	vadd.f32 v10, v7;
	v6 =	vld [tilespmem:s25+$0xE700];
	v1 =	vadd.f32 v13, v1  }
0x290: {  	v5 =	vadd.f32 v2, v5;
	v3 =	vadd.f32 v4, v3;
	v8 =	vld [tilespmem:s25+$0xE710]  }
0x291: {  	v7 =	vadd.f32 v12, v7;
	v9 =	vld [tilespmem:s25+$0xE680];
	v10 =	vadd.f32 v11, v1  }
0x292: {  	v11 =	vld [tilespmem:s25+$0xE690];
	v2 =	vmov v14  }
0x293: {  	v13 =	vld [tilespmem:s25+$0xE600];
	v4 =	vmov v15  }
0x294: {  	v14 =	vld [tilespmem:s25+$0xE610]  }
0x295: {  	v17 =	vld [tilespmem:s25+$0xE580]  }
0x296: {  	v16 =	vld [tilespmem:s25+$0xE590]  }
0x297: {  	v15 =	vld [tilespmem:s25+$0xE500]  }
0x298: {  	v12 =	vld [tilespmem:s25+$0xE510]  }
.Ltmp9:
0x299: {  	v18 =	vld [tilespmem:s25+$0xE480];
	(pc) =	sbr.rel @p0 .LBB2_20-.Ltmp9, $4  }
0x29a: {  	v19 =	vld [tilespmem:s25+$0xE490]  }
0x29b: {  	v20 =	vld [tilespmem:s25+$0xE400]  }
0x29c: {  	v21 =	vld [tilespmem:s25+$0xE410]  }
0x29d: {  	s12 =	sadd.s32 $0x1000, s12;
	v22 =	vld [tilespmem:s25+$0xE420]  }
0x29e: {  	v23 =	vld [tilespmem:s25+$0xE430]  }
0x29f: {  	v24 =	vld [tilespmem:s25+$0xE4A0]  }
0x2a0: {  	v25 =	vld [tilespmem:s25+$0xE4B0]  }
0x2a1: {  	v26 =	vld [tilespmem:s25+$0xE520]  }
0x2a2: {  	v27 =	vld [tilespmem:s25+$0xE530]  }
0x2a3: {  	v28 =	vld [tilespmem:s25+$0xE5A0]  }
0x2a4: {  	v29 =	vld [tilespmem:s25+$0xE5B0]  }
0x2a5: {  	v30 =	vld [tilespmem:s25+$0xE620]  }
0x2a6: {  	v31 =	vld [tilespmem:s25+$0xE630]  }
0x2a7: {  	v32 =	vld [tilespmem:s25+$0xE6A0]  }
0x2a8: {  	v33 =	vld [tilespmem:s25+$0xE6B0]  }
0x2a9: {  	v34 =	vld [tilespmem:s25+$0xE720]  }
0x2aa: {  	v35 =	vld [tilespmem:s25+$0xE730]  }
0x2ab: {  	v36 =	vld [tilespmem:s25+$0xE7A0]  }
0x2ac: {  	v37 =	vld [tilespmem:s25+$0xE7B0];
	_ =	swait.ge [sflag:s17], $0x4000  }
0x2ad: {  	[sflag:s17] =	ssyncset.done $0x0  }
0x2ae: {  	s29 =	simm.s32 $0x0;
	[sflag:s17] =	ssyncadd.s32 $0xFFFFC000  }
0x2af: {  	v20 =	vadd.f32 v20, v5;
	v1 =	vld [tilespmem:s29+$0x12780]  }
0x2b0: {  	v21 =	vadd.f32 v21, v3;
	v3 =	vld [tilespmem:s29+$0x12790];
	v22 =	vadd.f32 v22, v7  }
0x2b1: {  	v5 =	vld [tilespmem:s29+$0x12700];
	v18 =	vadd.f32 v18, v20;
	v10 =	vadd.f32 v23, v10  }
0x2b2: {  	v7 =	vld [tilespmem:s29+$0x12710];
	v19 =	vadd.f32 v19, v21;
	v20 =	vadd.f32 v24, v22  }
0x2b3: {  	v18 =	vadd.f32 v15, v18;
	v15 =	vld [tilespmem:s29+$0x12600];
	v21 =	vadd.f32 v25, v10  }
0x2b4: {  	v10 =	vld [tilespmem:s29+$0x12680];
	v19 =	vadd.f32 v12, v19  }
0x2b5: {  	v12 =	vld [tilespmem:s29+$0x12690];
	v20 =	vadd.f32 v26, v20;
	v21 =	vadd.f32 v27, v21  }
0x2b6: {  	v18 =	vadd.f32 v17, v18;
	v17 =	vld [tilespmem:s29+$0x12580];
	v19 =	vadd.f32 v16, v19  }
0x2b7: {  	v16 =	vld [tilespmem:s29+$0x12610];
	v20 =	vadd.f32 v28, v20;
	v21 =	vadd.f32 v29, v21  }
0x2b8: {  	v18 =	vadd.f32 v13, v18;
	v13 =	vld [tilespmem:s29+$0x12590];
	v19 =	vadd.f32 v14, v19  }
0x2b9: {  	v14 =	vld [tilespmem:s29+$0x12500];
	v20 =	vadd.f32 v30, v20;
	v21 =	vadd.f32 v31, v21  }
0x2ba: {  	v18 =	vadd.f32 v9, v18;
	v9 =	vld [tilespmem:s29+$0x12510];
	v19 =	vadd.f32 v11, v19  }
0x2bb: {  	v11 =	vld [tilespmem:s29+$0x12480];
	v20 =	vadd.f32 v32, v20;
	v21 =	vadd.f32 v33, v21  }
0x2bc: {  	v6 =	vadd.f32 v6, v18;
	v18 =	vld [tilespmem:s29+$0x12490];
	v22 =	vadd.f32 v8, v19  }
0x2bd: {  	v19 =	vld [tilespmem:s29+$0x12400];
	v20 =	vadd.f32 v34, v20;
	v23 =	vadd.f32 v35, v21  }
0x2be: {  	v8 =	vadd.f32 v2, v6;
	v6 =	vadd.f32 v4, v22;
	v21 =	vld [tilespmem:s29+$0x12410]  }
0x2bf: {  	s12 =	simm.s32 $0x1000;
	v4 =	vadd.f32 v36, v20;
	v20 =	vld [tilespmem:s29+$0x12420];
	v2 =	vadd.f32 v37, v23  }
.LBB2_22:
0x2c0: {  	p0 =	sne.s32 s12, $0xF000;
	v22 =	vld [tilespmem:s29+$0x12430]  }
0x2c1: {  	v23 =	vld [tilespmem:s29+$0x124A0]  }
0x2c2: {  	v24 =	vld [tilespmem:s29+$0x124B0]  }
0x2c3: {  	v25 =	vld [tilespmem:s29+$0x12520]  }
0x2c4: {  	v8 =	vadd.f32 v19, v8;
	v6 =	vadd.f32 v21, v6;
	v19 =	vld [tilespmem:s29+$0x12530]  }
0x2c5: {  	v4 =	vadd.f32 v20, v4;
	v2 =	vadd.f32 v22, v2;
	v20 =	vld [tilespmem:s29+$0x125A0]  }
0x2c6: {  	v8 =	vadd.f32 v11, v8;
	v6 =	vadd.f32 v18, v6;
	v11 =	vld [tilespmem:s29+$0x125B0]  }
0x2c7: {  	v4 =	vadd.f32 v23, v4;
	v2 =	vadd.f32 v24, v2;
	v18 =	vld [tilespmem:s29+$0x12620]  }
0x2c8: {  	v8 =	vadd.f32 v14, v8;
	v6 =	vadd.f32 v9, v6;
	v9 =	vld [tilespmem:s29+$0x12630]  }
0x2c9: {  	v4 =	vadd.f32 v25, v4;
	v2 =	vadd.f32 v19, v2;
	v14 =	vld [tilespmem:s29+$0x126A0]  }
0x2ca: {  	v8 =	vadd.f32 v17, v8;
	v6 =	vadd.f32 v13, v6;
	v13 =	vld [tilespmem:s29+$0x126B0]  }
0x2cb: {  	v4 =	vadd.f32 v20, v4;
	v2 =	vadd.f32 v11, v2;
	v11 =	vld [tilespmem:s29+$0x12720]  }
0x2cc: {  	v8 =	vadd.f32 v15, v8;
	v6 =	vadd.f32 v16, v6;
	v15 =	vld [tilespmem:s29+$0x12730]  }
0x2cd: {  	v4 =	vadd.f32 v18, v4;
	v2 =	vadd.f32 v9, v2;
	v9 =	vld [tilespmem:s29+$0x127A0]  }
0x2ce: {  	v8 =	vadd.f32 v10, v8;
	v6 =	vadd.f32 v12, v6;
	v12 =	vld [tilespmem:s29+$0x127B0];
	s29 =	sshra.s32 s12, $0x2  }
0x2cf: {  	v4 =	vadd.f32 v14, v4;
	v16 =	vld [tilespmem:s29+$0x12780];
	v2 =	vadd.f32 v13, v2  }
0x2d0: {  	v8 =	vadd.f32 v5, v8;
	v6 =	vadd.f32 v7, v6;
	v13 =	vld [tilespmem:s29+$0x12790]  }
0x2d1: {  	v4 =	vadd.f32 v11, v4;
	v5 =	vld [tilespmem:s29+$0x12700];
	v2 =	vadd.f32 v15, v2  }
0x2d2: {  	v8 =	vadd.f32 v1, v8;
	v6 =	vadd.f32 v3, v6;
	v7 =	vld [tilespmem:s29+$0x12710]  }
0x2d3: {  	v4 =	vadd.f32 v9, v4;
	v10 =	vld [tilespmem:s29+$0x12680];
	v2 =	vadd.f32 v12, v2  }
0x2d4: {  	v12 =	vld [tilespmem:s29+$0x12690];
	v1 =	vmov v16  }
0x2d5: {  	v15 =	vld [tilespmem:s29+$0x12600];
	v3 =	vmov v13  }
0x2d6: {  	v16 =	vld [tilespmem:s29+$0x12610]  }
0x2d7: {  	v17 =	vld [tilespmem:s29+$0x12580]  }
0x2d8: {  	v13 =	vld [tilespmem:s29+$0x12590]  }
0x2d9: {  	v14 =	vld [tilespmem:s29+$0x12500]  }
0x2da: {  	v9 =	vld [tilespmem:s29+$0x12510]  }
.Ltmp10:
0x2db: {  	v11 =	vld [tilespmem:s29+$0x12480];
	(pc) =	sbr.rel @p0 .LBB2_22-.Ltmp10, $4  }
0x2dc: {  	v18 =	vld [tilespmem:s29+$0x12490]  }
0x2dd: {  	v19 =	vld [tilespmem:s29+$0x12400]  }
0x2de: {  	v21 =	vld [tilespmem:s29+$0x12410]  }
0x2df: {  	s12 =	sadd.s32 $0x1000, s12;
	v20 =	vld [tilespmem:s29+$0x12420]  }
0x2e0: {  	_ = 	snop  }
0x2e1: {  	v22 =	vld [tilespmem:s29+$0x12430]  }
0x2e2: {  	v23 =	vld [tilespmem:s29+$0x124A0];
	v8 =	vadd.f32 v19, v8  }
0x2e3: {  	v52 =	vld [tilespmem:s29+$0x124B0];
	v6 =	vadd.f32 v21, v6  }
0x2e4: {  	v24 =	vld [tilespmem:s29+$0x12520];
	v8 =	vadd.f32 v11, v8  }
0x2e5: {  	v53 =	vld [tilespmem:s29+$0x12530];
	v4 =	vadd.f32 v20, v4;
	v6 =	vadd.f32 v18, v6  }
0x2e6: {  	v54 =	vld [tilespmem:s29+$0x125A0];
	v2 =	vadd.f32 v22, v2;
	v8 =	vadd.f32 v14, v8  }
0x2e7: {  	v55 =	vld [tilespmem:s29+$0x125B0];
	v4 =	vadd.f32 v23, v4;
	v6 =	vadd.f32 v9, v6  }
0x2e8: {  	v56 =	vld [tilespmem:s29+$0x12620];
	v2 =	vadd.f32 v52, v2;
	v8 =	vadd.f32 v17, v8  }
0x2e9: {  	v57 =	vld [tilespmem:s29+$0x12630];
	v4 =	vadd.f32 v24, v4;
	v6 =	vadd.f32 v13, v6  }
0x2ea: {  	v58 =	vld [tilespmem:s29+$0x126A0];
	v2 =	vadd.f32 v53, v2;
	v8 =	vadd.f32 v15, v8  }
0x2eb: {  	v59 =	vld [tilespmem:s29+$0x126B0];
	v4 =	vadd.f32 v54, v4;
	v6 =	vadd.f32 v16, v6  }
0x2ec: {  	v60 =	vld [tilespmem:s29+$0x12720];
	v2 =	vadd.f32 v55, v2;
	v8 =	vadd.f32 v10, v8  }
0x2ed: {  	v61 =	vld [tilespmem:s29+$0x12730];
	v4 =	vadd.f32 v56, v4;
	v6 =	vadd.f32 v12, v6  }
0x2ee: {  	v62 =	vld [tilespmem:s29+$0x127A0];
	v2 =	vadd.f32 v57, v2;
	v5 =	vadd.f32 v5, v8  }
0x2ef: {  	v63 =	vld [tilespmem:s29+$0x127B0];
	[tilespmem:$0x1E440] =	vst v0;
	v4 =	vadd.f32 v58, v4;
	v6 =	vadd.f32 v7, v6  }
0x2f0: {  	[tilespmem:$0x1E450] =	vst v0;
	v2 =	vadd.f32 v59, v2;
	v1 =	vadd.f32 v1, v5  }
0x2f1: {  	[tilespmem:$0x1E460] =	vst v0;
	v4 =	vadd.f32 v60, v4  }
0x2f2: {  	v3 =	vadd.f32 v3, v6;
	[tilespmem:$0x1E400] =	vst v1;
	v1 =	vadd.f32 v61, v2  }
0x2f3: {  	[tilespmem:$0x1E470] =	vst v0;
	v2 =	vadd.f32 v62, v4  }
0x2f4: {  	s28 =	sadd.s32 $0x1, s28;
	[tilespmem:$0x1E410] =	vst v3;
	v1 =	vadd.f32 v63, v1  }
0x2f5: {  	p0 =	sne.s32 s28, s11;
	[tilespmem:$0x1E420] =	vst v2  }
.Ltmp11:
0x2f6: {  	s12 =	simm.s32 $0x1E400;
	[tilespmem:$0x1E430] =	vst v1;
	(pc) =	sbr.rel @p0 .LBB2_1-.Ltmp11, $4  }
0x2f7: {  	[hbm4b:s10+s2] =	stream.linear.scatter [tilespmem:s12], [sflag:$0xA], $0x80, $0x38;
	[tilespmem:$0x1E480] =	vst v63  }
0x2f8: {  	_ =	swait.ge [sflag:s26], $0x80  }
0x2f9: {  	[sflag:s26] =	ssyncset.done $0x0  }
0x2fa: {  	[sflag:s26] =	ssyncadd.s32 $0xFFFFFF80  }
0x2fb: {  	_ =	sfence.sel $0x180000  }
0x2fc: {  	[bflag:$0x0] =	sbarrier.arrive $0xFFFF  }
0x2fd: {  	_ =	strace $0x90000047  }
0x2fe: {  	s0 =	stileid.u32;
	[bflag:$0x2] =	sbarrier.arrive $0xFFFF  }
0x2ff: {  	p0 =	sne.s32 s0, $0x0;
	s0 =	rddreg [dreg:$0x3]  }
0x300: {  	s0 =	sadd.s32 @!p0 $0x100000, s0  }
0x301: {  	[sflag:s0] =	ssyncadd.tile.s32 @!p0 $0x1;
	_ =	shalt  }
.Lfunc_end2:
_tile_overlayer_lowered:
.L_overlay_start_2:
0x302: {  	(tag) =	ssettag $0x2  }
0x303: {  	s0 =	rddreg [dreg:$0x0];
	s2 =	stileid.u32  }
0x304: {  	s1 =	rddreg [dreg:$0x1];
	p0 =	sne.s32 s2, $0x0  }
0x305: {  	s3 =	rddreg [dreg:$0x2];
	[bflag:$0x3] =	sbarrier.arrive $0xFFFF;
	s2 =	simm.s32 @!p0 $0x1C0A  }
0x306: {  	[timem:s3], [sflag:s2] =	dma.local @!p0 [hbm:s0], s1  }
0x307: {  	s0 =	simm.s32 @!p0 $0xA  }
0x308: {  	_ =	swait.ge @!p0 [sflag:s0], s1  }
0x309: {  	s1 =	ssub.s32 @!p0 $0x0, s1;
	[sflag:s0] =	ssyncset.done @!p0 $0x0  }
0x30a: {  	[sflag:s0] =	ssyncadd.s32 @!p0 s1  }
0x30b: {  	[bflag:$0x3] =	sbarrier.arrive $0xFFFF  }
0x30c: {  	_ =	shalt  }

</sc_bundles>
